<compile_context>
chip_gen: v7x
topology: tpu7x:2x2x1
jax: 0.10.2.dev20260603
libtpu: 0.0.44.dev20260713+nightly
codegen_flags: <defaults>
</compile_context>

<pallas_src>
import functools

import jax
import jax.numpy as jnp
from jax import lax
from jax.experimental import pallas as pl
from jax.experimental.pallas import tpu as pltpu
from jax.experimental.pallas import tpu_sc as plsc

N = 10000
E = 320000
D = 128
HB = 64
NC, NS = 2, 16
NW = NC * NS
CHUNK = 128
NCHUNKS = 2560
BASE_CH = NCHUNKS // NW
E_PAD = NCHUNKS * CHUNK
NP = 10240
RPS = NP // NS

_mesh = plsc.VectorSubcoreMesh(
    core_axis_name="c", subcore_axis_name="s", num_cores=NC, num_subcores=NS)


NBUF = 2
HALF = BASE_CH // 2
GR_H = HALF // NBUF


def _sc_agg_body(with_cnt, *refs):
    if with_cnt:
        (x_hbm, src_hbm, dst_hbm, zrow_hbm, ones_hbm,
         agg_hbm, cnt_hbm, acc_sh, sids_v, dids_v, rows_v, gsem, ssem) = refs
    else:
        (x_hbm, src_hbm, dst_hbm, zrow_hbm,
         agg_hbm, acc_sh, sids_v, dids_v, rows_v, gsem, ssem) = refs

    cid = lax.axis_index("c")
    sid = lax.axis_index("s")
    wid = sid * NC + cid
    row0 = sid * RPS
    c0 = wid * BASE_CH

    pltpu.sync_copy(zrow_hbm, acc_sh.at[pl.ds(row0, RPS), :])
    plsc.subcore_barrier()

    def fire_gather(b, c):
        return pltpu.async_copy(x_hbm.at[sids_v.at[c]], rows_v.at[b],
                                gsem.at[b])

    def fire_scatter(b, c):
        pltpu.async_copy(rows_v.at[b], acc_sh.at[dids_v.at[c]],
                         ssem.at[b], add=True)

    def wait_scatter(b):
        pltpu.make_async_copy(x_hbm.at[pl.ds(0, CHUNK), :], rows_v.at[b],
                              ssem.at[b]).wait()

    for h in range(2):
        pltpu.sync_copy(src_hbm.at[pl.ds(c0 + h * HALF, HALF), :], sids_v)
        pltpu.sync_copy(dst_hbm.at[pl.ds(c0 + h * HALF, HALF), :], dids_v)

        @pl.loop(0, GR_H)
        def _(g):
            descs = []
            for b in range(NBUF):
                @pl.when(g > 0)
                def _():
                    wait_scatter(b)
                descs.append(fire_gather(b, g * NBUF + b))
            for b in range(NBUF):
                descs[b].wait()
                fire_scatter(b, g * NBUF + b)

        for b in range(NBUF):
            wait_scatter(b)

    plsc.subcore_barrier()
    pltpu.sync_copy(acc_sh.at[pl.ds(row0, RPS), :],
                    agg_hbm.at[cid, pl.ds(row0, RPS), :])

    if not with_cnt:
        return

    pltpu.sync_copy(zrow_hbm, acc_sh.at[pl.ds(row0, RPS), :])
    pltpu.sync_copy(ones_hbm, rows_v.at[0])
    plsc.subcore_barrier()

    def fire_cnt(b, c):
        pltpu.async_copy(rows_v.at[0], acc_sh.at[dids_v.at[c]],
                         ssem.at[b], add=True)

    for h in range(2):
        pltpu.sync_copy(dst_hbm.at[pl.ds(c0 + h * HALF, HALF), :], dids_v)

        @pl.loop(0, GR_H)
        def _(g):
            for b in range(NBUF):
                @pl.when(g > 0)
                def _():
                    wait_scatter(b)
                fire_cnt(b, g * NBUF + b)

        for b in range(NBUF):
            wait_scatter(b)

    plsc.subcore_barrier()
    pltpu.sync_copy(acc_sh.at[pl.ds(row0, RPS), :],
                    cnt_hbm.at[cid, pl.ds(row0, RPS), :])


def _sc_agg(x, src2d, dst2d, with_cnt):
    zrow = jnp.zeros((RPS, D), jnp.float32)
    scratch = [pltpu.VMEM_SHARED((NP, D), jnp.float32),
               pltpu.VMEM((HALF, CHUNK), jnp.int32),
               pltpu.VMEM((HALF, CHUNK), jnp.int32),
               pltpu.VMEM((NBUF, CHUNK, D), jnp.float32),
               pltpu.SemaphoreType.DMA((NBUF,)),
               pltpu.SemaphoreType.DMA((NBUF,))]
    if with_cnt:
        out_type = [jax.ShapeDtypeStruct((NC, NP, D), jnp.float32),
                    jax.ShapeDtypeStruct((NC, NP, D), jnp.float32)]
        ones = jnp.ones((CHUNK, D), jnp.float32)
        k = pl.kernel(functools.partial(_sc_agg_body, True),
                      out_type=out_type, mesh=_mesh, scratch_types=scratch)
        return k(x, src2d, dst2d, zrow, ones)
    out_type = [jax.ShapeDtypeStruct((NC, NP, D), jnp.float32)]
    k = pl.kernel(functools.partial(_sc_agg_body, False),
                  out_type=out_type, mesh=_mesh, scratch_types=scratch)
    return k(x, src2d, dst2d, zrow)[0]


def _tc_pre(x, W):
    def body(x_ref, w_ref, o_ref):
        o_ref[...] = jnp.dot(x_ref[...], w_ref[...],
                             preferred_element_type=jnp.float32)
    return pl.pallas_call(
        body, out_shape=jax.ShapeDtypeStruct((N, D), jnp.float32))(x, W)


def _tc_post(agg, cnt, hr, Wl, brow):
    def body(a_ref, c_ref, hr_ref, w_ref, b_ref, o_ref):
        s = a_ref[0, 0:N, :] + a_ref[1, 0:N, :]
        c = c_ref[0, 0:N, 0:1] + c_ref[1, 0:N, 0:1]
        mean = s * (1.0 / jnp.maximum(c, 1.0))
        o_ref[...] = (jnp.dot(mean, w_ref[...],
                              preferred_element_type=jnp.float32)
                      + b_ref[...] + hr_ref[...])
    return pl.pallas_call(
        body, out_shape=jax.ShapeDtypeStruct((N, D), jnp.float32))(
            agg, cnt, hr, Wl, brow)


def _tc_vn_in2(agg, cnt, hr, Wl, brow, hbcol, hbrow, ve,
               Wm0a, bm0a, Wm0b, bm0b, Wm1a, bm1a, Wm1b, bm1b):
    def body(a_ref, c_ref, hr_ref, w_ref, b_ref, hc_ref, hr2_ref, ve_ref,
             w0a, b0a, w0b, b0b, w1a, b1a, w1b, b1b, o_ref):
        s = a_ref[0, 0:N, :] + a_ref[1, 0:N, :]
        c = c_ref[0, 0:N, 0:1] + c_ref[1, 0:N, 0:1]
        mean = s * (1.0 / jnp.maximum(c, 1.0))
        out1 = (jnp.dot(mean, w_ref[...], preferred_element_type=jnp.float32)
                + b_ref[...] + hr_ref[...])
        ohT = (lax.broadcasted_iota(jnp.int32, (HB, N), 0)
               == hr2_ref[...]).astype(jnp.float32)
        pool = jnp.dot(ohT, out1, preferred_element_type=jnp.float32)
        vn = pool + 2.0 * ve_ref[...]
        vn = jnp.maximum(jnp.dot(vn, w0a[...],
                                 preferred_element_type=jnp.float32)
                         + b0a[...], 0.0)
        vn = jnp.maximum(jnp.dot(vn, w0b[...],
                                 preferred_element_type=jnp.float32)
                         + b0b[...], 0.0)
        vn = jnp.maximum(jnp.dot(vn, w1a[...],
                                 preferred_element_type=jnp.float32)
                         + b1a[...], 0.0)
        vn = jnp.maximum(jnp.dot(vn, w1b[...],
                                 preferred_element_type=jnp.float32)
                         + b1b[...], 0.0)
        oh = (lax.broadcasted_iota(jnp.int32, (N, HB), 1)
              == hc_ref[...]).astype(jnp.float32)
        o_ref[...] = out1 + jnp.dot(oh, vn,
                                    preferred_element_type=jnp.float32)
    args = (agg, cnt, hr, Wl, brow, hbcol, hbrow, ve,
            Wm0a, bm0a[None, :], Wm0b, bm0b[None, :],
            Wm1a, bm1a[None, :], Wm1b, bm1b[None, :])
    return pl.pallas_call(
        body, out_shape=jax.ShapeDtypeStruct((N, D), jnp.float32))(*args)


def kernel(x, edge_index, h_blocks, h_levels, h_num, vn_emb,
           Wl0, bl0, Wr0, Wl1, bl1, Wr1, Wl2, bl2, Wr2,
           Wm0a, bm0a, Wm0b, bm0b, Wm1a, bm1a, Wm1b, bm1b):
    npad = E_PAD - E
    pad_src = (jnp.arange(npad, dtype=jnp.int32) * 37) % N
    pad_dst = N + (jnp.arange(npad, dtype=jnp.int32) % (NP - N))
    src2d = jnp.concatenate([edge_index[0], pad_src]).reshape(NCHUNKS, CHUNK)
    dst2d = jnp.concatenate([edge_index[1], pad_dst]).reshape(NCHUNKS, CHUNK)
    hbcol = h_blocks.reshape(N, 1)
    hbrow = h_blocks.reshape(1, N)

    agg0, cnt = _sc_agg(x, src2d, dst2d, with_cnt=True)
    hr0 = _tc_pre(x, Wr0)
    in1 = _tc_post(agg0, cnt, hr0, Wl0, (bl0 + vn_emb[0])[None, :])

    agg1 = _sc_agg(in1, src2d, dst2d, with_cnt=False)
    hr1 = _tc_pre(in1, Wr1)
    in2 = _tc_vn_in2(agg1, cnt, hr1, Wl1, bl1[None, :], hbcol, hbrow, vn_emb,
                     Wm0a, bm0a, Wm0b, bm0b, Wm1a, bm1a, Wm1b, bm1b)

    agg2 = _sc_agg(in2, src2d, dst2d, with_cnt=False)
    hr2 = _tc_pre(in2, Wr2)
    out2 = _tc_post(agg2, cnt, hr2, Wl2, bl2[None, :])
    return out2

# --- scband reference (transcript-rebuilt; emitter-appended) ---
"""Pipeline reference for scband-gnn-vn-hierarchical-58385785422525 (READ-ONLY COPY).

The authoritative reference and input builder live on the scoring server;
editing this copy changes nothing except your own understanding.
"""

import jax, jax.numpy as jnp
import numpy as np

N = 10000
E = 320000
D = 128
H = 128
HNUM = 64


def _init_linear(key, fan_in, fan_out):
    k1, k2 = jax.random.split(key)
    s = 1.0 / np.sqrt(fan_in)
    W = jax.random.uniform(k1, (fan_in, fan_out), minval=-s, maxval=s, dtype=jnp.float32)
    b = jax.random.uniform(k2, (fan_out,), minval=-s, maxval=s, dtype=jnp.float32)
    return W, b


def setup_inputs(seed: int = 0):
    key = jax.random.key(seed)
    ks = jax.random.split(key, 16)
    inp = {}
    inp["x"] = jax.random.normal(ks[0], (N, D), dtype=jnp.float32)
    inp["edge_index"] = jax.random.randint(ks[1], (2, E), 0, N, dtype=jnp.int32)
    inp["h_blocks"] = jnp.sort(jax.random.randint(ks[2], (N,), 0, HNUM, dtype=jnp.int32))
    inp["h_levels"] = jax.random.randint(ks[3], (HNUM,), 0, 4, dtype=jnp.int32)
    inp["h_num"] = HNUM
    # virtualnode embedding is constant-initialized to 0 in the torch module
    inp["vn_emb"] = jnp.zeros((1, H), dtype=jnp.float32)
    # SAGEConv params: out = mean_neighbors(x) @ Wl + bl + x @ Wr
    inp["Wl0"], inp["bl0"] = _init_linear(ks[4], D, H)
    inp["Wr0"], _ = _init_linear(ks[5], D, H)
    inp["Wl1"], inp["bl1"] = _init_linear(ks[6], H, H)
    inp["Wr1"], _ = _init_linear(ks[7], H, H)
    inp["Wl2"], inp["bl2"] = _init_linear(ks[8], H, H)
    inp["Wr2"], _ = _init_linear(ks[9], H, H)
    # two virtual-node MLPs, each Linear->ReLU->Linear->ReLU
    inp["Wm0a"], inp["bm0a"] = _init_linear(ks[10], H, H)
    inp["Wm0b"], inp["bm0b"] = _init_linear(ks[11], H, H)
    inp["Wm1a"], inp["bm1a"] = _init_linear(ks[12], H, H)
    inp["Wm1b"], inp["bm1b"] = _init_linear(ks[13], H, H)
    return inp


def _sage(x, edge_index, Wl, bl, Wr, n_nodes):
    src = edge_index[0]
    dst = edge_index[1]
    msg = x[src]
    agg = jax.ops.segment_sum(msg, dst, num_segments=n_nodes)
    cnt = jax.ops.segment_sum(jnp.ones((src.shape[0], 1), dtype=x.dtype), dst, num_segments=n_nodes)
    mean = agg / jnp.maximum(cnt, 1.0)
    return mean @ Wl + bl + x @ Wr


def _mlp(v, Wa, ba, Wb, bb):
    h = jax.nn.relu(v @ Wa + ba)
    return jax.nn.relu(h @ Wb + bb)


def reference(x, edge_index, h_blocks, h_levels, h_num, vn_emb,
              Wl0, bl0, Wr0, Wl1, bl1, Wr1, Wl2, bl2, Wr2,
              Wm0a, bm0a, Wm0b, bm0b, Wm1a, bm1a, Wm1b, bm1b):
    n_nodes = x.shape[0]
    h_num_static = h_levels.shape[0]
    out = _sage(x, edge_index, Wl0, bl0, Wr0, n_nodes)
    vn_direct = vn_emb[jnp.zeros((h_num_static,), dtype=jnp.int32) * h_num]
    vn_root = vn_emb[jnp.zeros((1,), dtype=jnp.int32)]
    for (Wl, bl, Wr) in [(Wl1, bl1, Wr1), (Wl2, bl2, Wr2)]:
        out = out + vn_direct[h_blocks]
        out = _sage(out, edge_index, Wl, bl, Wr, n_nodes)
        vn_direct = jax.ops.segment_sum(out, h_blocks, num_segments=h_num_static) + vn_direct
        vn_direct = vn_direct + vn_root
        vn_root = jnp.sum(vn_direct, axis=0, keepdims=True) + vn_root
        for (Wa, ba, Wb, bb) in [(Wm0a, bm0a, Wm0b, bm0b), (Wm1a, bm1a, Wm1b, bm1b)]:
            vn_direct = _mlp(vn_direct, Wa, ba, Wb, bb)
            vn_root = _mlp(vn_root, Wa, ba, Wb, bb)
    return out

if __name__ == "__main__":
    import jax
    _d = setup_inputs()
    print(jax.jit(kernel)(*tuple(_d.values())))

</pallas_src>

<mosaic_0001>
#map = affine_map<(d0, d1) -> (0, 0)>
#map1 = affine_map<(d0, d1) -> (0, 0, 0)>
module attributes {stable_mosaic.version = 14 : i64} {
  func.func @_sc_agg_body(%arg0: i32, %arg1: i32, %arg2: memref<10000x128xf32, #tpu.memory_space<hbm>>, %arg3: memref<2560x128xi32, #tpu.memory_space<hbm>>, %arg4: memref<2560x128xi32, #tpu.memory_space<hbm>>, %arg5: memref<640x128xf32, #tpu.memory_space<hbm>>, %arg6: memref<128x128xf32, #tpu.memory_space<hbm>>, %arg7: memref<2x10240x128xf32, #tpu.memory_space<hbm>>, %arg8: memref<2x10240x128xf32, #tpu.memory_space<hbm>>, %arg9: memref<10240x128xf32, #tpu.memory_space<vmem_shared>>, %arg10: memref<40x128xi32, #tpu.memory_space<vmem>>, %arg11: memref<40x128xi32, #tpu.memory_space<vmem>>, %arg12: memref<2x128x128xf32, #tpu.memory_space<vmem>>, %arg13: memref<2x!tpu.dma_semaphore, #tpu.memory_space<semaphore_mem>>, %arg14: memref<2x!tpu.dma_semaphore, #tpu.memory_space<semaphore_mem>>) attributes {dimension_semantics = [#tpu.dimension_semantics<core_parallel>, #tpu.dimension_semantics<subcore_parallel>], iteration_bounds = array<i64: 2, 16>, scalar_prefetch = 0 : i64, scratch_operands = 6 : i64, tpu.core_type = #tpu.core_type<sc_vector_subcore>, window_params = [{transform_indices = #map}, {transform_indices = #map}, {transform_indices = #map}, {transform_indices = #map}, {transform_indices = #map}, {transform_indices = #map1}, {transform_indices = #map1}]} {
    %mul3A = arith.constant 2 : i32
    %mul3A_0 = arith.muli %arg1, %mul3A : i32
    %add3A = arith.addi %mul3A_0, %arg0 : i32
    %mul3A_1 = arith.constant 640 : i32
    %mul3A_2 = arith.muli %arg1, %mul3A_1 : i32
    %mul3A_3 = arith.constant 80 : i32
    %mul3A_4 = arith.muli %add3A, %mul3A_3 : i32
    "tpu.region"() ({
      %run_scoped3A_182 = tpu.sem_alloc : memref<!tpu.dma_semaphore, #tpu.memory_space<semaphore_mem>>
      %dma_start3A = arith.constant 0 : i32
      %dma_start3A_183 = tpu.memref_slice %arg9[%mul3A_2, %dma_start3A] : memref<10240x128xf32, #tpu.memory_space<vmem_shared>> -> memref<640x128xf32, #tpu.memory_space<vmem_shared>>
      tpu.enqueue_dma source(%arg5 : memref<640x128xf32, #tpu.memory_space<hbm>>) target(%dma_start3A_183 : memref<640x128xf32, #tpu.memory_space<vmem_shared>>) target_semaphore(%run_scoped3A_182 : memref<!tpu.dma_semaphore, #tpu.memory_space<semaphore_mem>>)
      %dma_wait3A_184 = arith.constant 0 : i32
      %dma_wait3A_185 = tpu.memref_slice %arg9[%mul3A_2, %dma_wait3A_184] : memref<10240x128xf32, #tpu.memory_space<vmem_shared>> -> memref<640x128xf32, #tpu.memory_space<vmem_shared>>
      tpu.wait_dma2 semaphore(%run_scoped3A_182 : memref<!tpu.dma_semaphore, #tpu.memory_space<semaphore_mem>>) src(%arg5 : memref<640x128xf32, #tpu.memory_space<hbm>>) dst(%dma_wait3A_185 : memref<640x128xf32, #tpu.memory_space<vmem_shared>>)
      tpu.yield
    }) : () -> ()
    %barrier3A = arith.constant 0 : index
    tpu.barrier barrier_id(%barrier3A)
    %add3A_5 = arith.constant 0 : i32
    %add3A_6 = arith.addi %mul3A_4, %add3A_5 : i32
    "tpu.region"() ({
      %run_scoped3A_182 = tpu.sem_alloc : memref<!tpu.dma_semaphore, #tpu.memory_space<semaphore_mem>>
      %dma_start3A = arith.constant 0 : i32
      %dma_start3A_183 = tpu.memref_slice %arg3[%add3A_6, %dma_start3A] : memref<2560x128xi32, #tpu.memory_space<hbm>> -> memref<40x128xi32, #tpu.memory_space<hbm>>
      %dma_start3A_184 = arith.constant 0 : i32
      %dma_start3A_185 = tpu.memref_slice %arg3[%add3A_6, %dma_start3A_184] : memref<2560x128xi32, #tpu.memory_space<hbm>> -> memref<40x128xi32, #tpu.memory_space<hbm>>
      tpu.enqueue_dma source(%dma_start3A_185 : memref<40x128xi32, #tpu.memory_space<hbm>>) target(%arg10 : memref<40x128xi32, #tpu.memory_space<vmem>>) target_semaphore(%run_scoped3A_182 : memref<!tpu.dma_semaphore, #tpu.memory_space<semaphore_mem>>)
      %dma_wait3A_186 = arith.constant 0 : i32
      %dma_wait3A_187 = tpu.memref_slice %arg3[%add3A_6, %dma_wait3A_186] : memref<2560x128xi32, #tpu.memory_space<hbm>> -> memref<40x128xi32, #tpu.memory_space<hbm>>
      %dma_wait3A_188 = arith.constant 0 : i32
      %dma_wait3A_189 = tpu.memref_slice %arg3[%add3A_6, %dma_wait3A_188] : memref<2560x128xi32, #tpu.memory_space<hbm>> -> memref<40x128xi32, #tpu.memory_space<hbm>>
      tpu.wait_dma2 semaphore(%run_scoped3A_182 : memref<!tpu.dma_semaphore, #tpu.memory_space<semaphore_mem>>) src(%dma_wait3A_189 : memref<40x128xi32, #tpu.memory_space<hbm>>) dst(%arg10 : memref<40x128xi32, #tpu.memory_space<vmem>>)
      tpu.yield
    }) : () -> ()
    %add3A_7 = arith.constant 0 : i32
    %add3A_8 = arith.addi %mul3A_4, %add3A_7 : i32
    "tpu.region"() ({
      %run_scoped3A_182 = tpu.sem_alloc : memref<!tpu.dma_semaphore, #tpu.memory_space<semaphore_mem>>
      %dma_start3A = arith.constant 0 : i32
      %dma_start3A_183 = tpu.memref_slice %arg4[%add3A_8, %dma_start3A] : memref<2560x128xi32, #tpu.memory_space<hbm>> -> memref<40x128xi32, #tpu.memory_space<hbm>>
      %dma_start3A_184 = arith.constant 0 : i32
      %dma_start3A_185 = tpu.memref_slice %arg4[%add3A_8, %dma_start3A_184] : memref<2560x128xi32, #tpu.memory_space<hbm>> -> memref<40x128xi32, #tpu.memory_space<hbm>>
      tpu.enqueue_dma source(%dma_start3A_185 : memref<40x128xi32, #tpu.memory_space<hbm>>) target(%arg11 : memref<40x128xi32, #tpu.memory_space<vmem>>) target_semaphore(%run_scoped3A_182 : memref<!tpu.dma_semaphore, #tpu.memory_space<semaphore_mem>>)
      %dma_wait3A_186 = arith.constant 0 : i32
      %dma_wait3A_187 = tpu.memref_slice %arg4[%add3A_8, %dma_wait3A_186] : memref<2560x128xi32, #tpu.memory_space<hbm>> -> memref<40x128xi32, #tpu.memory_space<hbm>>
      %dma_wait3A_188 = arith.constant 0 : i32
      %dma_wait3A_189 = tpu.memref_slice %arg4[%add3A_8, %dma_wait3A_188] : memref<2560x128xi32, #tpu.memory_space<hbm>> -> memref<40x128xi32, #tpu.memory_space<hbm>>
      tpu.wait_dma2 semaphore(%run_scoped3A_182 : memref<!tpu.dma_semaphore, #tpu.memory_space<semaphore_mem>>) src(%dma_wait3A_189 : memref<40x128xi32, #tpu.memory_space<hbm>>) dst(%arg11 : memref<40x128xi32, #tpu.memory_space<vmem>>)
      tpu.yield
    }) : () -> ()
    %scan3A = arith.constant 0 : i32
    %scan3A_9 = arith.constant 20 : i32
    %scan3A_10 = arith.addi %scan3A, %scan3A_9 : i32
    %scan3A_11 = arith.constant 1 : i32
    scf.for %scan3A_182 = %scan3A to %scan3A_10 step %scan3A_11  : i32 {
      %mul3A_183 = arith.constant 1 : i32
      %mul3A_184 = arith.muli %scan3A_182, %mul3A_183 : i32
      %add3A_185 = arith.constant 0 : i32
      %add3A_186 = arith.addi %add3A_185, %mul3A_184 : i32
      %gt3A = arith.constant 0 : i32
      %gt3A_187 = arith.cmpi sgt, %add3A_186, %gt3A : i32
      %convert_element_type3A = arith.extui %gt3A_187 : i1 to i32
      %cond3A = arith.constant 0 : i32
      %cond3A_188 = arith.cmpi ne, %convert_element_type3A, %cond3A : i32
      scf.if %cond3A_188 {
        %dma_wait3A_293 = arith.constant 0 : i32
        %dma_wait3A_294 = arith.constant 0 : i32
        %dma_wait3A_295 = arith.constant 0 : i32
        %dma_wait3A_296 = arith.constant 0 : i32
        %dma_wait3A_297 = tpu.memref_slice %arg12[%dma_wait3A_293, %dma_wait3A_295, %dma_wait3A_296] : memref<2x128x128xf32, #tpu.memory_space<vmem>> -> memref<1x128x128xf32, #tpu.memory_space<vmem>>
        %dma_wait3A_298 = tpu.memref_squeeze %dma_wait3A_297 : memref<1x128x128xf32, #tpu.memory_space<vmem>> -> memref<128x128xf32, #tpu.memory_space<vmem>>
        %dma_wait3A_299 = arith.constant 0 : i32
        %dma_wait3A_300 = arith.constant 0 : i32
        %dma_wait3A_301 = tpu.memref_slice %arg2[%dma_wait3A_299, %dma_wait3A_300] : memref<10000x128xf32, #tpu.memory_space<hbm>> -> memref<128x128xf32, #tpu.memory_space<hbm>>
        %dma_wait3A_302 = tpu.memref_slice %arg14[%dma_wait3A_294] : memref<2x!tpu.dma_semaphore, #tpu.memory_space<semaphore_mem>> -> memref<1x!tpu.dma_semaphore, #tpu.memory_space<semaphore_mem>>
        %dma_wait3A_303 = tpu.memref_squeeze %dma_wait3A_302 : memref<1x!tpu.dma_semaphore, #tpu.memory_space<semaphore_mem>> -> memref<!tpu.dma_semaphore, #tpu.memory_space<semaphore_mem>>
        %dma_wait3A_304 = arith.constant 0 : i32
        %dma_wait3A_305 = arith.constant 0 : i32
        %dma_wait3A_306 = tpu.memref_slice %arg12[%dma_wait3A_293, %dma_wait3A_304, %dma_wait3A_305] : memref<2x128x128xf32, #tpu.memory_space<vmem>> -> memref<1x128x128xf32, #tpu.memory_space<vmem>>
        %dma_wait3A_307 = tpu.memref_squeeze %dma_wait3A_306 : memref<1x128x128xf32, #tpu.memory_space<vmem>> -> memref<128x128xf32, #tpu.memory_space<vmem>>
        %dma_wait3A_308 = arith.constant 0 : i32
        %dma_wait3A_309 = arith.constant 0 : i32
        %dma_wait3A_310 = tpu.memref_slice %arg2[%dma_wait3A_308, %dma_wait3A_309] : memref<10000x128xf32, #tpu.memory_space<hbm>> -> memref<128x128xf32, #tpu.memory_space<hbm>>
        tpu.wait_dma2 semaphore(%dma_wait3A_303 : memref<!tpu.dma_semaphore, #tpu.memory_space<semaphore_mem>>) src(%dma_wait3A_310 : memref<128x128xf32, #tpu.memory_space<hbm>>) dst(%dma_wait3A_307 : memref<128x128xf32, #tpu.memory_space<vmem>>)
      } else {
      }
      %mul3A_189 = arith.constant 2 : i32
      %mul3A_190 = arith.muli %add3A_186, %mul3A_189 : i32
      %add3A_191 = arith.constant 0 : i32
      %add3A_192 = arith.addi %mul3A_190, %add3A_191 : i32
      %dma_start3A = arith.constant 0 : i32
      %dma_start3A_193 = arith.constant 0 : i32
      %dma_start3A_194 = arith.constant 0 : i32
      %dma_start3A_195 = arith.constant 0 : i32
      %dma_start3A_196 = tpu.memref_slice %arg12[%dma_start3A, %dma_start3A_194, %dma_start3A_195] : memref<2x128x128xf32, #tpu.memory_space<vmem>> -> memref<1x128x128xf32, #tpu.memory_space<vmem>>
      %dma_start3A_197 = tpu.memref_squeeze %dma_start3A_196 : memref<1x128x128xf32, #tpu.memory_space<vmem>> -> memref<128x128xf32, #tpu.memory_space<vmem>>
      %dma_start3A_198 = arith.constant 0 : i32
      %dma_start3A_199 = tpu.memref_slice %arg10[%add3A_192, %dma_start3A_198] : memref<40x128xi32, #tpu.memory_space<vmem>> -> memref<1x128xi32, #tpu.memory_space<vmem>>
      %dma_start3A_200 = tpu.memref_squeeze %dma_start3A_199 : memref<1x128xi32, #tpu.memory_space<vmem>> -> memref<128xi32, #tpu.memory_space<vmem>>
      %dma_start3A_201 = arith.constant 0 : i32
      %dma_start3A_202 = arith.constant 0 : i32
      %dma_start3A_203 = tpu.memref_slice %arg2[%dma_start3A_201, %dma_start3A_202] : memref<10000x128xf32, #tpu.memory_space<hbm>> -> memref<10000x128xf32, #tpu.memory_space<hbm>>
      %dma_start3A_204 = tpu.memref_slice %arg13[%dma_start3A_193] : memref<2x!tpu.dma_semaphore, #tpu.memory_space<semaphore_mem>> -> memref<1x!tpu.dma_semaphore, #tpu.memory_space<semaphore_mem>>
      %dma_start3A_205 = tpu.memref_squeeze %dma_start3A_204 : memref<1x!tpu.dma_semaphore, #tpu.memory_space<semaphore_mem>> -> memref<!tpu.dma_semaphore, #tpu.memory_space<semaphore_mem>>
      tpu.enqueue_indirect_dma source(%dma_start3A_203 : memref<10000x128xf32, #tpu.memory_space<hbm>>) target(%dma_start3A_197 : memref<128x128xf32, #tpu.memory_space<vmem>>) offsets(%dma_start3A_200 : memref<128xi32, #tpu.memory_space<vmem>>) semaphore(%dma_start3A_205 : memref<!tpu.dma_semaphore, #tpu.memory_space<semaphore_mem>>)
      %gt3A_206 = arith.constant 0 : i32
      %gt3A_207 = arith.cmpi sgt, %add3A_186, %gt3A_206 : i32
      %convert_element_type3A_208 = arith.extui %gt3A_207 : i1 to i32
      %cond3A_209 = arith.constant 0 : i32
      %cond3A_210 = arith.cmpi ne, %convert_element_type3A_208, %cond3A_209 : i32
      scf.if %cond3A_210 {
        %dma_wait3A_293 = arith.constant 1 : i32
        %dma_wait3A_294 = arith.constant 1 : i32
        %dma_wait3A_295 = arith.constant 0 : i32
        %dma_wait3A_296 = arith.constant 0 : i32
        %dma_wait3A_297 = tpu.memref_slice %arg12[%dma_wait3A_293, %dma_wait3A_295, %dma_wait3A_296] : memref<2x128x128xf32, #tpu.memory_space<vmem>> -> memref<1x128x128xf32, #tpu.memory_space<vmem>>
        %dma_wait3A_298 = tpu.memref_squeeze %dma_wait3A_297 : memref<1x128x128xf32, #tpu.memory_space<vmem>> -> memref<128x128xf32, #tpu.memory_space<vmem>>
        %dma_wait3A_299 = arith.constant 0 : i32
        %dma_wait3A_300 = arith.constant 0 : i32
        %dma_wait3A_301 = tpu.memref_slice %arg2[%dma_wait3A_299, %dma_wait3A_300] : memref<10000x128xf32, #tpu.memory_space<hbm>> -> memref<128x128xf32, #tpu.memory_space<hbm>>
        %dma_wait3A_302 = tpu.memref_slice %arg14[%dma_wait3A_294] : memref<2x!tpu.dma_semaphore, #tpu.memory_space<semaphore_mem>> -> memref<1x!tpu.dma_semaphore, #tpu.memory_space<semaphore_mem>>
        %dma_wait3A_303 = tpu.memref_squeeze %dma_wait3A_302 : memref<1x!tpu.dma_semaphore, #tpu.memory_space<semaphore_mem>> -> memref<!tpu.dma_semaphore, #tpu.memory_space<semaphore_mem>>
        %dma_wait3A_304 = arith.constant 0 : i32
        %dma_wait3A_305 = arith.constant 0 : i32
        %dma_wait3A_306 = tpu.memref_slice %arg12[%dma_wait3A_293, %dma_wait3A_304, %dma_wait3A_305] : memref<2x128x128xf32, #tpu.memory_space<vmem>> -> memref<1x128x128xf32, #tpu.memory_space<vmem>>
        %dma_wait3A_307 = tpu.memref_squeeze %dma_wait3A_306 : memref<1x128x128xf32, #tpu.memory_space<vmem>> -> memref<128x128xf32, #tpu.memory_space<vmem>>
        %dma_wait3A_308 = arith.constant 0 : i32
        %dma_wait3A_309 = arith.constant 0 : i32
        %dma_wait3A_310 = tpu.memref_slice %arg2[%dma_wait3A_308, %dma_wait3A_309] : memref<10000x128xf32, #tpu.memory_space<hbm>> -> memref<128x128xf32, #tpu.memory_space<hbm>>
        tpu.wait_dma2 semaphore(%dma_wait3A_303 : memref<!tpu.dma_semaphore, #tpu.memory_space<semaphore_mem>>) src(%dma_wait3A_310 : memref<128x128xf32, #tpu.memory_space<hbm>>) dst(%dma_wait3A_307 : memref<128x128xf32, #tpu.memory_space<vmem>>)
      } else {
      }
      %mul3A_211 = arith.constant 2 : i32
      %mul3A_212 = arith.muli %add3A_186, %mul3A_211 : i32
      %add3A_213 = arith.constant 1 : i32
      %add3A_214 = arith.addi %mul3A_212, %add3A_213 : i32
      %dma_start3A_215 = arith.constant 1 : i32
      %dma_start3A_216 = arith.constant 1 : i32
      %dma_start3A_217 = arith.constant 0 : i32
      %dma_start3A_218 = arith.constant 0 : i32
      %dma_start3A_219 = tpu.memref_slice %arg12[%dma_start3A_215, %dma_start3A_217, %dma_start3A_218] : memref<2x128x128xf32, #tpu.memory_space<vmem>> -> memref<1x128x128xf32, #tpu.memory_space<vmem>>
      %dma_start3A_220 = tpu.memref_squeeze %dma_start3A_219 : memref<1x128x128xf32, #tpu.memory_space<vmem>> -> memref<128x128xf32, #tpu.memory_space<vmem>>
      %dma_start3A_221 = arith.constant 0 : i32
      %dma_start3A_222 = tpu.memref_slice %arg10[%add3A_214, %dma_start3A_221] : memref<40x128xi32, #tpu.memory_space<vmem>> -> memref<1x128xi32, #tpu.memory_space<vmem>>
      %dma_start3A_223 = tpu.memref_squeeze %dma_start3A_222 : memref<1x128xi32, #tpu.memory_space<vmem>> -> memref<128xi32, #tpu.memory_space<vmem>>
      %dma_start3A_224 = arith.constant 0 : i32
      %dma_start3A_225 = arith.constant 0 : i32
      %dma_start3A_226 = tpu.memref_slice %arg2[%dma_start3A_224, %dma_start3A_225] : memref<10000x128xf32, #tpu.memory_space<hbm>> -> memref<10000x128xf32, #tpu.memory_space<hbm>>
      %dma_start3A_227 = tpu.memref_slice %arg13[%dma_start3A_216] : memref<2x!tpu.dma_semaphore, #tpu.memory_space<semaphore_mem>> -> memref<1x!tpu.dma_semaphore, #tpu.memory_space<semaphore_mem>>
      %dma_start3A_228 = tpu.memref_squeeze %dma_start3A_227 : memref<1x!tpu.dma_semaphore, #tpu.memory_space<semaphore_mem>> -> memref<!tpu.dma_semaphore, #tpu.memory_space<semaphore_mem>>
      tpu.enqueue_indirect_dma source(%dma_start3A_226 : memref<10000x128xf32, #tpu.memory_space<hbm>>) target(%dma_start3A_220 : memref<128x128xf32, #tpu.memory_space<vmem>>) offsets(%dma_start3A_223 : memref<128xi32, #tpu.memory_space<vmem>>) semaphore(%dma_start3A_228 : memref<!tpu.dma_semaphore, #tpu.memory_space<semaphore_mem>>)
      %dma_wait3A_229 = arith.constant 0 : i32
      %dma_wait3A_230 = arith.constant 0 : i32
      %dma_wait3A_231 = arith.constant 0 : i32
      %dma_wait3A_232 = arith.constant 0 : i32
      %dma_wait3A_233 = tpu.memref_slice %arg12[%dma_wait3A_229, %dma_wait3A_231, %dma_wait3A_232] : memref<2x128x128xf32, #tpu.memory_space<vmem>> -> memref<1x128x128xf32, #tpu.memory_space<vmem>>
      %dma_wait3A_234 = tpu.memref_squeeze %dma_wait3A_233 : memref<1x128x128xf32, #tpu.memory_space<vmem>> -> memref<128x128xf32, #tpu.memory_space<vmem>>
      %dma_wait3A_235 = arith.constant 0 : i32
      %dma_wait3A_236 = tpu.memref_slice %arg10[%add3A_192, %dma_wait3A_235] : memref<40x128xi32, #tpu.memory_space<vmem>> -> memref<1x128xi32, #tpu.memory_space<vmem>>
      %dma_wait3A_237 = tpu.memref_squeeze %dma_wait3A_236 : memref<1x128xi32, #tpu.memory_space<vmem>> -> memref<128xi32, #tpu.memory_space<vmem>>
      %dma_wait3A_238 = arith.constant 0 : i32
      %dma_wait3A_239 = arith.constant 0 : i32
      %dma_wait3A_240 = tpu.memref_slice %arg2[%dma_wait3A_238, %dma_wait3A_239] : memref<10000x128xf32, #tpu.memory_space<hbm>> -> memref<10000x128xf32, #tpu.memory_space<hbm>>
      %dma_wait3A_241 = tpu.memref_slice %arg13[%dma_wait3A_230] : memref<2x!tpu.dma_semaphore, #tpu.memory_space<semaphore_mem>> -> memref<1x!tpu.dma_semaphore, #tpu.memory_space<semaphore_mem>>
      %dma_wait3A_242 = tpu.memref_squeeze %dma_wait3A_241 : memref<1x!tpu.dma_semaphore, #tpu.memory_space<semaphore_mem>> -> memref<!tpu.dma_semaphore, #tpu.memory_space<semaphore_mem>>
      tpu.wait_indirect_dma semaphore(%dma_wait3A_242 : memref<!tpu.dma_semaphore, #tpu.memory_space<semaphore_mem>>) src(%dma_wait3A_240 : memref<10000x128xf32, #tpu.memory_space<hbm>>) dst(%dma_wait3A_234 : memref<128x128xf32, #tpu.memory_space<vmem>>)
      %mul3A_243 = arith.constant 2 : i32
      %mul3A_244 = arith.muli %add3A_186, %mul3A_243 : i32
      %add3A_245 = arith.constant 0 : i32
      %add3A_246 = arith.addi %mul3A_244, %add3A_245 : i32
      %dma_start3A_247 = arith.constant 0 : i32
      %dma_start3A_248 = arith.constant 0 : i32
      %dma_start3A_249 = arith.constant 0 : i32
      %dma_start3A_250 = arith.constant 0 : i32
      %dma_start3A_251 = tpu.memref_slice %arg12[%dma_start3A_247, %dma_start3A_249, %dma_start3A_250] : memref<2x128x128xf32, #tpu.memory_space<vmem>> -> memref<1x128x128xf32, #tpu.memory_space<vmem>>
      %dma_start3A_252 = tpu.memref_squeeze %dma_start3A_251 : memref<1x128x128xf32, #tpu.memory_space<vmem>> -> memref<128x128xf32, #tpu.memory_space<vmem>>
      %dma_start3A_253 = arith.constant 0 : i32
      %dma_start3A_254 = tpu.memref_slice %arg11[%add3A_246, %dma_start3A_253] : memref<40x128xi32, #tpu.memory_space<vmem>> -> memref<1x128xi32, #tpu.memory_space<vmem>>
      %dma_start3A_255 = tpu.memref_squeeze %dma_start3A_254 : memref<1x128xi32, #tpu.memory_space<vmem>> -> memref<128xi32, #tpu.memory_space<vmem>>
      %dma_start3A_256 = arith.constant 0 : i32
      %dma_start3A_257 = arith.constant 0 : i32
      %dma_start3A_258 = tpu.memref_slice %arg9[%dma_start3A_256, %dma_start3A_257] : memref<10240x128xf32, #tpu.memory_space<vmem_shared>> -> memref<10240x128xf32, #tpu.memory_space<vmem_shared>>
      %dma_start3A_259 = tpu.memref_slice %arg14[%dma_start3A_248] : memref<2x!tpu.dma_semaphore, #tpu.memory_space<semaphore_mem>> -> memref<1x!tpu.dma_semaphore, #tpu.memory_space<semaphore_mem>>
      %dma_start3A_260 = tpu.memref_squeeze %dma_start3A_259 : memref<1x!tpu.dma_semaphore, #tpu.memory_space<semaphore_mem>> -> memref<!tpu.dma_semaphore, #tpu.memory_space<semaphore_mem>>
      tpu.enqueue_indirect_dma source(%dma_start3A_252 : memref<128x128xf32, #tpu.memory_space<vmem>>) target(%dma_start3A_258 : memref<10240x128xf32, #tpu.memory_space<vmem_shared>>) offsets(%dma_start3A_255 : memref<128xi32, #tpu.memory_space<vmem>>) semaphore(%dma_start3A_260 : memref<!tpu.dma_semaphore, #tpu.memory_space<semaphore_mem>>) {add = true}
      %dma_wait3A_261 = arith.constant 1 : i32
      %dma_wait3A_262 = arith.constant 1 : i32
      %dma_wait3A_263 = arith.constant 0 : i32
      %dma_wait3A_264 = arith.constant 0 : i32
      %dma_wait3A_265 = tpu.memref_slice %arg12[%dma_wait3A_261, %dma_wait3A_263, %dma_wait3A_264] : memref<2x128x128xf32, #tpu.memory_space<vmem>> -> memref<1x128x128xf32, #tpu.memory_space<vmem>>
      %dma_wait3A_266 = tpu.memref_squeeze %dma_wait3A_265 : memref<1x128x128xf32, #tpu.memory_space<vmem>> -> memref<128x128xf32, #tpu.memory_space<vmem>>
      %dma_wait3A_267 = arith.constant 0 : i32
      %dma_wait3A_268 = tpu.memref_slice %arg10[%add3A_214, %dma_wait3A_267] : memref<40x128xi32, #tpu.memory_space<vmem>> -> memref<1x128xi32, #tpu.memory_space<vmem>>
      %dma_wait3A_269 = tpu.memref_squeeze %dma_wait3A_268 : memref<1x128xi32, #tpu.memory_space<vmem>> -> memref<128xi32, #tpu.memory_space<vmem>>
      %dma_wait3A_270 = arith.constant 0 : i32
      %dma_wait3A_271 = arith.constant 0 : i32
      %dma_wait3A_272 = tpu.memref_slice %arg2[%dma_wait3A_270, %dma_wait3A_271] : memref<10000x128xf32, #tpu.memory_space<hbm>> -> memref<10000x128xf32, #tpu.memory_space<hbm>>
      %dma_wait3A_273 = tpu.memref_slice %arg13[%dma_wait3A_262] : memref<2x!tpu.dma_semaphore, #tpu.memory_space<semaphore_mem>> -> memref<1x!tpu.dma_semaphore, #tpu.memory_space<semaphore_mem>>
      %dma_wait3A_274 = tpu.memref_squeeze %dma_wait3A_273 : memref<1x!tpu.dma_semaphore, #tpu.memory_space<semaphore_mem>> -> memref<!tpu.dma_semaphore, #tpu.memory_space<semaphore_mem>>
      tpu.wait_indirect_dma semaphore(%dma_wait3A_274 : memref<!tpu.dma_semaphore, #tpu.memory_space<semaphore_mem>>) src(%dma_wait3A_272 : memref<10000x128xf32, #tpu.memory_space<hbm>>) dst(%dma_wait3A_266 : memref<128x128xf32, #tpu.memory_space<vmem>>)
      %mul3A_275 = arith.constant 2 : i32
      %mul3A_276 = arith.muli %add3A_186, %mul3A_275 : i32
      %add3A_277 = arith.constant 1 : i32
      %add3A_278 = arith.addi %mul3A_276, %add3A_277 : i32
      %dma_start3A_279 = arith.constant 1 : i32
      %dma_start3A_280 = arith.constant 1 : i32
      %dma_start3A_281 = arith.constant 0 : i32
      %dma_start3A_282 = arith.constant 0 : i32
      %dma_start3A_283 = tpu.memref_slice %arg12[%dma_start3A_279, %dma_start3A_281, %dma_start3A_282] : memref<2x128x128xf32, #tpu.memory_space<vmem>> -> memref<1x128x128xf32, #tpu.memory_space<vmem>>
      %dma_start3A_284 = tpu.memref_squeeze %dma_start3A_283 : memref<1x128x128xf32, #tpu.memory_space<vmem>> -> memref<128x128xf32, #tpu.memory_space<vmem>>
      %dma_start3A_285 = arith.constant 0 : i32
      %dma_start3A_286 = tpu.memref_slice %arg11[%add3A_278, %dma_start3A_285] : memref<40x128xi32, #tpu.memory_space<vmem>> -> memref<1x128xi32, #tpu.memory_space<vmem>>
      %dma_start3A_287 = tpu.memref_squeeze %dma_start3A_286 : memref<1x128xi32, #tpu.memory_space<vmem>> -> memref<128xi32, #tpu.memory_space<vmem>>
      %dma_start3A_288 = arith.constant 0 : i32
      %dma_start3A_289 = arith.constant 0 : i32
      %dma_start3A_290 = tpu.memref_slice %arg9[%dma_start3A_288, %dma_start3A_289] : memref<10240x128xf32, #tpu.memory_space<vmem_shared>> -> memref<10240x128xf32, #tpu.memory_space<vmem_shared>>
      %dma_start3A_291 = tpu.memref_slice %arg14[%dma_start3A_280] : memref<2x!tpu.dma_semaphore, #tpu.memory_space<semaphore_mem>> -> memref<1x!tpu.dma_semaphore, #tpu.memory_space<semaphore_mem>>
      %dma_start3A_292 = tpu.memref_squeeze %dma_start3A_291 : memref<1x!tpu.dma_semaphore, #tpu.memory_space<semaphore_mem>> -> memref<!tpu.dma_semaphore, #tpu.memory_space<semaphore_mem>>
      tpu.enqueue_indirect_dma source(%dma_start3A_284 : memref<128x128xf32, #tpu.memory_space<vmem>>) target(%dma_start3A_290 : memref<10240x128xf32, #tpu.memory_space<vmem_shared>>) offsets(%dma_start3A_287 : memref<128xi32, #tpu.memory_space<vmem>>) semaphore(%dma_start3A_292 : memref<!tpu.dma_semaphore, #tpu.memory_space<semaphore_mem>>) {add = true}
    }
    %scan3A_12 = arith.constant 20 : i32
    %dma_wait3A = arith.constant 0 : i32
    %dma_wait3A_13 = arith.constant 0 : i32
    %dma_wait3A_14 = arith.constant 0 : i32
    %dma_wait3A_15 = arith.constant 0 : i32
    %dma_wait3A_16 = tpu.memref_slice %arg12[%dma_wait3A, %dma_wait3A_14, %dma_wait3A_15] : memref<2x128x128xf32, #tpu.memory_space<vmem>> -> memref<1x128x128xf32, #tpu.memory_space<vmem>>
    %dma_wait3A_17 = tpu.memref_squeeze %dma_wait3A_16 : memref<1x128x128xf32, #tpu.memory_space<vmem>> -> memref<128x128xf32, #tpu.memory_space<vmem>>
    %dma_wait3A_18 = arith.constant 0 : i32
    %dma_wait3A_19 = arith.constant 0 : i32
    %dma_wait3A_20 = tpu.memref_slice %arg2[%dma_wait3A_18, %dma_wait3A_19] : memref<10000x128xf32, #tpu.memory_space<hbm>> -> memref<128x128xf32, #tpu.memory_space<hbm>>
    %dma_wait3A_21 = tpu.memref_slice %arg14[%dma_wait3A_13] : memref<2x!tpu.dma_semaphore, #tpu.memory_space<semaphore_mem>> -> memref<1x!tpu.dma_semaphore, #tpu.memory_space<semaphore_mem>>
    %dma_wait3A_22 = tpu.memref_squeeze %dma_wait3A_21 : memref<1x!tpu.dma_semaphore, #tpu.memory_space<semaphore_mem>> -> memref<!tpu.dma_semaphore, #tpu.memory_space<semaphore_mem>>
    %dma_wait3A_23 = arith.constant 0 : i32
    %dma_wait3A_24 = arith.constant 0 : i32
    %dma_wait3A_25 = tpu.memref_slice %arg12[%dma_wait3A, %dma_wait3A_23, %dma_wait3A_24] : memref<2x128x128xf32, #tpu.memory_space<vmem>> -> memref<1x128x128xf32, #tpu.memory_space<vmem>>
    %dma_wait3A_26 = tpu.memref_squeeze %dma_wait3A_25 : memref<1x128x128xf32, #tpu.memory_space<vmem>> -> memref<128x128xf32, #tpu.memory_space<vmem>>
    %dma_wait3A_27 = arith.constant 0 : i32
    %dma_wait3A_28 = arith.constant 0 : i32
    %dma_wait3A_29 = tpu.memref_slice %arg2[%dma_wait3A_27, %dma_wait3A_28] : memref<10000x128xf32, #tpu.memory_space<hbm>> -> memref<128x128xf32, #tpu.memory_space<hbm>>
    tpu.wait_dma2 semaphore(%dma_wait3A_22 : memref<!tpu.dma_semaphore, #tpu.memory_space<semaphore_mem>>) src(%dma_wait3A_29 : memref<128x128xf32, #tpu.memory_space<hbm>>) dst(%dma_wait3A_26 : memref<128x128xf32, #tpu.memory_space<vmem>>)
    %dma_wait3A_30 = arith.constant 1 : i32
    %dma_wait3A_31 = arith.constant 1 : i32
    %dma_wait3A_32 = arith.constant 0 : i32
    %dma_wait3A_33 = arith.constant 0 : i32
    %dma_wait3A_34 = tpu.memref_slice %arg12[%dma_wait3A_30, %dma_wait3A_32, %dma_wait3A_33] : memref<2x128x128xf32, #tpu.memory_space<vmem>> -> memref<1x128x128xf32, #tpu.memory_space<vmem>>
    %dma_wait3A_35 = tpu.memref_squeeze %dma_wait3A_34 : memref<1x128x128xf32, #tpu.memory_space<vmem>> -> memref<128x128xf32, #tpu.memory_space<vmem>>
    %dma_wait3A_36 = arith.constant 0 : i32
    %dma_wait3A_37 = arith.constant 0 : i32
    %dma_wait3A_38 = tpu.memref_slice %arg2[%dma_wait3A_36, %dma_wait3A_37] : memref<10000x128xf32, #tpu.memory_space<hbm>> -> memref<128x128xf32, #tpu.memory_space<hbm>>
    %dma_wait3A_39 = tpu.memref_slice %arg14[%dma_wait3A_31] : memref<2x!tpu.dma_semaphore, #tpu.memory_space<semaphore_mem>> -> memref<1x!tpu.dma_semaphore, #tpu.memory_space<semaphore_mem>>
    %dma_wait3A_40 = tpu.memref_squeeze %dma_wait3A_39 : memref<1x!tpu.dma_semaphore, #tpu.memory_space<semaphore_mem>> -> memref<!tpu.dma_semaphore, #tpu.memory_space<semaphore_mem>>
    %dma_wait3A_41 = arith.constant 0 : i32
    %dma_wait3A_42 = arith.constant 0 : i32
    %dma_wait3A_43 = tpu.memref_slice %arg12[%dma_wait3A_30, %dma_wait3A_41, %dma_wait3A_42] : memref<2x128x128xf32, #tpu.memory_space<vmem>> -> memref<1x128x128xf32, #tpu.memory_space<vmem>>
    %dma_wait3A_44 = tpu.memref_squeeze %dma_wait3A_43 : memref<1x128x128xf32, #tpu.memory_space<vmem>> -> memref<128x128xf32, #tpu.memory_space<vmem>>
    %dma_wait3A_45 = arith.constant 0 : i32
    %dma_wait3A_46 = arith.constant 0 : i32
    %dma_wait3A_47 = tpu.memref_slice %arg2[%dma_wait3A_45, %dma_wait3A_46] : memref<10000x128xf32, #tpu.memory_space<hbm>> -> memref<128x128xf32, #tpu.memory_space<hbm>>
    tpu.wait_dma2 semaphore(%dma_wait3A_40 : memref<!tpu.dma_semaphore, #tpu.memory_space<semaphore_mem>>) src(%dma_wait3A_47 : memref<128x128xf32, #tpu.memory_space<hbm>>) dst(%dma_wait3A_44 : memref<128x128xf32, #tpu.memory_space<vmem>>)
    %add3A_48 = arith.constant 40 : i32
    %add3A_49 = arith.addi %mul3A_4, %add3A_48 : i32
    "tpu.region"() ({
      %run_scoped3A_182 = tpu.sem_alloc : memref<!tpu.dma_semaphore, #tpu.memory_space<semaphore_mem>>
      %dma_start3A = arith.constant 0 : i32
      %dma_start3A_183 = tpu.memref_slice %arg3[%add3A_49, %dma_start3A] : memref<2560x128xi32, #tpu.memory_space<hbm>> -> memref<40x128xi32, #tpu.memory_space<hbm>>
      %dma_start3A_184 = arith.constant 0 : i32
      %dma_start3A_185 = tpu.memref_slice %arg3[%add3A_49, %dma_start3A_184] : memref<2560x128xi32, #tpu.memory_space<hbm>> -> memref<40x128xi32, #tpu.memory_space<hbm>>
      tpu.enqueue_dma source(%dma_start3A_185 : memref<40x128xi32, #tpu.memory_space<hbm>>) target(%arg10 : memref<40x128xi32, #tpu.memory_space<vmem>>) target_semaphore(%run_scoped3A_182 : memref<!tpu.dma_semaphore, #tpu.memory_space<semaphore_mem>>)
      %dma_wait3A_186 = arith.constant 0 : i32
      %dma_wait3A_187 = tpu.memref_slice %arg3[%add3A_49, %dma_wait3A_186] : memref<2560x128xi32, #tpu.memory_space<hbm>> -> memref<40x128xi32, #tpu.memory_space<hbm>>
      %dma_wait3A_188 = arith.constant 0 : i32
      %dma_wait3A_189 = tpu.memref_slice %arg3[%add3A_49, %dma_wait3A_188] : memref<2560x128xi32, #tpu.memory_space<hbm>> -> memref<40x128xi32, #tpu.memory_space<hbm>>
      tpu.wait_dma2 semaphore(%run_scoped3A_182 : memref<!tpu.dma_semaphore, #tpu.memory_space<semaphore_mem>>) src(%dma_wait3A_189 : memref<40x128xi32, #tpu.memory_space<hbm>>) dst(%arg10 : memref<40x128xi32, #tpu.memory_space<vmem>>)
      tpu.yield
    }) : () -> ()
    %add3A_50 = arith.constant 40 : i32
    %add3A_51 = arith.addi %mul3A_4, %add3A_50 : i32
    "tpu.region"() ({
      %run_scoped3A_182 = tpu.sem_alloc : memref<!tpu.dma_semaphore, #tpu.memory_space<semaphore_mem>>
      %dma_start3A = arith.constant 0 : i32
      %dma_start3A_183 = tpu.memref_slice %arg4[%add3A_51, %dma_start3A] : memref<2560x128xi32, #tpu.memory_space<hbm>> -> memref<40x128xi32, #tpu.memory_space<hbm>>
      %dma_start3A_184 = arith.constant 0 : i32
      %dma_start3A_185 = tpu.memref_slice %arg4[%add3A_51, %dma_start3A_184] : memref<2560x128xi32, #tpu.memory_space<hbm>> -> memref<40x128xi32, #tpu.memory_space<hbm>>
      tpu.enqueue_dma source(%dma_start3A_185 : memref<40x128xi32, #tpu.memory_space<hbm>>) target(%arg11 : memref<40x128xi32, #tpu.memory_space<vmem>>) target_semaphore(%run_scoped3A_182 : memref<!tpu.dma_semaphore, #tpu.memory_space<semaphore_mem>>)
      %dma_wait3A_186 = arith.constant 0 : i32
      %dma_wait3A_187 = tpu.memref_slice %arg4[%add3A_51, %dma_wait3A_186] : memref<2560x128xi32, #tpu.memory_space<hbm>> -> memref<40x128xi32, #tpu.memory_space<hbm>>
      %dma_wait3A_188 = arith.constant 0 : i32
      %dma_wait3A_189 = tpu.memref_slice %arg4[%add3A_51, %dma_wait3A_188] : memref<2560x128xi32, #tpu.memory_space<hbm>> -> memref<40x128xi32, #tpu.memory_space<hbm>>
      tpu.wait_dma2 semaphore(%run_scoped3A_182 : memref<!tpu.dma_semaphore, #tpu.memory_space<semaphore_mem>>) src(%dma_wait3A_189 : memref<40x128xi32, #tpu.memory_space<hbm>>) dst(%arg11 : memref<40x128xi32, #tpu.memory_space<vmem>>)
      tpu.yield
    }) : () -> ()
    %scan3A_52 = arith.constant 0 : i32
    %scan3A_53 = arith.constant 20 : i32
    %scan3A_54 = arith.addi %scan3A_52, %scan3A_53 : i32
    %scan3A_55 = arith.constant 1 : i32
    scf.for %scan3A_182 = %scan3A_52 to %scan3A_54 step %scan3A_55  : i32 {
      %mul3A_183 = arith.constant 1 : i32
      %mul3A_184 = arith.muli %scan3A_182, %mul3A_183 : i32
      %add3A_185 = arith.constant 0 : i32
      %add3A_186 = arith.addi %add3A_185, %mul3A_184 : i32
      %gt3A = arith.constant 0 : i32
      %gt3A_187 = arith.cmpi sgt, %add3A_186, %gt3A : i32
      %convert_element_type3A = arith.extui %gt3A_187 : i1 to i32
      %cond3A = arith.constant 0 : i32
      %cond3A_188 = arith.cmpi ne, %convert_element_type3A, %cond3A : i32
      scf.if %cond3A_188 {
        %dma_wait3A_293 = arith.constant 0 : i32
        %dma_wait3A_294 = arith.constant 0 : i32
        %dma_wait3A_295 = arith.constant 0 : i32
        %dma_wait3A_296 = arith.constant 0 : i32
        %dma_wait3A_297 = tpu.memref_slice %arg12[%dma_wait3A_293, %dma_wait3A_295, %dma_wait3A_296] : memref<2x128x128xf32, #tpu.memory_space<vmem>> -> memref<1x128x128xf32, #tpu.memory_space<vmem>>
        %dma_wait3A_298 = tpu.memref_squeeze %dma_wait3A_297 : memref<1x128x128xf32, #tpu.memory_space<vmem>> -> memref<128x128xf32, #tpu.memory_space<vmem>>
        %dma_wait3A_299 = arith.constant 0 : i32
        %dma_wait3A_300 = arith.constant 0 : i32
        %dma_wait3A_301 = tpu.memref_slice %arg2[%dma_wait3A_299, %dma_wait3A_300] : memref<10000x128xf32, #tpu.memory_space<hbm>> -> memref<128x128xf32, #tpu.memory_space<hbm>>
        %dma_wait3A_302 = tpu.memref_slice %arg14[%dma_wait3A_294] : memref<2x!tpu.dma_semaphore, #tpu.memory_space<semaphore_mem>> -> memref<1x!tpu.dma_semaphore, #tpu.memory_space<semaphore_mem>>
        %dma_wait3A_303 = tpu.memref_squeeze %dma_wait3A_302 : memref<1x!tpu.dma_semaphore, #tpu.memory_space<semaphore_mem>> -> memref<!tpu.dma_semaphore, #tpu.memory_space<semaphore_mem>>
        %dma_wait3A_304 = arith.constant 0 : i32
        %dma_wait3A_305 = arith.constant 0 : i32
        %dma_wait3A_306 = tpu.memref_slice %arg12[%dma_wait3A_293, %dma_wait3A_304, %dma_wait3A_305] : memref<2x128x128xf32, #tpu.memory_space<vmem>> -> memref<1x128x128xf32, #tpu.memory_space<vmem>>
        %dma_wait3A_307 = tpu.memref_squeeze %dma_wait3A_306 : memref<1x128x128xf32, #tpu.memory_space<vmem>> -> memref<128x128xf32, #tpu.memory_space<vmem>>
        %dma_wait3A_308 = arith.constant 0 : i32
        %dma_wait3A_309 = arith.constant 0 : i32
        %dma_wait3A_310 = tpu.memref_slice %arg2[%dma_wait3A_308, %dma_wait3A_309] : memref<10000x128xf32, #tpu.memory_space<hbm>> -> memref<128x128xf32, #tpu.memory_space<hbm>>
        tpu.wait_dma2 semaphore(%dma_wait3A_303 : memref<!tpu.dma_semaphore, #tpu.memory_space<semaphore_mem>>) src(%dma_wait3A_310 : memref<128x128xf32, #tpu.memory_space<hbm>>) dst(%dma_wait3A_307 : memref<128x128xf32, #tpu.memory_space<vmem>>)
      } else {
      }
      %mul3A_189 = arith.constant 2 : i32
      %mul3A_190 = arith.muli %add3A_186, %mul3A_189 : i32
      %add3A_191 = arith.constant 0 : i32
      %add3A_192 = arith.addi %mul3A_190, %add3A_191 : i32
      %dma_start3A = arith.constant 0 : i32
      %dma_start3A_193 = arith.constant 0 : i32
      %dma_start3A_194 = arith.constant 0 : i32
      %dma_start3A_195 = arith.constant 0 : i32
      %dma_start3A_196 = tpu.memref_slice %arg12[%dma_start3A, %dma_start3A_194, %dma_start3A_195] : memref<2x128x128xf32, #tpu.memory_space<vmem>> -> memref<1x128x128xf32, #tpu.memory_space<vmem>>
      %dma_start3A_197 = tpu.memref_squeeze %dma_start3A_196 : memref<1x128x128xf32, #tpu.memory_space<vmem>> -> memref<128x128xf32, #tpu.memory_space<vmem>>
      %dma_start3A_198 = arith.constant 0 : i32
      %dma_start3A_199 = tpu.memref_slice %arg10[%add3A_192, %dma_start3A_198] : memref<40x128xi32, #tpu.memory_space<vmem>> -> memref<1x128xi32, #tpu.memory_space<vmem>>
      %dma_start3A_200 = tpu.memref_squeeze %dma_start3A_199 : memref<1x128xi32, #tpu.memory_space<vmem>> -> memref<128xi32, #tpu.memory_space<vmem>>
      %dma_start3A_201 = arith.constant 0 : i32
      %dma_start3A_202 = arith.constant 0 : i32
      %dma_start3A_203 = tpu.memref_slice %arg2[%dma_start3A_201, %dma_start3A_202] : memref<10000x128xf32, #tpu.memory_space<hbm>> -> memref<10000x128xf32, #tpu.memory_space<hbm>>
      %dma_start3A_204 = tpu.memref_slice %arg13[%dma_start3A_193] : memref<2x!tpu.dma_semaphore, #tpu.memory_space<semaphore_mem>> -> memref<1x!tpu.dma_semaphore, #tpu.memory_space<semaphore_mem>>
      %dma_start3A_205 = tpu.memref_squeeze %dma_start3A_204 : memref<1x!tpu.dma_semaphore, #tpu.memory_space<semaphore_mem>> -> memref<!tpu.dma_semaphore, #tpu.memory_space<semaphore_mem>>
      tpu.enqueue_indirect_dma source(%dma_start3A_203 : memref<10000x128xf32, #tpu.memory_space<hbm>>) target(%dma_start3A_197 : memref<128x128xf32, #tpu.memory_space<vmem>>) offsets(%dma_start3A_200 : memref<128xi32, #tpu.memory_space<vmem>>) semaphore(%dma_start3A_205 : memref<!tpu.dma_semaphore, #tpu.memory_space<semaphore_mem>>)
      %gt3A_206 = arith.constant 0 : i32
      %gt3A_207 = arith.cmpi sgt, %add3A_186, %gt3A_206 : i32
      %convert_element_type3A_208 = arith.extui %gt3A_207 : i1 to i32
      %cond3A_209 = arith.constant 0 : i32
      %cond3A_210 = arith.cmpi ne, %convert_element_type3A_208, %cond3A_209 : i32
      scf.if %cond3A_210 {
        %dma_wait3A_293 = arith.constant 1 : i32
        %dma_wait3A_294 = arith.constant 1 : i32
        %dma_wait3A_295 = arith.constant 0 : i32
        %dma_wait3A_296 = arith.constant 0 : i32
        %dma_wait3A_297 = tpu.memref_slice %arg12[%dma_wait3A_293, %dma_wait3A_295, %dma_wait3A_296] : memref<2x128x128xf32, #tpu.memory_space<vmem>> -> memref<1x128x128xf32, #tpu.memory_space<vmem>>
        %dma_wait3A_298 = tpu.memref_squeeze %dma_wait3A_297 : memref<1x128x128xf32, #tpu.memory_space<vmem>> -> memref<128x128xf32, #tpu.memory_space<vmem>>
        %dma_wait3A_299 = arith.constant 0 : i32
        %dma_wait3A_300 = arith.constant 0 : i32
        %dma_wait3A_301 = tpu.memref_slice %arg2[%dma_wait3A_299, %dma_wait3A_300] : memref<10000x128xf32, #tpu.memory_space<hbm>> -> memref<128x128xf32, #tpu.memory_space<hbm>>
        %dma_wait3A_302 = tpu.memref_slice %arg14[%dma_wait3A_294] : memref<2x!tpu.dma_semaphore, #tpu.memory_space<semaphore_mem>> -> memref<1x!tpu.dma_semaphore, #tpu.memory_space<semaphore_mem>>
        %dma_wait3A_303 = tpu.memref_squeeze %dma_wait3A_302 : memref<1x!tpu.dma_semaphore, #tpu.memory_space<semaphore_mem>> -> memref<!tpu.dma_semaphore, #tpu.memory_space<semaphore_mem>>
        %dma_wait3A_304 = arith.constant 0 : i32
        %dma_wait3A_305 = arith.constant 0 : i32
        %dma_wait3A_306 = tpu.memref_slice %arg12[%dma_wait3A_293, %dma_wait3A_304, %dma_wait3A_305] : memref<2x128x128xf32, #tpu.memory_space<vmem>> -> memref<1x128x128xf32, #tpu.memory_space<vmem>>
        %dma_wait3A_307 = tpu.memref_squeeze %dma_wait3A_306 : memref<1x128x128xf32, #tpu.memory_space<vmem>> -> memref<128x128xf32, #tpu.memory_space<vmem>>
        %dma_wait3A_308 = arith.constant 0 : i32
        %dma_wait3A_309 = arith.constant 0 : i32
        %dma_wait3A_310 = tpu.memref_slice %arg2[%dma_wait3A_308, %dma_wait3A_309] : memref<10000x128xf32, #tpu.memory_space<hbm>> -> memref<128x128xf32, #tpu.memory_space<hbm>>
        tpu.wait_dma2 semaphore(%dma_wait3A_303 : memref<!tpu.dma_semaphore, #tpu.memory_space<semaphore_mem>>) src(%dma_wait3A_310 : memref<128x128xf32, #tpu.memory_space<hbm>>) dst(%dma_wait3A_307 : memref<128x128xf32, #tpu.memory_space<vmem>>)
      } else {
      }
      %mul3A_211 = arith.constant 2 : i32
      %mul3A_212 = arith.muli %add3A_186, %mul3A_211 : i32
      %add3A_213 = arith.constant 1 : i32
      %add3A_214 = arith.addi %mul3A_212, %add3A_213 : i32
      %dma_start3A_215 = arith.constant 1 : i32
      %dma_start3A_216 = arith.constant 1 : i32
      %dma_start3A_217 = arith.constant 0 : i32
      %dma_start3A_218 = arith.constant 0 : i32
      %dma_start3A_219 = tpu.memref_slice %arg12[%dma_start3A_215, %dma_start3A_217, %dma_start3A_218] : memref<2x128x128xf32, #tpu.memory_space<vmem>> -> memref<1x128x128xf32, #tpu.memory_space<vmem>>
      %dma_start3A_220 = tpu.memref_squeeze %dma_start3A_219 : memref<1x128x128xf32, #tpu.memory_space<vmem>> -> memref<128x128xf32, #tpu.memory_space<vmem>>
      %dma_start3A_221 = arith.constant 0 : i32
      %dma_start3A_222 = tpu.memref_slice %arg10[%add3A_214, %dma_start3A_221] : memref<40x128xi32, #tpu.memory_space<vmem>> -> memref<1x128xi32, #tpu.memory_space<vmem>>
      %dma_start3A_223 = tpu.memref_squeeze %dma_start3A_222 : memref<1x128xi32, #tpu.memory_space<vmem>> -> memref<128xi32, #tpu.memory_space<vmem>>
      %dma_start3A_224 = arith.constant 0 : i32
      %dma_start3A_225 = arith.constant 0 : i32
      %dma_start3A_226 = tpu.memref_slice %arg2[%dma_start3A_224, %dma_start3A_225] : memref<10000x128xf32, #tpu.memory_space<hbm>> -> memref<10000x128xf32, #tpu.memory_space<hbm>>
      %dma_start3A_227 = tpu.memref_slice %arg13[%dma_start3A_216] : memref<2x!tpu.dma_semaphore, #tpu.memory_space<semaphore_mem>> -> memref<1x!tpu.dma_semaphore, #tpu.memory_space<semaphore_mem>>
      %dma_start3A_228 = tpu.memref_squeeze %dma_start3A_227 : memref<1x!tpu.dma_semaphore, #tpu.memory_space<semaphore_mem>> -> memref<!tpu.dma_semaphore, #tpu.memory_space<semaphore_mem>>
      tpu.enqueue_indirect_dma source(%dma_start3A_226 : memref<10000x128xf32, #tpu.memory_space<hbm>>) target(%dma_start3A_220 : memref<128x128xf32, #tpu.memory_space<vmem>>) offsets(%dma_start3A_223 : memref<128xi32, #tpu.memory_space<vmem>>) semaphore(%dma_start3A_228 : memref<!tpu.dma_semaphore, #tpu.memory_space<semaphore_mem>>)
      %dma_wait3A_229 = arith.constant 0 : i32
      %dma_wait3A_230 = arith.constant 0 : i32
      %dma_wait3A_231 = arith.constant 0 : i32
      %dma_wait3A_232 = arith.constant 0 : i32
      %dma_wait3A_233 = tpu.memref_slice %arg12[%dma_wait3A_229, %dma_wait3A_231, %dma_wait3A_232] : memref<2x128x128xf32, #tpu.memory_space<vmem>> -> memref<1x128x128xf32, #tpu.memory_space<vmem>>
      %dma_wait3A_234 = tpu.memref_squeeze %dma_wait3A_233 : memref<1x128x128xf32, #tpu.memory_space<vmem>> -> memref<128x128xf32, #tpu.memory_space<vmem>>
      %dma_wait3A_235 = arith.constant 0 : i32
      %dma_wait3A_236 = tpu.memref_slice %arg10[%add3A_192, %dma_wait3A_235] : memref<40x128xi32, #tpu.memory_space<vmem>> -> memref<1x128xi32, #tpu.memory_space<vmem>>
      %dma_wait3A_237 = tpu.memref_squeeze %dma_wait3A_236 : memref<1x128xi32, #tpu.memory_space<vmem>> -> memref<128xi32, #tpu.memory_space<vmem>>
      %dma_wait3A_238 = arith.constant 0 : i32
      %dma_wait3A_239 = arith.constant 0 : i32
      %dma_wait3A_240 = tpu.memref_slice %arg2[%dma_wait3A_238, %dma_wait3A_239] : memref<10000x128xf32, #tpu.memory_space<hbm>> -> memref<10000x128xf32, #tpu.memory_space<hbm>>
      %dma_wait3A_241 = tpu.memref_slice %arg13[%dma_wait3A_230] : memref<2x!tpu.dma_semaphore, #tpu.memory_space<semaphore_mem>> -> memref<1x!tpu.dma_semaphore, #tpu.memory_space<semaphore_mem>>
      %dma_wait3A_242 = tpu.memref_squeeze %dma_wait3A_241 : memref<1x!tpu.dma_semaphore, #tpu.memory_space<semaphore_mem>> -> memref<!tpu.dma_semaphore, #tpu.memory_space<semaphore_mem>>
      tpu.wait_indirect_dma semaphore(%dma_wait3A_242 : memref<!tpu.dma_semaphore, #tpu.memory_space<semaphore_mem>>) src(%dma_wait3A_240 : memref<10000x128xf32, #tpu.memory_space<hbm>>) dst(%dma_wait3A_234 : memref<128x128xf32, #tpu.memory_space<vmem>>)
      %mul3A_243 = arith.constant 2 : i32
      %mul3A_244 = arith.muli %add3A_186, %mul3A_243 : i32
      %add3A_245 = arith.constant 0 : i32
      %add3A_246 = arith.addi %mul3A_244, %add3A_245 : i32
      %dma_start3A_247 = arith.constant 0 : i32
      %dma_start3A_248 = arith.constant 0 : i32
      %dma_start3A_249 = arith.constant 0 : i32
      %dma_start3A_250 = arith.constant 0 : i32
      %dma_start3A_251 = tpu.memref_slice %arg12[%dma_start3A_247, %dma_start3A_249, %dma_start3A_250] : memref<2x128x128xf32, #tpu.memory_space<vmem>> -> memref<1x128x128xf32, #tpu.memory_space<vmem>>
      %dma_start3A_252 = tpu.memref_squeeze %dma_start3A_251 : memref<1x128x128xf32, #tpu.memory_space<vmem>> -> memref<128x128xf32, #tpu.memory_space<vmem>>
      %dma_start3A_253 = arith.constant 0 : i32
      %dma_start3A_254 = tpu.memref_slice %arg11[%add3A_246, %dma_start3A_253] : memref<40x128xi32, #tpu.memory_space<vmem>> -> memref<1x128xi32, #tpu.memory_space<vmem>>
      %dma_start3A_255 = tpu.memref_squeeze %dma_start3A_254 : memref<1x128xi32, #tpu.memory_space<vmem>> -> memref<128xi32, #tpu.memory_space<vmem>>
      %dma_start3A_256 = arith.constant 0 : i32
      %dma_start3A_257 = arith.constant 0 : i32
      %dma_start3A_258 = tpu.memref_slice %arg9[%dma_start3A_256, %dma_start3A_257] : memref<10240x128xf32, #tpu.memory_space<vmem_shared>> -> memref<10240x128xf32, #tpu.memory_space<vmem_shared>>
      %dma_start3A_259 = tpu.memref_slice %arg14[%dma_start3A_248] : memref<2x!tpu.dma_semaphore, #tpu.memory_space<semaphore_mem>> -> memref<1x!tpu.dma_semaphore, #tpu.memory_space<semaphore_mem>>
      %dma_start3A_260 = tpu.memref_squeeze %dma_start3A_259 : memref<1x!tpu.dma_semaphore, #tpu.memory_space<semaphore_mem>> -> memref<!tpu.dma_semaphore, #tpu.memory_space<semaphore_mem>>
      tpu.enqueue_indirect_dma source(%dma_start3A_252 : memref<128x128xf32, #tpu.memory_space<vmem>>) target(%dma_start3A_258 : memref<10240x128xf32, #tpu.memory_space<vmem_shared>>) offsets(%dma_start3A_255 : memref<128xi32, #tpu.memory_space<vmem>>) semaphore(%dma_start3A_260 : memref<!tpu.dma_semaphore, #tpu.memory_space<semaphore_mem>>) {add = true}
      %dma_wait3A_261 = arith.constant 1 : i32
      %dma_wait3A_262 = arith.constant 1 : i32
      %dma_wait3A_263 = arith.constant 0 : i32
      %dma_wait3A_264 = arith.constant 0 : i32
      %dma_wait3A_265 = tpu.memref_slice %arg12[%dma_wait3A_261, %dma_wait3A_263, %dma_wait3A_264] : memref<2x128x128xf32, #tpu.memory_space<vmem>> -> memref<1x128x128xf32, #tpu.memory_space<vmem>>
      %dma_wait3A_266 = tpu.memref_squeeze %dma_wait3A_265 : memref<1x128x128xf32, #tpu.memory_space<vmem>> -> memref<128x128xf32, #tpu.memory_space<vmem>>
      %dma_wait3A_267 = arith.constant 0 : i32
      %dma_wait3A_268 = tpu.memref_slice %arg10[%add3A_214, %dma_wait3A_267] : memref<40x128xi32, #tpu.memory_space<vmem>> -> memref<1x128xi32, #tpu.memory_space<vmem>>
      %dma_wait3A_269 = tpu.memref_squeeze %dma_wait3A_268 : memref<1x128xi32, #tpu.memory_space<vmem>> -> memref<128xi32, #tpu.memory_space<vmem>>
      %dma_wait3A_270 = arith.constant 0 : i32
      %dma_wait3A_271 = arith.constant 0 : i32
      %dma_wait3A_272 = tpu.memref_slice %arg2[%dma_wait3A_270, %dma_wait3A_271] : memref<10000x128xf32, #tpu.memory_space<hbm>> -> memref<10000x128xf32, #tpu.memory_space<hbm>>
      %dma_wait3A_273 = tpu.memref_slice %arg13[%dma_wait3A_262] : memref<2x!tpu.dma_semaphore, #tpu.memory_space<semaphore_mem>> -> memref<1x!tpu.dma_semaphore, #tpu.memory_space<semaphore_mem>>
      %dma_wait3A_274 = tpu.memref_squeeze %dma_wait3A_273 : memref<1x!tpu.dma_semaphore, #tpu.memory_space<semaphore_mem>> -> memref<!tpu.dma_semaphore, #tpu.memory_space<semaphore_mem>>
      tpu.wait_indirect_dma semaphore(%dma_wait3A_274 : memref<!tpu.dma_semaphore, #tpu.memory_space<semaphore_mem>>) src(%dma_wait3A_272 : memref<10000x128xf32, #tpu.memory_space<hbm>>) dst(%dma_wait3A_266 : memref<128x128xf32, #tpu.memory_space<vmem>>)
      %mul3A_275 = arith.constant 2 : i32
      %mul3A_276 = arith.muli %add3A_186, %mul3A_275 : i32
      %add3A_277 = arith.constant 1 : i32
      %add3A_278 = arith.addi %mul3A_276, %add3A_277 : i32
      %dma_start3A_279 = arith.constant 1 : i32
      %dma_start3A_280 = arith.constant 1 : i32
      %dma_start3A_281 = arith.constant 0 : i32
      %dma_start3A_282 = arith.constant 0 : i32
      %dma_start3A_283 = tpu.memref_slice %arg12[%dma_start3A_279, %dma_start3A_281, %dma_start3A_282] : memref<2x128x128xf32, #tpu.memory_space<vmem>> -> memref<1x128x128xf32, #tpu.memory_space<vmem>>
      %dma_start3A_284 = tpu.memref_squeeze %dma_start3A_283 : memref<1x128x128xf32, #tpu.memory_space<vmem>> -> memref<128x128xf32, #tpu.memory_space<vmem>>
      %dma_start3A_285 = arith.constant 0 : i32
      %dma_start3A_286 = tpu.memref_slice %arg11[%add3A_278, %dma_start3A_285] : memref<40x128xi32, #tpu.memory_space<vmem>> -> memref<1x128xi32, #tpu.memory_space<vmem>>
      %dma_start3A_287 = tpu.memref_squeeze %dma_start3A_286 : memref<1x128xi32, #tpu.memory_space<vmem>> -> memref<128xi32, #tpu.memory_space<vmem>>
      %dma_start3A_288 = arith.constant 0 : i32
      %dma_start3A_289 = arith.constant 0 : i32
      %dma_start3A_290 = tpu.memref_slice %arg9[%dma_start3A_288, %dma_start3A_289] : memref<10240x128xf32, #tpu.memory_space<vmem_shared>> -> memref<10240x128xf32, #tpu.memory_space<vmem_shared>>
      %dma_start3A_291 = tpu.memref_slice %arg14[%dma_start3A_280] : memref<2x!tpu.dma_semaphore, #tpu.memory_space<semaphore_mem>> -> memref<1x!tpu.dma_semaphore, #tpu.memory_space<semaphore_mem>>
      %dma_start3A_292 = tpu.memref_squeeze %dma_start3A_291 : memref<1x!tpu.dma_semaphore, #tpu.memory_space<semaphore_mem>> -> memref<!tpu.dma_semaphore, #tpu.memory_space<semaphore_mem>>
      tpu.enqueue_indirect_dma source(%dma_start3A_284 : memref<128x128xf32, #tpu.memory_space<vmem>>) target(%dma_start3A_290 : memref<10240x128xf32, #tpu.memory_space<vmem_shared>>) offsets(%dma_start3A_287 : memref<128xi32, #tpu.memory_space<vmem>>) semaphore(%dma_start3A_292 : memref<!tpu.dma_semaphore, #tpu.memory_space<semaphore_mem>>) {add = true}
    }
    %scan3A_56 = arith.constant 20 : i32
    %dma_wait3A_57 = arith.constant 0 : i32
    %dma_wait3A_58 = arith.constant 0 : i32
    %dma_wait3A_59 = arith.constant 0 : i32
    %dma_wait3A_60 = arith.constant 0 : i32
    %dma_wait3A_61 = tpu.memref_slice %arg12[%dma_wait3A_57, %dma_wait3A_59, %dma_wait3A_60] : memref<2x128x128xf32, #tpu.memory_space<vmem>> -> memref<1x128x128xf32, #tpu.memory_space<vmem>>
    %dma_wait3A_62 = tpu.memref_squeeze %dma_wait3A_61 : memref<1x128x128xf32, #tpu.memory_space<vmem>> -> memref<128x128xf32, #tpu.memory_space<vmem>>
    %dma_wait3A_63 = arith.constant 0 : i32
    %dma_wait3A_64 = arith.constant 0 : i32
    %dma_wait3A_65 = tpu.memref_slice %arg2[%dma_wait3A_63, %dma_wait3A_64] : memref<10000x128xf32, #tpu.memory_space<hbm>> -> memref<128x128xf32, #tpu.memory_space<hbm>>
    %dma_wait3A_66 = tpu.memref_slice %arg14[%dma_wait3A_58] : memref<2x!tpu.dma_semaphore, #tpu.memory_space<semaphore_mem>> -> memref<1x!tpu.dma_semaphore, #tpu.memory_space<semaphore_mem>>
    %dma_wait3A_67 = tpu.memref_squeeze %dma_wait3A_66 : memref<1x!tpu.dma_semaphore, #tpu.memory_space<semaphore_mem>> -> memref<!tpu.dma_semaphore, #tpu.memory_space<semaphore_mem>>
    %dma_wait3A_68 = arith.constant 0 : i32
    %dma_wait3A_69 = arith.constant 0 : i32
    %dma_wait3A_70 = tpu.memref_slice %arg12[%dma_wait3A_57, %dma_wait3A_68, %dma_wait3A_69] : memref<2x128x128xf32, #tpu.memory_space<vmem>> -> memref<1x128x128xf32, #tpu.memory_space<vmem>>
    %dma_wait3A_71 = tpu.memref_squeeze %dma_wait3A_70 : memref<1x128x128xf32, #tpu.memory_space<vmem>> -> memref<128x128xf32, #tpu.memory_space<vmem>>
    %dma_wait3A_72 = arith.constant 0 : i32
    %dma_wait3A_73 = arith.constant 0 : i32
    %dma_wait3A_74 = tpu.memref_slice %arg2[%dma_wait3A_72, %dma_wait3A_73] : memref<10000x128xf32, #tpu.memory_space<hbm>> -> memref<128x128xf32, #tpu.memory_space<hbm>>
    tpu.wait_dma2 semaphore(%dma_wait3A_67 : memref<!tpu.dma_semaphore, #tpu.memory_space<semaphore_mem>>) src(%dma_wait3A_74 : memref<128x128xf32, #tpu.memory_space<hbm>>) dst(%dma_wait3A_71 : memref<128x128xf32, #tpu.memory_space<vmem>>)
    %dma_wait3A_75 = arith.constant 1 : i32
    %dma_wait3A_76 = arith.constant 1 : i32
    %dma_wait3A_77 = arith.constant 0 : i32
    %dma_wait3A_78 = arith.constant 0 : i32
    %dma_wait3A_79 = tpu.memref_slice %arg12[%dma_wait3A_75, %dma_wait3A_77, %dma_wait3A_78] : memref<2x128x128xf32, #tpu.memory_space<vmem>> -> memref<1x128x128xf32, #tpu.memory_space<vmem>>
    %dma_wait3A_80 = tpu.memref_squeeze %dma_wait3A_79 : memref<1x128x128xf32, #tpu.memory_space<vmem>> -> memref<128x128xf32, #tpu.memory_space<vmem>>
    %dma_wait3A_81 = arith.constant 0 : i32
    %dma_wait3A_82 = arith.constant 0 : i32
    %dma_wait3A_83 = tpu.memref_slice %arg2[%dma_wait3A_81, %dma_wait3A_82] : memref<10000x128xf32, #tpu.memory_space<hbm>> -> memref<128x128xf32, #tpu.memory_space<hbm>>
    %dma_wait3A_84 = tpu.memref_slice %arg14[%dma_wait3A_76] : memref<2x!tpu.dma_semaphore, #tpu.memory_space<semaphore_mem>> -> memref<1x!tpu.dma_semaphore, #tpu.memory_space<semaphore_mem>>
    %dma_wait3A_85 = tpu.memref_squeeze %dma_wait3A_84 : memref<1x!tpu.dma_semaphore, #tpu.memory_space<semaphore_mem>> -> memref<!tpu.dma_semaphore, #tpu.memory_space<semaphore_mem>>
    %dma_wait3A_86 = arith.constant 0 : i32
    %dma_wait3A_87 = arith.constant 0 : i32
    %dma_wait3A_88 = tpu.memref_slice %arg12[%dma_wait3A_75, %dma_wait3A_86, %dma_wait3A_87] : memref<2x128x128xf32, #tpu.memory_space<vmem>> -> memref<1x128x128xf32, #tpu.memory_space<vmem>>
    %dma_wait3A_89 = tpu.memref_squeeze %dma_wait3A_88 : memref<1x128x128xf32, #tpu.memory_space<vmem>> -> memref<128x128xf32, #tpu.memory_space<vmem>>
    %dma_wait3A_90 = arith.constant 0 : i32
    %dma_wait3A_91 = arith.constant 0 : i32
    %dma_wait3A_92 = tpu.memref_slice %arg2[%dma_wait3A_90, %dma_wait3A_91] : memref<10000x128xf32, #tpu.memory_space<hbm>> -> memref<128x128xf32, #tpu.memory_space<hbm>>
    tpu.wait_dma2 semaphore(%dma_wait3A_85 : memref<!tpu.dma_semaphore, #tpu.memory_space<semaphore_mem>>) src(%dma_wait3A_92 : memref<128x128xf32, #tpu.memory_space<hbm>>) dst(%dma_wait3A_89 : memref<128x128xf32, #tpu.memory_space<vmem>>)
    %barrier3A_93 = arith.constant 0 : index
    tpu.barrier barrier_id(%barrier3A_93)
    "tpu.region"() ({
      %run_scoped3A_182 = tpu.sem_alloc : memref<!tpu.dma_semaphore, #tpu.memory_space<semaphore_mem>>
      %dma_start3A = arith.constant 0 : i32
      %dma_start3A_183 = tpu.memref_slice %arg7[%arg0, %mul3A_2, %dma_start3A] : memref<2x10240x128xf32, #tpu.memory_space<hbm>> -> memref<1x640x128xf32, #tpu.memory_space<hbm>>
      %dma_start3A_184 = tpu.memref_squeeze %dma_start3A_183 : memref<1x640x128xf32, #tpu.memory_space<hbm>> -> memref<640x128xf32, #tpu.memory_space<hbm>>
      %dma_start3A_185 = arith.constant 0 : i32
      %dma_start3A_186 = tpu.memref_slice %arg9[%mul3A_2, %dma_start3A_185] : memref<10240x128xf32, #tpu.memory_space<vmem_shared>> -> memref<640x128xf32, #tpu.memory_space<vmem_shared>>
      tpu.enqueue_dma source(%dma_start3A_186 : memref<640x128xf32, #tpu.memory_space<vmem_shared>>) target(%dma_start3A_184 : memref<640x128xf32, #tpu.memory_space<hbm>>) target_semaphore(%run_scoped3A_182 : memref<!tpu.dma_semaphore, #tpu.memory_space<semaphore_mem>>)
      %dma_wait3A_187 = arith.constant 0 : i32
      %dma_wait3A_188 = tpu.memref_slice %arg7[%arg0, %mul3A_2, %dma_wait3A_187] : memref<2x10240x128xf32, #tpu.memory_space<hbm>> -> memref<1x640x128xf32, #tpu.memory_space<hbm>>
      %dma_wait3A_189 = tpu.memref_squeeze %dma_wait3A_188 : memref<1x640x128xf32, #tpu.memory_space<hbm>> -> memref<640x128xf32, #tpu.memory_space<hbm>>
      %dma_wait3A_190 = arith.constant 0 : i32
      %dma_wait3A_191 = tpu.memref_slice %arg9[%mul3A_2, %dma_wait3A_190] : memref<10240x128xf32, #tpu.memory_space<vmem_shared>> -> memref<640x128xf32, #tpu.memory_space<vmem_shared>>
      tpu.wait_dma2 semaphore(%run_scoped3A_182 : memref<!tpu.dma_semaphore, #tpu.memory_space<semaphore_mem>>) src(%dma_wait3A_191 : memref<640x128xf32, #tpu.memory_space<vmem_shared>>) dst(%dma_wait3A_189 : memref<640x128xf32, #tpu.memory_space<hbm>>)
      tpu.yield
    }) : () -> ()
    "tpu.region"() ({
      %run_scoped3A_182 = tpu.sem_alloc : memref<!tpu.dma_semaphore, #tpu.memory_space<semaphore_mem>>
      %dma_start3A = arith.constant 0 : i32
      %dma_start3A_183 = tpu.memref_slice %arg9[%mul3A_2, %dma_start3A] : memref<10240x128xf32, #tpu.memory_space<vmem_shared>> -> memref<640x128xf32, #tpu.memory_space<vmem_shared>>
      tpu.enqueue_dma source(%arg5 : memref<640x128xf32, #tpu.memory_space<hbm>>) target(%dma_start3A_183 : memref<640x128xf32, #tpu.memory_space<vmem_shared>>) target_semaphore(%run_scoped3A_182 : memref<!tpu.dma_semaphore, #tpu.memory_space<semaphore_mem>>)
      %dma_wait3A_184 = arith.constant 0 : i32
      %dma_wait3A_185 = tpu.memref_slice %arg9[%mul3A_2, %dma_wait3A_184] : memref<10240x128xf32, #tpu.memory_space<vmem_shared>> -> memref<640x128xf32, #tpu.memory_space<vmem_shared>>
      tpu.wait_dma2 semaphore(%run_scoped3A_182 : memref<!tpu.dma_semaphore, #tpu.memory_space<semaphore_mem>>) src(%arg5 : memref<640x128xf32, #tpu.memory_space<hbm>>) dst(%dma_wait3A_185 : memref<640x128xf32, #tpu.memory_space<vmem_shared>>)
      tpu.yield
    }) : () -> ()
    %run_scoped3A = arith.constant 0 : i32
    "tpu.region"() ({
      %run_scoped3A_182 = tpu.sem_alloc : memref<!tpu.dma_semaphore, #tpu.memory_space<semaphore_mem>>
      %dma_start3A = arith.constant 0 : i32
      %dma_start3A_183 = arith.constant 0 : i32
      %dma_start3A_184 = tpu.memref_slice %arg12[%run_scoped3A, %dma_start3A, %dma_start3A_183] : memref<2x128x128xf32, #tpu.memory_space<vmem>> -> memref<1x128x128xf32, #tpu.memory_space<vmem>>
      %dma_start3A_185 = tpu.memref_squeeze %dma_start3A_184 : memref<1x128x128xf32, #tpu.memory_space<vmem>> -> memref<128x128xf32, #tpu.memory_space<vmem>>
      %dma_start3A_186 = arith.constant 0 : i32
      %dma_start3A_187 = arith.constant 0 : i32
      %dma_start3A_188 = tpu.memref_slice %arg12[%run_scoped3A, %dma_start3A_186, %dma_start3A_187] : memref<2x128x128xf32, #tpu.memory_space<vmem>> -> memref<1x128x128xf32, #tpu.memory_space<vmem>>
      %dma_start3A_189 = tpu.memref_squeeze %dma_start3A_188 : memref<1x128x128xf32, #tpu.memory_space<vmem>> -> memref<128x128xf32, #tpu.memory_space<vmem>>
      tpu.enqueue_dma source(%arg6 : memref<128x128xf32, #tpu.memory_space<hbm>>) target(%dma_start3A_189 : memref<128x128xf32, #tpu.memory_space<vmem>>) target_semaphore(%run_scoped3A_182 : memref<!tpu.dma_semaphore, #tpu.memory_space<semaphore_mem>>)
      %dma_wait3A_190 = arith.constant 0 : i32
      %dma_wait3A_191 = arith.constant 0 : i32
      %dma_wait3A_192 = tpu.memref_slice %arg12[%run_scoped3A, %dma_wait3A_190, %dma_wait3A_191] : memref<2x128x128xf32, #tpu.memory_space<vmem>> -> memref<1x128x128xf32, #tpu.memory_space<vmem>>
      %dma_wait3A_193 = tpu.memref_squeeze %dma_wait3A_192 : memref<1x128x128xf32, #tpu.memory_space<vmem>> -> memref<128x128xf32, #tpu.memory_space<vmem>>
      %dma_wait3A_194 = arith.constant 0 : i32
      %dma_wait3A_195 = arith.constant 0 : i32
      %dma_wait3A_196 = tpu.memref_slice %arg12[%run_scoped3A, %dma_wait3A_194, %dma_wait3A_195] : memref<2x128x128xf32, #tpu.memory_space<vmem>> -> memref<1x128x128xf32, #tpu.memory_space<vmem>>
      %dma_wait3A_197 = tpu.memref_squeeze %dma_wait3A_196 : memref<1x128x128xf32, #tpu.memory_space<vmem>> -> memref<128x128xf32, #tpu.memory_space<vmem>>
      tpu.wait_dma2 semaphore(%run_scoped3A_182 : memref<!tpu.dma_semaphore, #tpu.memory_space<semaphore_mem>>) src(%arg6 : memref<128x128xf32, #tpu.memory_space<hbm>>) dst(%dma_wait3A_197 : memref<128x128xf32, #tpu.memory_space<vmem>>)
      tpu.yield
    }) : () -> ()
    %barrier3A_94 = arith.constant 0 : index
    tpu.barrier barrier_id(%barrier3A_94)
    %add3A_95 = arith.constant 0 : i32
    %add3A_96 = arith.addi %mul3A_4, %add3A_95 : i32
    "tpu.region"() ({
      %run_scoped3A_182 = tpu.sem_alloc : memref<!tpu.dma_semaphore, #tpu.memory_space<semaphore_mem>>
      %dma_start3A = arith.constant 0 : i32
      %dma_start3A_183 = tpu.memref_slice %arg4[%add3A_96, %dma_start3A] : memref<2560x128xi32, #tpu.memory_space<hbm>> -> memref<40x128xi32, #tpu.memory_space<hbm>>
      %dma_start3A_184 = arith.constant 0 : i32
      %dma_start3A_185 = tpu.memref_slice %arg4[%add3A_96, %dma_start3A_184] : memref<2560x128xi32, #tpu.memory_space<hbm>> -> memref<40x128xi32, #tpu.memory_space<hbm>>
      tpu.enqueue_dma source(%dma_start3A_185 : memref<40x128xi32, #tpu.memory_space<hbm>>) target(%arg11 : memref<40x128xi32, #tpu.memory_space<vmem>>) target_semaphore(%run_scoped3A_182 : memref<!tpu.dma_semaphore, #tpu.memory_space<semaphore_mem>>)
      %dma_wait3A_186 = arith.constant 0 : i32
      %dma_wait3A_187 = tpu.memref_slice %arg4[%add3A_96, %dma_wait3A_186] : memref<2560x128xi32, #tpu.memory_space<hbm>> -> memref<40x128xi32, #tpu.memory_space<hbm>>
      %dma_wait3A_188 = arith.constant 0 : i32
      %dma_wait3A_189 = tpu.memref_slice %arg4[%add3A_96, %dma_wait3A_188] : memref<2560x128xi32, #tpu.memory_space<hbm>> -> memref<40x128xi32, #tpu.memory_space<hbm>>
      tpu.wait_dma2 semaphore(%run_scoped3A_182 : memref<!tpu.dma_semaphore, #tpu.memory_space<semaphore_mem>>) src(%dma_wait3A_189 : memref<40x128xi32, #tpu.memory_space<hbm>>) dst(%arg11 : memref<40x128xi32, #tpu.memory_space<vmem>>)
      tpu.yield
    }) : () -> ()
    %scan3A_97 = arith.constant 0 : i32
    %scan3A_98 = arith.constant 20 : i32
    %scan3A_99 = arith.addi %scan3A_97, %scan3A_98 : i32
    %scan3A_100 = arith.constant 1 : i32
    scf.for %scan3A_182 = %scan3A_97 to %scan3A_99 step %scan3A_100  : i32 {
      %mul3A_183 = arith.constant 1 : i32
      %mul3A_184 = arith.muli %scan3A_182, %mul3A_183 : i32
      %add3A_185 = arith.constant 0 : i32
      %add3A_186 = arith.addi %add3A_185, %mul3A_184 : i32
      %gt3A = arith.constant 0 : i32
      %gt3A_187 = arith.cmpi sgt, %add3A_186, %gt3A : i32
      %convert_element_type3A = arith.extui %gt3A_187 : i1 to i32
      %cond3A = arith.constant 0 : i32
      %cond3A_188 = arith.cmpi ne, %convert_element_type3A, %cond3A : i32
      scf.if %cond3A_188 {
        %dma_wait3A_229 = arith.constant 0 : i32
        %dma_wait3A_230 = arith.constant 0 : i32
        %dma_wait3A_231 = arith.constant 0 : i32
        %dma_wait3A_232 = arith.constant 0 : i32
        %dma_wait3A_233 = tpu.memref_slice %arg12[%dma_wait3A_229, %dma_wait3A_231, %dma_wait3A_232] : memref<2x128x128xf32, #tpu.memory_space<vmem>> -> memref<1x128x128xf32, #tpu.memory_space<vmem>>
        %dma_wait3A_234 = tpu.memref_squeeze %dma_wait3A_233 : memref<1x128x128xf32, #tpu.memory_space<vmem>> -> memref<128x128xf32, #tpu.memory_space<vmem>>
        %dma_wait3A_235 = arith.constant 0 : i32
        %dma_wait3A_236 = arith.constant 0 : i32
        %dma_wait3A_237 = tpu.memref_slice %arg2[%dma_wait3A_235, %dma_wait3A_236] : memref<10000x128xf32, #tpu.memory_space<hbm>> -> memref<128x128xf32, #tpu.memory_space<hbm>>
        %dma_wait3A_238 = tpu.memref_slice %arg14[%dma_wait3A_230] : memref<2x!tpu.dma_semaphore, #tpu.memory_space<semaphore_mem>> -> memref<1x!tpu.dma_semaphore, #tpu.memory_space<semaphore_mem>>
        %dma_wait3A_239 = tpu.memref_squeeze %dma_wait3A_238 : memref<1x!tpu.dma_semaphore, #tpu.memory_space<semaphore_mem>> -> memref<!tpu.dma_semaphore, #tpu.memory_space<semaphore_mem>>
        %dma_wait3A_240 = arith.constant 0 : i32
        %dma_wait3A_241 = arith.constant 0 : i32
        %dma_wait3A_242 = tpu.memref_slice %arg12[%dma_wait3A_229, %dma_wait3A_240, %dma_wait3A_241] : memref<2x128x128xf32, #tpu.memory_space<vmem>> -> memref<1x128x128xf32, #tpu.memory_space<vmem>>
        %dma_wait3A_243 = tpu.memref_squeeze %dma_wait3A_242 : memref<1x128x128xf32, #tpu.memory_space<vmem>> -> memref<128x128xf32, #tpu.memory_space<vmem>>
        %dma_wait3A_244 = arith.constant 0 : i32
        %dma_wait3A_245 = arith.constant 0 : i32
        %dma_wait3A_246 = tpu.memref_slice %arg2[%dma_wait3A_244, %dma_wait3A_245] : memref<10000x128xf32, #tpu.memory_space<hbm>> -> memref<128x128xf32, #tpu.memory_space<hbm>>
        tpu.wait_dma2 semaphore(%dma_wait3A_239 : memref<!tpu.dma_semaphore, #tpu.memory_space<semaphore_mem>>) src(%dma_wait3A_246 : memref<128x128xf32, #tpu.memory_space<hbm>>) dst(%dma_wait3A_243 : memref<128x128xf32, #tpu.memory_space<vmem>>)
      } else {
      }
      %mul3A_189 = arith.constant 2 : i32
      %mul3A_190 = arith.muli %add3A_186, %mul3A_189 : i32
      %add3A_191 = arith.constant 0 : i32
      %add3A_192 = arith.addi %mul3A_190, %add3A_191 : i32
      %dma_start3A = arith.constant 0 : i32
      %dma_start3A_193 = arith.constant 0 : i32
      %dma_start3A_194 = arith.constant 0 : i32
      %dma_start3A_195 = arith.constant 0 : i32
      %dma_start3A_196 = tpu.memref_slice %arg12[%dma_start3A, %dma_start3A_194, %dma_start3A_195] : memref<2x128x128xf32, #tpu.memory_space<vmem>> -> memref<1x128x128xf32, #tpu.memory_space<vmem>>
      %dma_start3A_197 = tpu.memref_squeeze %dma_start3A_196 : memref<1x128x128xf32, #tpu.memory_space<vmem>> -> memref<128x128xf32, #tpu.memory_space<vmem>>
      %dma_start3A_198 = arith.constant 0 : i32
      %dma_start3A_199 = tpu.memref_slice %arg11[%add3A_192, %dma_start3A_198] : memref<40x128xi32, #tpu.memory_space<vmem>> -> memref<1x128xi32, #tpu.memory_space<vmem>>
      %dma_start3A_200 = tpu.memref_squeeze %dma_start3A_199 : memref<1x128xi32, #tpu.memory_space<vmem>> -> memref<128xi32, #tpu.memory_space<vmem>>
      %dma_start3A_201 = arith.constant 0 : i32
      %dma_start3A_202 = arith.constant 0 : i32
      %dma_start3A_203 = tpu.memref_slice %arg9[%dma_start3A_201, %dma_start3A_202] : memref<10240x128xf32, #tpu.memory_space<vmem_shared>> -> memref<10240x128xf32, #tpu.memory_space<vmem_shared>>
      %dma_start3A_204 = tpu.memref_slice %arg14[%dma_start3A_193] : memref<2x!tpu.dma_semaphore, #tpu.memory_space<semaphore_mem>> -> memref<1x!tpu.dma_semaphore, #tpu.memory_space<semaphore_mem>>
      %dma_start3A_205 = tpu.memref_squeeze %dma_start3A_204 : memref<1x!tpu.dma_semaphore, #tpu.memory_space<semaphore_mem>> -> memref<!tpu.dma_semaphore, #tpu.memory_space<semaphore_mem>>
      tpu.enqueue_indirect_dma source(%dma_start3A_197 : memref<128x128xf32, #tpu.memory_space<vmem>>) target(%dma_start3A_203 : memref<10240x128xf32, #tpu.memory_space<vmem_shared>>) offsets(%dma_start3A_200 : memref<128xi32, #tpu.memory_space<vmem>>) semaphore(%dma_start3A_205 : memref<!tpu.dma_semaphore, #tpu.memory_space<semaphore_mem>>) {add = true}
      %gt3A_206 = arith.constant 0 : i32
      %gt3A_207 = arith.cmpi sgt, %add3A_186, %gt3A_206 : i32
      %convert_element_type3A_208 = arith.extui %gt3A_207 : i1 to i32
      %cond3A_209 = arith.constant 0 : i32
      %cond3A_210 = arith.cmpi ne, %convert_element_type3A_208, %cond3A_209 : i32
      scf.if %cond3A_210 {
        %dma_wait3A_229 = arith.constant 1 : i32
        %dma_wait3A_230 = arith.constant 1 : i32
        %dma_wait3A_231 = arith.constant 0 : i32
        %dma_wait3A_232 = arith.constant 0 : i32
        %dma_wait3A_233 = tpu.memref_slice %arg12[%dma_wait3A_229, %dma_wait3A_231, %dma_wait3A_232] : memref<2x128x128xf32, #tpu.memory_space<vmem>> -> memref<1x128x128xf32, #tpu.memory_space<vmem>>
        %dma_wait3A_234 = tpu.memref_squeeze %dma_wait3A_233 : memref<1x128x128xf32, #tpu.memory_space<vmem>> -> memref<128x128xf32, #tpu.memory_space<vmem>>
        %dma_wait3A_235 = arith.constant 0 : i32
        %dma_wait3A_236 = arith.constant 0 : i32
        %dma_wait3A_237 = tpu.memref_slice %arg2[%dma_wait3A_235, %dma_wait3A_236] : memref<10000x128xf32, #tpu.memory_space<hbm>> -> memref<128x128xf32, #tpu.memory_space<hbm>>
        %dma_wait3A_238 = tpu.memref_slice %arg14[%dma_wait3A_230] : memref<2x!tpu.dma_semaphore, #tpu.memory_space<semaphore_mem>> -> memref<1x!tpu.dma_semaphore, #tpu.memory_space<semaphore_mem>>
        %dma_wait3A_239 = tpu.memref_squeeze %dma_wait3A_238 : memref<1x!tpu.dma_semaphore, #tpu.memory_space<semaphore_mem>> -> memref<!tpu.dma_semaphore, #tpu.memory_space<semaphore_mem>>
        %dma_wait3A_240 = arith.constant 0 : i32
        %dma_wait3A_241 = arith.constant 0 : i32
        %dma_wait3A_242 = tpu.memref_slice %arg12[%dma_wait3A_229, %dma_wait3A_240, %dma_wait3A_241] : memref<2x128x128xf32, #tpu.memory_space<vmem>> -> memref<1x128x128xf32, #tpu.memory_space<vmem>>
        %dma_wait3A_243 = tpu.memref_squeeze %dma_wait3A_242 : memref<1x128x128xf32, #tpu.memory_space<vmem>> -> memref<128x128xf32, #tpu.memory_space<vmem>>
        %dma_wait3A_244 = arith.constant 0 : i32
        %dma_wait3A_245 = arith.constant 0 : i32
        %dma_wait3A_246 = tpu.memref_slice %arg2[%dma_wait3A_244, %dma_wait3A_245] : memref<10000x128xf32, #tpu.memory_space<hbm>> -> memref<128x128xf32, #tpu.memory_space<hbm>>
        tpu.wait_dma2 semaphore(%dma_wait3A_239 : memref<!tpu.dma_semaphore, #tpu.memory_space<semaphore_mem>>) src(%dma_wait3A_246 : memref<128x128xf32, #tpu.memory_space<hbm>>) dst(%dma_wait3A_243 : memref<128x128xf32, #tpu.memory_space<vmem>>)
      } else {
      }
      %mul3A_211 = arith.constant 2 : i32
      %mul3A_212 = arith.muli %add3A_186, %mul3A_211 : i32
      %add3A_213 = arith.constant 1 : i32
      %add3A_214 = arith.addi %mul3A_212, %add3A_213 : i32
      %dma_start3A_215 = arith.constant 0 : i32
      %dma_start3A_216 = arith.constant 1 : i32
      %dma_start3A_217 = arith.constant 0 : i32
      %dma_start3A_218 = arith.constant 0 : i32
      %dma_start3A_219 = tpu.memref_slice %arg12[%dma_start3A_215, %dma_start3A_217, %dma_start3A_218] : memref<2x128x128xf32, #tpu.memory_space<vmem>> -> memref<1x128x128xf32, #tpu.memory_space<vmem>>
      %dma_start3A_220 = tpu.memref_squeeze %dma_start3A_219 : memref<1x128x128xf32, #tpu.memory_space<vmem>> -> memref<128x128xf32, #tpu.memory_space<vmem>>
      %dma_start3A_221 = arith.constant 0 : i32
      %dma_start3A_222 = tpu.memref_slice %arg11[%add3A_214, %dma_start3A_221] : memref<40x128xi32, #tpu.memory_space<vmem>> -> memref<1x128xi32, #tpu.memory_space<vmem>>
      %dma_start3A_223 = tpu.memref_squeeze %dma_start3A_222 : memref<1x128xi32, #tpu.memory_space<vmem>> -> memref<128xi32, #tpu.memory_space<vmem>>
      %dma_start3A_224 = arith.constant 0 : i32
      %dma_start3A_225 = arith.constant 0 : i32
      %dma_start3A_226 = tpu.memref_slice %arg9[%dma_start3A_224, %dma_start3A_225] : memref<10240x128xf32, #tpu.memory_space<vmem_shared>> -> memref<10240x128xf32, #tpu.memory_space<vmem_shared>>
      %dma_start3A_227 = tpu.memref_slice %arg14[%dma_start3A_216] : memref<2x!tpu.dma_semaphore, #tpu.memory_space<semaphore_mem>> -> memref<1x!tpu.dma_semaphore, #tpu.memory_space<semaphore_mem>>
      %dma_start3A_228 = tpu.memref_squeeze %dma_start3A_227 : memref<1x!tpu.dma_semaphore, #tpu.memory_space<semaphore_mem>> -> memref<!tpu.dma_semaphore, #tpu.memory_space<semaphore_mem>>
      tpu.enqueue_indirect_dma source(%dma_start3A_220 : memref<128x128xf32, #tpu.memory_space<vmem>>) target(%dma_start3A_226 : memref<10240x128xf32, #tpu.memory_space<vmem_shared>>) offsets(%dma_start3A_223 : memref<128xi32, #tpu.memory_space<vmem>>) semaphore(%dma_start3A_228 : memref<!tpu.dma_semaphore, #tpu.memory_space<semaphore_mem>>) {add = true}
    }
    %scan3A_101 = arith.constant 20 : i32
    %dma_wait3A_102 = arith.constant 0 : i32
    %dma_wait3A_103 = arith.constant 0 : i32
    %dma_wait3A_104 = arith.constant 0 : i32
    %dma_wait3A_105 = arith.constant 0 : i32
    %dma_wait3A_106 = tpu.memref_slice %arg12[%dma_wait3A_102, %dma_wait3A_104, %dma_wait3A_105] : memref<2x128x128xf32, #tpu.memory_space<vmem>> -> memref<1x128x128xf32, #tpu.memory_space<vmem>>
    %dma_wait3A_107 = tpu.memref_squeeze %dma_wait3A_106 : memref<1x128x128xf32, #tpu.memory_space<vmem>> -> memref<128x128xf32, #tpu.memory_space<vmem>>
    %dma_wait3A_108 = arith.constant 0 : i32
    %dma_wait3A_109 = arith.constant 0 : i32
    %dma_wait3A_110 = tpu.memref_slice %arg2[%dma_wait3A_108, %dma_wait3A_109] : memref<10000x128xf32, #tpu.memory_space<hbm>> -> memref<128x128xf32, #tpu.memory_space<hbm>>
    %dma_wait3A_111 = tpu.memref_slice %arg14[%dma_wait3A_103] : memref<2x!tpu.dma_semaphore, #tpu.memory_space<semaphore_mem>> -> memref<1x!tpu.dma_semaphore, #tpu.memory_space<semaphore_mem>>
    %dma_wait3A_112 = tpu.memref_squeeze %dma_wait3A_111 : memref<1x!tpu.dma_semaphore, #tpu.memory_space<semaphore_mem>> -> memref<!tpu.dma_semaphore, #tpu.memory_space<semaphore_mem>>
    %dma_wait3A_113 = arith.constant 0 : i32
    %dma_wait3A_114 = arith.constant 0 : i32
    %dma_wait3A_115 = tpu.memref_slice %arg12[%dma_wait3A_102, %dma_wait3A_113, %dma_wait3A_114] : memref<2x128x128xf32, #tpu.memory_space<vmem>> -> memref<1x128x128xf32, #tpu.memory_space<vmem>>
    %dma_wait3A_116 = tpu.memref_squeeze %dma_wait3A_115 : memref<1x128x128xf32, #tpu.memory_space<vmem>> -> memref<128x128xf32, #tpu.memory_space<vmem>>
    %dma_wait3A_117 = arith.constant 0 : i32
    %dma_wait3A_118 = arith.constant 0 : i32
    %dma_wait3A_119 = tpu.memref_slice %arg2[%dma_wait3A_117, %dma_wait3A_118] : memref<10000x128xf32, #tpu.memory_space<hbm>> -> memref<128x128xf32, #tpu.memory_space<hbm>>
    tpu.wait_dma2 semaphore(%dma_wait3A_112 : memref<!tpu.dma_semaphore, #tpu.memory_space<semaphore_mem>>) src(%dma_wait3A_119 : memref<128x128xf32, #tpu.memory_space<hbm>>) dst(%dma_wait3A_116 : memref<128x128xf32, #tpu.memory_space<vmem>>)
    %dma_wait3A_120 = arith.constant 1 : i32
    %dma_wait3A_121 = arith.constant 1 : i32
    %dma_wait3A_122 = arith.constant 0 : i32
    %dma_wait3A_123 = arith.constant 0 : i32
    %dma_wait3A_124 = tpu.memref_slice %arg12[%dma_wait3A_120, %dma_wait3A_122, %dma_wait3A_123] : memref<2x128x128xf32, #tpu.memory_space<vmem>> -> memref<1x128x128xf32, #tpu.memory_space<vmem>>
    %dma_wait3A_125 = tpu.memref_squeeze %dma_wait3A_124 : memref<1x128x128xf32, #tpu.memory_space<vmem>> -> memref<128x128xf32, #tpu.memory_space<vmem>>
    %dma_wait3A_126 = arith.constant 0 : i32
    %dma_wait3A_127 = arith.constant 0 : i32
    %dma_wait3A_128 = tpu.memref_slice %arg2[%dma_wait3A_126, %dma_wait3A_127] : memref<10000x128xf32, #tpu.memory_space<hbm>> -> memref<128x128xf32, #tpu.memory_space<hbm>>
    %dma_wait3A_129 = tpu.memref_slice %arg14[%dma_wait3A_121] : memref<2x!tpu.dma_semaphore, #tpu.memory_space<semaphore_mem>> -> memref<1x!tpu.dma_semaphore, #tpu.memory_space<semaphore_mem>>
    %dma_wait3A_130 = tpu.memref_squeeze %dma_wait3A_129 : memref<1x!tpu.dma_semaphore, #tpu.memory_space<semaphore_mem>> -> memref<!tpu.dma_semaphore, #tpu.memory_space<semaphore_mem>>
    %dma_wait3A_131 = arith.constant 0 : i32
    %dma_wait3A_132 = arith.constant 0 : i32
    %dma_wait3A_133 = tpu.memref_slice %arg12[%dma_wait3A_120, %dma_wait3A_131, %dma_wait3A_132] : memref<2x128x128xf32, #tpu.memory_space<vmem>> -> memref<1x128x128xf32, #tpu.memory_space<vmem>>
    %dma_wait3A_134 = tpu.memref_squeeze %dma_wait3A_133 : memref<1x128x128xf32, #tpu.memory_space<vmem>> -> memref<128x128xf32, #tpu.memory_space<vmem>>
    %dma_wait3A_135 = arith.constant 0 : i32
    %dma_wait3A_136 = arith.constant 0 : i32
    %dma_wait3A_137 = tpu.memref_slice %arg2[%dma_wait3A_135, %dma_wait3A_136] : memref<10000x128xf32, #tpu.memory_space<hbm>> -> memref<128x128xf32, #tpu.memory_space<hbm>>
    tpu.wait_dma2 semaphore(%dma_wait3A_130 : memref<!tpu.dma_semaphore, #tpu.memory_space<semaphore_mem>>) src(%dma_wait3A_137 : memref<128x128xf32, #tpu.memory_space<hbm>>) dst(%dma_wait3A_134 : memref<128x128xf32, #tpu.memory_space<vmem>>)
    %add3A_138 = arith.constant 40 : i32
    %add3A_139 = arith.addi %mul3A_4, %add3A_138 : i32
    "tpu.region"() ({
      %run_scoped3A_182 = tpu.sem_alloc : memref<!tpu.dma_semaphore, #tpu.memory_space<semaphore_mem>>
      %dma_start3A = arith.constant 0 : i32
      %dma_start3A_183 = tpu.memref_slice %arg4[%add3A_139, %dma_start3A] : memref<2560x128xi32, #tpu.memory_space<hbm>> -> memref<40x128xi32, #tpu.memory_space<hbm>>
      %dma_start3A_184 = arith.constant 0 : i32
      %dma_start3A_185 = tpu.memref_slice %arg4[%add3A_139, %dma_start3A_184] : memref<2560x128xi32, #tpu.memory_space<hbm>> -> memref<40x128xi32, #tpu.memory_space<hbm>>
      tpu.enqueue_dma source(%dma_start3A_185 : memref<40x128xi32, #tpu.memory_space<hbm>>) target(%arg11 : memref<40x128xi32, #tpu.memory_space<vmem>>) target_semaphore(%run_scoped3A_182 : memref<!tpu.dma_semaphore, #tpu.memory_space<semaphore_mem>>)
      %dma_wait3A_186 = arith.constant 0 : i32
      %dma_wait3A_187 = tpu.memref_slice %arg4[%add3A_139, %dma_wait3A_186] : memref<2560x128xi32, #tpu.memory_space<hbm>> -> memref<40x128xi32, #tpu.memory_space<hbm>>
      %dma_wait3A_188 = arith.constant 0 : i32
      %dma_wait3A_189 = tpu.memref_slice %arg4[%add3A_139, %dma_wait3A_188] : memref<2560x128xi32, #tpu.memory_space<hbm>> -> memref<40x128xi32, #tpu.memory_space<hbm>>
      tpu.wait_dma2 semaphore(%run_scoped3A_182 : memref<!tpu.dma_semaphore, #tpu.memory_space<semaphore_mem>>) src(%dma_wait3A_189 : memref<40x128xi32, #tpu.memory_space<hbm>>) dst(%arg11 : memref<40x128xi32, #tpu.memory_space<vmem>>)
      tpu.yield
    }) : () -> ()
    %scan3A_140 = arith.constant 0 : i32
    %scan3A_141 = arith.constant 20 : i32
    %scan3A_142 = arith.addi %scan3A_140, %scan3A_141 : i32
    %scan3A_143 = arith.constant 1 : i32
    scf.for %scan3A_182 = %scan3A_140 to %scan3A_142 step %scan3A_143  : i32 {
      %mul3A_183 = arith.constant 1 : i32
      %mul3A_184 = arith.muli %scan3A_182, %mul3A_183 : i32
      %add3A_185 = arith.constant 0 : i32
      %add3A_186 = arith.addi %add3A_185, %mul3A_184 : i32
      %gt3A = arith.constant 0 : i32
      %gt3A_187 = arith.cmpi sgt, %add3A_186, %gt3A : i32
      %convert_element_type3A = arith.extui %gt3A_187 : i1 to i32
      %cond3A = arith.constant 0 : i32
      %cond3A_188 = arith.cmpi ne, %convert_element_type3A, %cond3A : i32
      scf.if %cond3A_188 {
        %dma_wait3A_229 = arith.constant 0 : i32
        %dma_wait3A_230 = arith.constant 0 : i32
        %dma_wait3A_231 = arith.constant 0 : i32
        %dma_wait3A_232 = arith.constant 0 : i32
        %dma_wait3A_233 = tpu.memref_slice %arg12[%dma_wait3A_229, %dma_wait3A_231, %dma_wait3A_232] : memref<2x128x128xf32, #tpu.memory_space<vmem>> -> memref<1x128x128xf32, #tpu.memory_space<vmem>>
        %dma_wait3A_234 = tpu.memref_squeeze %dma_wait3A_233 : memref<1x128x128xf32, #tpu.memory_space<vmem>> -> memref<128x128xf32, #tpu.memory_space<vmem>>
        %dma_wait3A_235 = arith.constant 0 : i32
        %dma_wait3A_236 = arith.constant 0 : i32
        %dma_wait3A_237 = tpu.memref_slice %arg2[%dma_wait3A_235, %dma_wait3A_236] : memref<10000x128xf32, #tpu.memory_space<hbm>> -> memref<128x128xf32, #tpu.memory_space<hbm>>
        %dma_wait3A_238 = tpu.memref_slice %arg14[%dma_wait3A_230] : memref<2x!tpu.dma_semaphore, #tpu.memory_space<semaphore_mem>> -> memref<1x!tpu.dma_semaphore, #tpu.memory_space<semaphore_mem>>
        %dma_wait3A_239 = tpu.memref_squeeze %dma_wait3A_238 : memref<1x!tpu.dma_semaphore, #tpu.memory_space<semaphore_mem>> -> memref<!tpu.dma_semaphore, #tpu.memory_space<semaphore_mem>>
        %dma_wait3A_240 = arith.constant 0 : i32
        %dma_wait3A_241 = arith.constant 0 : i32
        %dma_wait3A_242 = tpu.memref_slice %arg12[%dma_wait3A_229, %dma_wait3A_240, %dma_wait3A_241] : memref<2x128x128xf32, #tpu.memory_space<vmem>> -> memref<1x128x128xf32, #tpu.memory_space<vmem>>
        %dma_wait3A_243 = tpu.memref_squeeze %dma_wait3A_242 : memref<1x128x128xf32, #tpu.memory_space<vmem>> -> memref<128x128xf32, #tpu.memory_space<vmem>>
        %dma_wait3A_244 = arith.constant 0 : i32
        %dma_wait3A_245 = arith.constant 0 : i32
        %dma_wait3A_246 = tpu.memref_slice %arg2[%dma_wait3A_244, %dma_wait3A_245] : memref<10000x128xf32, #tpu.memory_space<hbm>> -> memref<128x128xf32, #tpu.memory_space<hbm>>
        tpu.wait_dma2 semaphore(%dma_wait3A_239 : memref<!tpu.dma_semaphore, #tpu.memory_space<semaphore_mem>>) src(%dma_wait3A_246 : memref<128x128xf32, #tpu.memory_space<hbm>>) dst(%dma_wait3A_243 : memref<128x128xf32, #tpu.memory_space<vmem>>)
      } else {
      }
      %mul3A_189 = arith.constant 2 : i32
      %mul3A_190 = arith.muli %add3A_186, %mul3A_189 : i32
      %add3A_191 = arith.constant 0 : i32
      %add3A_192 = arith.addi %mul3A_190, %add3A_191 : i32
      %dma_start3A = arith.constant 0 : i32
      %dma_start3A_193 = arith.constant 0 : i32
      %dma_start3A_194 = arith.constant 0 : i32
      %dma_start3A_195 = arith.constant 0 : i32
      %dma_start3A_196 = tpu.memref_slice %arg12[%dma_start3A, %dma_start3A_194, %dma_start3A_195] : memref<2x128x128xf32, #tpu.memory_space<vmem>> -> memref<1x128x128xf32, #tpu.memory_space<vmem>>
      %dma_start3A_197 = tpu.memref_squeeze %dma_start3A_196 : memref<1x128x128xf32, #tpu.memory_space<vmem>> -> memref<128x128xf32, #tpu.memory_space<vmem>>
      %dma_start3A_198 = arith.constant 0 : i32
      %dma_start3A_199 = tpu.memref_slice %arg11[%add3A_192, %dma_start3A_198] : memref<40x128xi32, #tpu.memory_space<vmem>> -> memref<1x128xi32, #tpu.memory_space<vmem>>
      %dma_start3A_200 = tpu.memref_squeeze %dma_start3A_199 : memref<1x128xi32, #tpu.memory_space<vmem>> -> memref<128xi32, #tpu.memory_space<vmem>>
      %dma_start3A_201 = arith.constant 0 : i32
      %dma_start3A_202 = arith.constant 0 : i32
      %dma_start3A_203 = tpu.memref_slice %arg9[%dma_start3A_201, %dma_start3A_202] : memref<10240x128xf32, #tpu.memory_space<vmem_shared>> -> memref<10240x128xf32, #tpu.memory_space<vmem_shared>>
      %dma_start3A_204 = tpu.memref_slice %arg14[%dma_start3A_193] : memref<2x!tpu.dma_semaphore, #tpu.memory_space<semaphore_mem>> -> memref<1x!tpu.dma_semaphore, #tpu.memory_space<semaphore_mem>>
      %dma_start3A_205 = tpu.memref_squeeze %dma_start3A_204 : memref<1x!tpu.dma_semaphore, #tpu.memory_space<semaphore_mem>> -> memref<!tpu.dma_semaphore, #tpu.memory_space<semaphore_mem>>
      tpu.enqueue_indirect_dma source(%dma_start3A_197 : memref<128x128xf32, #tpu.memory_space<vmem>>) target(%dma_start3A_203 : memref<10240x128xf32, #tpu.memory_space<vmem_shared>>) offsets(%dma_start3A_200 : memref<128xi32, #tpu.memory_space<vmem>>) semaphore(%dma_start3A_205 : memref<!tpu.dma_semaphore, #tpu.memory_space<semaphore_mem>>) {add = true}
      %gt3A_206 = arith.constant 0 : i32
      %gt3A_207 = arith.cmpi sgt, %add3A_186, %gt3A_206 : i32
      %convert_element_type3A_208 = arith.extui %gt3A_207 : i1 to i32
      %cond3A_209 = arith.constant 0 : i32
      %cond3A_210 = arith.cmpi ne, %convert_element_type3A_208, %cond3A_209 : i32
      scf.if %cond3A_210 {
        %dma_wait3A_229 = arith.constant 1 : i32
        %dma_wait3A_230 = arith.constant 1 : i32
        %dma_wait3A_231 = arith.constant 0 : i32
        %dma_wait3A_232 = arith.constant 0 : i32
        %dma_wait3A_233 = tpu.memref_slice %arg12[%dma_wait3A_229, %dma_wait3A_231, %dma_wait3A_232] : memref<2x128x128xf32, #tpu.memory_space<vmem>> -> memref<1x128x128xf32, #tpu.memory_space<vmem>>
        %dma_wait3A_234 = tpu.memref_squeeze %dma_wait3A_233 : memref<1x128x128xf32, #tpu.memory_space<vmem>> -> memref<128x128xf32, #tpu.memory_space<vmem>>
        %dma_wait3A_235 = arith.constant 0 : i32
        %dma_wait3A_236 = arith.constant 0 : i32
        %dma_wait3A_237 = tpu.memref_slice %arg2[%dma_wait3A_235, %dma_wait3A_236] : memref<10000x128xf32, #tpu.memory_space<hbm>> -> memref<128x128xf32, #tpu.memory_space<hbm>>
        %dma_wait3A_238 = tpu.memref_slice %arg14[%dma_wait3A_230] : memref<2x!tpu.dma_semaphore, #tpu.memory_space<semaphore_mem>> -> memref<1x!tpu.dma_semaphore, #tpu.memory_space<semaphore_mem>>
        %dma_wait3A_239 = tpu.memref_squeeze %dma_wait3A_238 : memref<1x!tpu.dma_semaphore, #tpu.memory_space<semaphore_mem>> -> memref<!tpu.dma_semaphore, #tpu.memory_space<semaphore_mem>>
        %dma_wait3A_240 = arith.constant 0 : i32
        %dma_wait3A_241 = arith.constant 0 : i32
        %dma_wait3A_242 = tpu.memref_slice %arg12[%dma_wait3A_229, %dma_wait3A_240, %dma_wait3A_241] : memref<2x128x128xf32, #tpu.memory_space<vmem>> -> memref<1x128x128xf32, #tpu.memory_space<vmem>>
        %dma_wait3A_243 = tpu.memref_squeeze %dma_wait3A_242 : memref<1x128x128xf32, #tpu.memory_space<vmem>> -> memref<128x128xf32, #tpu.memory_space<vmem>>
        %dma_wait3A_244 = arith.constant 0 : i32
        %dma_wait3A_245 = arith.constant 0 : i32
        %dma_wait3A_246 = tpu.memref_slice %arg2[%dma_wait3A_244, %dma_wait3A_245] : memref<10000x128xf32, #tpu.memory_space<hbm>> -> memref<128x128xf32, #tpu.memory_space<hbm>>
        tpu.wait_dma2 semaphore(%dma_wait3A_239 : memref<!tpu.dma_semaphore, #tpu.memory_space<semaphore_mem>>) src(%dma_wait3A_246 : memref<128x128xf32, #tpu.memory_space<hbm>>) dst(%dma_wait3A_243 : memref<128x128xf32, #tpu.memory_space<vmem>>)
      } else {
      }
      %mul3A_211 = arith.constant 2 : i32
      %mul3A_212 = arith.muli %add3A_186, %mul3A_211 : i32
      %add3A_213 = arith.constant 1 : i32
      %add3A_214 = arith.addi %mul3A_212, %add3A_213 : i32
      %dma_start3A_215 = arith.constant 0 : i32
      %dma_start3A_216 = arith.constant 1 : i32
      %dma_start3A_217 = arith.constant 0 : i32
      %dma_start3A_218 = arith.constant 0 : i32
      %dma_start3A_219 = tpu.memref_slice %arg12[%dma_start3A_215, %dma_start3A_217, %dma_start3A_218] : memref<2x128x128xf32, #tpu.memory_space<vmem>> -> memref<1x128x128xf32, #tpu.memory_space<vmem>>
      %dma_start3A_220 = tpu.memref_squeeze %dma_start3A_219 : memref<1x128x128xf32, #tpu.memory_space<vmem>> -> memref<128x128xf32, #tpu.memory_space<vmem>>
      %dma_start3A_221 = arith.constant 0 : i32
      %dma_start3A_222 = tpu.memref_slice %arg11[%add3A_214, %dma_start3A_221] : memref<40x128xi32, #tpu.memory_space<vmem>> -> memref<1x128xi32, #tpu.memory_space<vmem>>
      %dma_start3A_223 = tpu.memref_squeeze %dma_start3A_222 : memref<1x128xi32, #tpu.memory_space<vmem>> -> memref<128xi32, #tpu.memory_space<vmem>>
      %dma_start3A_224 = arith.constant 0 : i32
      %dma_start3A_225 = arith.constant 0 : i32
      %dma_start3A_226 = tpu.memref_slice %arg9[%dma_start3A_224, %dma_start3A_225] : memref<10240x128xf32, #tpu.memory_space<vmem_shared>> -> memref<10240x128xf32, #tpu.memory_space<vmem_shared>>
      %dma_start3A_227 = tpu.memref_slice %arg14[%dma_start3A_216] : memref<2x!tpu.dma_semaphore, #tpu.memory_space<semaphore_mem>> -> memref<1x!tpu.dma_semaphore, #tpu.memory_space<semaphore_mem>>
      %dma_start3A_228 = tpu.memref_squeeze %dma_start3A_227 : memref<1x!tpu.dma_semaphore, #tpu.memory_space<semaphore_mem>> -> memref<!tpu.dma_semaphore, #tpu.memory_space<semaphore_mem>>
      tpu.enqueue_indirect_dma source(%dma_start3A_220 : memref<128x128xf32, #tpu.memory_space<vmem>>) target(%dma_start3A_226 : memref<10240x128xf32, #tpu.memory_space<vmem_shared>>) offsets(%dma_start3A_223 : memref<128xi32, #tpu.memory_space<vmem>>) semaphore(%dma_start3A_228 : memref<!tpu.dma_semaphore, #tpu.memory_space<semaphore_mem>>) {add = true}
    }
    %scan3A_144 = arith.constant 20 : i32
    %dma_wait3A_145 = arith.constant 0 : i32
    %dma_wait3A_146 = arith.constant 0 : i32
    %dma_wait3A_147 = arith.constant 0 : i32
    %dma_wait3A_148 = arith.constant 0 : i32
    %dma_wait3A_149 = tpu.memref_slice %arg12[%dma_wait3A_145, %dma_wait3A_147, %dma_wait3A_148] : memref<2x128x128xf32, #tpu.memory_space<vmem>> -> memref<1x128x128xf32, #tpu.memory_space<vmem>>
    %dma_wait3A_150 = tpu.memref_squeeze %dma_wait3A_149 : memref<1x128x128xf32, #tpu.memory_space<vmem>> -> memref<128x128xf32, #tpu.memory_space<vmem>>
    %dma_wait3A_151 = arith.constant 0 : i32
    %dma_wait3A_152 = arith.constant 0 : i32
    %dma_wait3A_153 = tpu.memref_slice %arg2[%dma_wait3A_151, %dma_wait3A_152] : memref<10000x128xf32, #tpu.memory_space<hbm>> -> memref<128x128xf32, #tpu.memory_space<hbm>>
    %dma_wait3A_154 = tpu.memref_slice %arg14[%dma_wait3A_146] : memref<2x!tpu.dma_semaphore, #tpu.memory_space<semaphore_mem>> -> memref<1x!tpu.dma_semaphore, #tpu.memory_space<semaphore_mem>>
    %dma_wait3A_155 = tpu.memref_squeeze %dma_wait3A_154 : memref<1x!tpu.dma_semaphore, #tpu.memory_space<semaphore_mem>> -> memref<!tpu.dma_semaphore, #tpu.memory_space<semaphore_mem>>
    %dma_wait3A_156 = arith.constant 0 : i32
    %dma_wait3A_157 = arith.constant 0 : i32
    %dma_wait3A_158 = tpu.memref_slice %arg12[%dma_wait3A_145, %dma_wait3A_156, %dma_wait3A_157] : memref<2x128x128xf32, #tpu.memory_space<vmem>> -> memref<1x128x128xf32, #tpu.memory_space<vmem>>
    %dma_wait3A_159 = tpu.memref_squeeze %dma_wait3A_158 : memref<1x128x128xf32, #tpu.memory_space<vmem>> -> memref<128x128xf32, #tpu.memory_space<vmem>>
    %dma_wait3A_160 = arith.constant 0 : i32
    %dma_wait3A_161 = arith.constant 0 : i32
    %dma_wait3A_162 = tpu.memref_slice %arg2[%dma_wait3A_160, %dma_wait3A_161] : memref<10000x128xf32, #tpu.memory_space<hbm>> -> memref<128x128xf32, #tpu.memory_space<hbm>>
    tpu.wait_dma2 semaphore(%dma_wait3A_155 : memref<!tpu.dma_semaphore, #tpu.memory_space<semaphore_mem>>) src(%dma_wait3A_162 : memref<128x128xf32, #tpu.memory_space<hbm>>) dst(%dma_wait3A_159 : memref<128x128xf32, #tpu.memory_space<vmem>>)
    %dma_wait3A_163 = arith.constant 1 : i32
    %dma_wait3A_164 = arith.constant 1 : i32
    %dma_wait3A_165 = arith.constant 0 : i32
    %dma_wait3A_166 = arith.constant 0 : i32
    %dma_wait3A_167 = tpu.memref_slice %arg12[%dma_wait3A_163, %dma_wait3A_165, %dma_wait3A_166] : memref<2x128x128xf32, #tpu.memory_space<vmem>> -> memref<1x128x128xf32, #tpu.memory_space<vmem>>
    %dma_wait3A_168 = tpu.memref_squeeze %dma_wait3A_167 : memref<1x128x128xf32, #tpu.memory_space<vmem>> -> memref<128x128xf32, #tpu.memory_space<vmem>>
    %dma_wait3A_169 = arith.constant 0 : i32
    %dma_wait3A_170 = arith.constant 0 : i32
    %dma_wait3A_171 = tpu.memref_slice %arg2[%dma_wait3A_169, %dma_wait3A_170] : memref<10000x128xf32, #tpu.memory_space<hbm>> -> memref<128x128xf32, #tpu.memory_space<hbm>>
    %dma_wait3A_172 = tpu.memref_slice %arg14[%dma_wait3A_164] : memref<2x!tpu.dma_semaphore, #tpu.memory_space<semaphore_mem>> -> memref<1x!tpu.dma_semaphore, #tpu.memory_space<semaphore_mem>>
    %dma_wait3A_173 = tpu.memref_squeeze %dma_wait3A_172 : memref<1x!tpu.dma_semaphore, #tpu.memory_space<semaphore_mem>> -> memref<!tpu.dma_semaphore, #tpu.memory_space<semaphore_mem>>
    %dma_wait3A_174 = arith.constant 0 : i32
    %dma_wait3A_175 = arith.constant 0 : i32
    %dma_wait3A_176 = tpu.memref_slice %arg12[%dma_wait3A_163, %dma_wait3A_174, %dma_wait3A_175] : memref<2x128x128xf32, #tpu.memory_space<vmem>> -> memref<1x128x128xf32, #tpu.memory_space<vmem>>
    %dma_wait3A_177 = tpu.memref_squeeze %dma_wait3A_176 : memref<1x128x128xf32, #tpu.memory_space<vmem>> -> memref<128x128xf32, #tpu.memory_space<vmem>>
    %dma_wait3A_178 = arith.constant 0 : i32
    %dma_wait3A_179 = arith.constant 0 : i32
    %dma_wait3A_180 = tpu.memref_slice %arg2[%dma_wait3A_178, %dma_wait3A_179] : memref<10000x128xf32, #tpu.memory_space<hbm>> -> memref<128x128xf32, #tpu.memory_space<hbm>>
    tpu.wait_dma2 semaphore(%dma_wait3A_173 : memref<!tpu.dma_semaphore, #tpu.memory_space<semaphore_mem>>) src(%dma_wait3A_180 : memref<128x128xf32, #tpu.memory_space<hbm>>) dst(%dma_wait3A_177 : memref<128x128xf32, #tpu.memory_space<vmem>>)
    %barrier3A_181 = arith.constant 0 : index
    tpu.barrier barrier_id(%barrier3A_181)
    "tpu.region"() ({
      %run_scoped3A_182 = tpu.sem_alloc : memref<!tpu.dma_semaphore, #tpu.memory_space<semaphore_mem>>
      %dma_start3A = arith.constant 0 : i32
      %dma_start3A_183 = tpu.memref_slice %arg8[%arg0, %mul3A_2, %dma_start3A] : memref<2x10240x128xf32, #tpu.memory_space<hbm>> -> memref<1x640x128xf32, #tpu.memory_space<hbm>>
      %dma_start3A_184 = tpu.memref_squeeze %dma_start3A_183 : memref<1x640x128xf32, #tpu.memory_space<hbm>> -> memref<640x128xf32, #tpu.memory_space<hbm>>
      %dma_start3A_185 = arith.constant 0 : i32
      %dma_start3A_186 = tpu.memref_slice %arg9[%mul3A_2, %dma_start3A_185] : memref<10240x128xf32, #tpu.memory_space<vmem_shared>> -> memref<640x128xf32, #tpu.memory_space<vmem_shared>>
      tpu.enqueue_dma source(%dma_start3A_186 : memref<640x128xf32, #tpu.memory_space<vmem_shared>>) target(%dma_start3A_184 : memref<640x128xf32, #tpu.memory_space<hbm>>) target_semaphore(%run_scoped3A_182 : memref<!tpu.dma_semaphore, #tpu.memory_space<semaphore_mem>>)
      %dma_wait3A_187 = arith.constant 0 : i32
      %dma_wait3A_188 = tpu.memref_slice %arg8[%arg0, %mul3A_2, %dma_wait3A_187] : memref<2x10240x128xf32, #tpu.memory_space<hbm>> -> memref<1x640x128xf32, #tpu.memory_space<hbm>>
      %dma_wait3A_189 = tpu.memref_squeeze %dma_wait3A_188 : memref<1x640x128xf32, #tpu.memory_space<hbm>> -> memref<640x128xf32, #tpu.memory_space<hbm>>
      %dma_wait3A_190 = arith.constant 0 : i32
      %dma_wait3A_191 = tpu.memref_slice %arg9[%mul3A_2, %dma_wait3A_190] : memref<10240x128xf32, #tpu.memory_space<vmem_shared>> -> memref<640x128xf32, #tpu.memory_space<vmem_shared>>
      tpu.wait_dma2 semaphore(%run_scoped3A_182 : memref<!tpu.dma_semaphore, #tpu.memory_space<semaphore_mem>>) src(%dma_wait3A_191 : memref<640x128xf32, #tpu.memory_space<vmem_shared>>) dst(%dma_wait3A_189 : memref<640x128xf32, #tpu.memory_space<hbm>>)
      tpu.yield
    }) : () -> ()
    return
  }
}

#map = affine_map<(d0, d1) -> (0, 0)>
#map1 = affine_map<(d0, d1) -> (0, 0, 0)>
module attributes {stable_mosaic.version = 14 : i64} {
  func.func @_sc_agg_body(%arg0: i32, %arg1: i32, %arg2: memref<10000x128xf32, #tpu.memory_space<hbm>>, %arg3: memref<2560x128xi32, #tpu.memory_space<hbm>>, %arg4: memref<2560x128xi32, #tpu.memory_space<hbm>>, %arg5: memref<640x128xf32, #tpu.memory_space<hbm>>, %arg6: memref<2x10240x128xf32, #tpu.memory_space<hbm>>, %arg7: memref<10240x128xf32, #tpu.memory_space<vmem_shared>>, %arg8: memref<40x128xi32, #tpu.memory_space<vmem>>, %arg9: memref<40x128xi32, #tpu.memory_space<vmem>>, %arg10: memref<2x128x128xf32, #tpu.memory_space<vmem>>, %arg11: memref<2x!tpu.dma_semaphore, #tpu.memory_space<semaphore_mem>>, %arg12: memref<2x!tpu.dma_semaphore, #tpu.memory_space<semaphore_mem>>) attributes {dimension_semantics = [#tpu.dimension_semantics<core_parallel>, #tpu.dimension_semantics<subcore_parallel>], iteration_bounds = array<i64: 2, 16>, scalar_prefetch = 0 : i64, scratch_operands = 6 : i64, tpu.core_type = #tpu.core_type<sc_vector_subcore>, window_params = [{transform_indices = #map}, {transform_indices = #map}, {transform_indices = #map}, {transform_indices = #map}, {transform_indices = #map1}]} {
    %mul3A = arith.constant 2 : i32
    %mul3A_0 = arith.muli %arg1, %mul3A : i32
    %add3A = arith.addi %mul3A_0, %arg0 : i32
    %mul3A_1 = arith.constant 640 : i32
    %mul3A_2 = arith.muli %arg1, %mul3A_1 : i32
    %mul3A_3 = arith.constant 80 : i32
    %mul3A_4 = arith.muli %add3A, %mul3A_3 : i32
    "tpu.region"() ({
      %run_scoped3A = tpu.sem_alloc : memref<!tpu.dma_semaphore, #tpu.memory_space<semaphore_mem>>
      %dma_start3A = arith.constant 0 : i32
      %dma_start3A_94 = tpu.memref_slice %arg7[%mul3A_2, %dma_start3A] : memref<10240x128xf32, #tpu.memory_space<vmem_shared>> -> memref<640x128xf32, #tpu.memory_space<vmem_shared>>
      tpu.enqueue_dma source(%arg5 : memref<640x128xf32, #tpu.memory_space<hbm>>) target(%dma_start3A_94 : memref<640x128xf32, #tpu.memory_space<vmem_shared>>) target_semaphore(%run_scoped3A : memref<!tpu.dma_semaphore, #tpu.memory_space<semaphore_mem>>)
      %dma_wait3A_95 = arith.constant 0 : i32
      %dma_wait3A_96 = tpu.memref_slice %arg7[%mul3A_2, %dma_wait3A_95] : memref<10240x128xf32, #tpu.memory_space<vmem_shared>> -> memref<640x128xf32, #tpu.memory_space<vmem_shared>>
      tpu.wait_dma2 semaphore(%run_scoped3A : memref<!tpu.dma_semaphore, #tpu.memory_space<semaphore_mem>>) src(%arg5 : memref<640x128xf32, #tpu.memory_space<hbm>>) dst(%dma_wait3A_96 : memref<640x128xf32, #tpu.memory_space<vmem_shared>>)
      tpu.yield
    }) : () -> ()
    %barrier3A = arith.constant 0 : index
    tpu.barrier barrier_id(%barrier3A)
    %add3A_5 = arith.constant 0 : i32
    %add3A_6 = arith.addi %mul3A_4, %add3A_5 : i32
    "tpu.region"() ({
      %run_scoped3A = tpu.sem_alloc : memref<!tpu.dma_semaphore, #tpu.memory_space<semaphore_mem>>
      %dma_start3A = arith.constant 0 : i32
      %dma_start3A_94 = tpu.memref_slice %arg3[%add3A_6, %dma_start3A] : memref<2560x128xi32, #tpu.memory_space<hbm>> -> memref<40x128xi32, #tpu.memory_space<hbm>>
      %dma_start3A_95 = arith.constant 0 : i32
      %dma_start3A_96 = tpu.memref_slice %arg3[%add3A_6, %dma_start3A_95] : memref<2560x128xi32, #tpu.memory_space<hbm>> -> memref<40x128xi32, #tpu.memory_space<hbm>>
      tpu.enqueue_dma source(%dma_start3A_96 : memref<40x128xi32, #tpu.memory_space<hbm>>) target(%arg8 : memref<40x128xi32, #tpu.memory_space<vmem>>) target_semaphore(%run_scoped3A : memref<!tpu.dma_semaphore, #tpu.memory_space<semaphore_mem>>)
      %dma_wait3A_97 = arith.constant 0 : i32
      %dma_wait3A_98 = tpu.memref_slice %arg3[%add3A_6, %dma_wait3A_97] : memref<2560x128xi32, #tpu.memory_space<hbm>> -> memref<40x128xi32, #tpu.memory_space<hbm>>
      %dma_wait3A_99 = arith.constant 0 : i32
      %dma_wait3A_100 = tpu.memref_slice %arg3[%add3A_6, %dma_wait3A_99] : memref<2560x128xi32, #tpu.memory_space<hbm>> -> memref<40x128xi32, #tpu.memory_space<hbm>>
      tpu.wait_dma2 semaphore(%run_scoped3A : memref<!tpu.dma_semaphore, #tpu.memory_space<semaphore_mem>>) src(%dma_wait3A_100 : memref<40x128xi32, #tpu.memory_space<hbm>>) dst(%arg8 : memref<40x128xi32, #tpu.memory_space<vmem>>)
      tpu.yield
    }) : () -> ()
    %add3A_7 = arith.constant 0 : i32
    %add3A_8 = arith.addi %mul3A_4, %add3A_7 : i32
    "tpu.region"() ({
      %run_scoped3A = tpu.sem_alloc : memref<!tpu.dma_semaphore, #tpu.memory_space<semaphore_mem>>
      %dma_start3A = arith.constant 0 : i32
      %dma_start3A_94 = tpu.memref_slice %arg4[%add3A_8, %dma_start3A] : memref<2560x128xi32, #tpu.memory_space<hbm>> -> memref<40x128xi32, #tpu.memory_space<hbm>>
      %dma_start3A_95 = arith.constant 0 : i32
      %dma_start3A_96 = tpu.memref_slice %arg4[%add3A_8, %dma_start3A_95] : memref<2560x128xi32, #tpu.memory_space<hbm>> -> memref<40x128xi32, #tpu.memory_space<hbm>>
      tpu.enqueue_dma source(%dma_start3A_96 : memref<40x128xi32, #tpu.memory_space<hbm>>) target(%arg9 : memref<40x128xi32, #tpu.memory_space<vmem>>) target_semaphore(%run_scoped3A : memref<!tpu.dma_semaphore, #tpu.memory_space<semaphore_mem>>)
      %dma_wait3A_97 = arith.constant 0 : i32
      %dma_wait3A_98 = tpu.memref_slice %arg4[%add3A_8, %dma_wait3A_97] : memref<2560x128xi32, #tpu.memory_space<hbm>> -> memref<40x128xi32, #tpu.memory_space<hbm>>
      %dma_wait3A_99 = arith.constant 0 : i32
      %dma_wait3A_100 = tpu.memref_slice %arg4[%add3A_8, %dma_wait3A_99] : memref<2560x128xi32, #tpu.memory_space<hbm>> -> memref<40x128xi32, #tpu.memory_space<hbm>>
      tpu.wait_dma2 semaphore(%run_scoped3A : memref<!tpu.dma_semaphore, #tpu.memory_space<semaphore_mem>>) src(%dma_wait3A_100 : memref<40x128xi32, #tpu.memory_space<hbm>>) dst(%arg9 : memref<40x128xi32, #tpu.memory_space<vmem>>)
      tpu.yield
    }) : () -> ()
    %scan3A = arith.constant 0 : i32
    %scan3A_9 = arith.constant 20 : i32
    %scan3A_10 = arith.addi %scan3A, %scan3A_9 : i32
    %scan3A_11 = arith.constant 1 : i32
    scf.for %scan3A_94 = %scan3A to %scan3A_10 step %scan3A_11  : i32 {
      %mul3A_95 = arith.constant 1 : i32
      %mul3A_96 = arith.muli %scan3A_94, %mul3A_95 : i32
      %add3A_97 = arith.constant 0 : i32
      %add3A_98 = arith.addi %add3A_97, %mul3A_96 : i32
      %gt3A = arith.constant 0 : i32
      %gt3A_99 = arith.cmpi sgt, %add3A_98, %gt3A : i32
      %convert_element_type3A = arith.extui %gt3A_99 : i1 to i32
      %cond3A = arith.constant 0 : i32
      %cond3A_100 = arith.cmpi ne, %convert_element_type3A, %cond3A : i32
      scf.if %cond3A_100 {
        %dma_wait3A_205 = arith.constant 0 : i32
        %dma_wait3A_206 = arith.constant 0 : i32
        %dma_wait3A_207 = arith.constant 0 : i32
        %dma_wait3A_208 = arith.constant 0 : i32
        %dma_wait3A_209 = tpu.memref_slice %arg10[%dma_wait3A_205, %dma_wait3A_207, %dma_wait3A_208] : memref<2x128x128xf32, #tpu.memory_space<vmem>> -> memref<1x128x128xf32, #tpu.memory_space<vmem>>
        %dma_wait3A_210 = tpu.memref_squeeze %dma_wait3A_209 : memref<1x128x128xf32, #tpu.memory_space<vmem>> -> memref<128x128xf32, #tpu.memory_space<vmem>>
        %dma_wait3A_211 = arith.constant 0 : i32
        %dma_wait3A_212 = arith.constant 0 : i32
        %dma_wait3A_213 = tpu.memref_slice %arg2[%dma_wait3A_211, %dma_wait3A_212] : memref<10000x128xf32, #tpu.memory_space<hbm>> -> memref<128x128xf32, #tpu.memory_space<hbm>>
        %dma_wait3A_214 = tpu.memref_slice %arg12[%dma_wait3A_206] : memref<2x!tpu.dma_semaphore, #tpu.memory_space<semaphore_mem>> -> memref<1x!tpu.dma_semaphore, #tpu.memory_space<semaphore_mem>>
        %dma_wait3A_215 = tpu.memref_squeeze %dma_wait3A_214 : memref<1x!tpu.dma_semaphore, #tpu.memory_space<semaphore_mem>> -> memref<!tpu.dma_semaphore, #tpu.memory_space<semaphore_mem>>
        %dma_wait3A_216 = arith.constant 0 : i32
        %dma_wait3A_217 = arith.constant 0 : i32
        %dma_wait3A_218 = tpu.memref_slice %arg10[%dma_wait3A_205, %dma_wait3A_216, %dma_wait3A_217] : memref<2x128x128xf32, #tpu.memory_space<vmem>> -> memref<1x128x128xf32, #tpu.memory_space<vmem>>
        %dma_wait3A_219 = tpu.memref_squeeze %dma_wait3A_218 : memref<1x128x128xf32, #tpu.memory_space<vmem>> -> memref<128x128xf32, #tpu.memory_space<vmem>>
        %dma_wait3A_220 = arith.constant 0 : i32
        %dma_wait3A_221 = arith.constant 0 : i32
        %dma_wait3A_222 = tpu.memref_slice %arg2[%dma_wait3A_220, %dma_wait3A_221] : memref<10000x128xf32, #tpu.memory_space<hbm>> -> memref<128x128xf32, #tpu.memory_space<hbm>>
        tpu.wait_dma2 semaphore(%dma_wait3A_215 : memref<!tpu.dma_semaphore, #tpu.memory_space<semaphore_mem>>) src(%dma_wait3A_222 : memref<128x128xf32, #tpu.memory_space<hbm>>) dst(%dma_wait3A_219 : memref<128x128xf32, #tpu.memory_space<vmem>>)
      } else {
      }
      %mul3A_101 = arith.constant 2 : i32
      %mul3A_102 = arith.muli %add3A_98, %mul3A_101 : i32
      %add3A_103 = arith.constant 0 : i32
      %add3A_104 = arith.addi %mul3A_102, %add3A_103 : i32
      %dma_start3A = arith.constant 0 : i32
      %dma_start3A_105 = arith.constant 0 : i32
      %dma_start3A_106 = arith.constant 0 : i32
      %dma_start3A_107 = arith.constant 0 : i32
      %dma_start3A_108 = tpu.memref_slice %arg10[%dma_start3A, %dma_start3A_106, %dma_start3A_107] : memref<2x128x128xf32, #tpu.memory_space<vmem>> -> memref<1x128x128xf32, #tpu.memory_space<vmem>>
      %dma_start3A_109 = tpu.memref_squeeze %dma_start3A_108 : memref<1x128x128xf32, #tpu.memory_space<vmem>> -> memref<128x128xf32, #tpu.memory_space<vmem>>
      %dma_start3A_110 = arith.constant 0 : i32
      %dma_start3A_111 = tpu.memref_slice %arg8[%add3A_104, %dma_start3A_110] : memref<40x128xi32, #tpu.memory_space<vmem>> -> memref<1x128xi32, #tpu.memory_space<vmem>>
      %dma_start3A_112 = tpu.memref_squeeze %dma_start3A_111 : memref<1x128xi32, #tpu.memory_space<vmem>> -> memref<128xi32, #tpu.memory_space<vmem>>
      %dma_start3A_113 = arith.constant 0 : i32
      %dma_start3A_114 = arith.constant 0 : i32
      %dma_start3A_115 = tpu.memref_slice %arg2[%dma_start3A_113, %dma_start3A_114] : memref<10000x128xf32, #tpu.memory_space<hbm>> -> memref<10000x128xf32, #tpu.memory_space<hbm>>
      %dma_start3A_116 = tpu.memref_slice %arg11[%dma_start3A_105] : memref<2x!tpu.dma_semaphore, #tpu.memory_space<semaphore_mem>> -> memref<1x!tpu.dma_semaphore, #tpu.memory_space<semaphore_mem>>
      %dma_start3A_117 = tpu.memref_squeeze %dma_start3A_116 : memref<1x!tpu.dma_semaphore, #tpu.memory_space<semaphore_mem>> -> memref<!tpu.dma_semaphore, #tpu.memory_space<semaphore_mem>>
      tpu.enqueue_indirect_dma source(%dma_start3A_115 : memref<10000x128xf32, #tpu.memory_space<hbm>>) target(%dma_start3A_109 : memref<128x128xf32, #tpu.memory_space<vmem>>) offsets(%dma_start3A_112 : memref<128xi32, #tpu.memory_space<vmem>>) semaphore(%dma_start3A_117 : memref<!tpu.dma_semaphore, #tpu.memory_space<semaphore_mem>>)
      %gt3A_118 = arith.constant 0 : i32
      %gt3A_119 = arith.cmpi sgt, %add3A_98, %gt3A_118 : i32
      %convert_element_type3A_120 = arith.extui %gt3A_119 : i1 to i32
      %cond3A_121 = arith.constant 0 : i32
      %cond3A_122 = arith.cmpi ne, %convert_element_type3A_120, %cond3A_121 : i32
      scf.if %cond3A_122 {
        %dma_wait3A_205 = arith.constant 1 : i32
        %dma_wait3A_206 = arith.constant 1 : i32
        %dma_wait3A_207 = arith.constant 0 : i32
        %dma_wait3A_208 = arith.constant 0 : i32
        %dma_wait3A_209 = tpu.memref_slice %arg10[%dma_wait3A_205, %dma_wait3A_207, %dma_wait3A_208] : memref<2x128x128xf32, #tpu.memory_space<vmem>> -> memref<1x128x128xf32, #tpu.memory_space<vmem>>
        %dma_wait3A_210 = tpu.memref_squeeze %dma_wait3A_209 : memref<1x128x128xf32, #tpu.memory_space<vmem>> -> memref<128x128xf32, #tpu.memory_space<vmem>>
        %dma_wait3A_211 = arith.constant 0 : i32
        %dma_wait3A_212 = arith.constant 0 : i32
        %dma_wait3A_213 = tpu.memref_slice %arg2[%dma_wait3A_211, %dma_wait3A_212] : memref<10000x128xf32, #tpu.memory_space<hbm>> -> memref<128x128xf32, #tpu.memory_space<hbm>>
        %dma_wait3A_214 = tpu.memref_slice %arg12[%dma_wait3A_206] : memref<2x!tpu.dma_semaphore, #tpu.memory_space<semaphore_mem>> -> memref<1x!tpu.dma_semaphore, #tpu.memory_space<semaphore_mem>>
        %dma_wait3A_215 = tpu.memref_squeeze %dma_wait3A_214 : memref<1x!tpu.dma_semaphore, #tpu.memory_space<semaphore_mem>> -> memref<!tpu.dma_semaphore, #tpu.memory_space<semaphore_mem>>
        %dma_wait3A_216 = arith.constant 0 : i32
        %dma_wait3A_217 = arith.constant 0 : i32
        %dma_wait3A_218 = tpu.memref_slice %arg10[%dma_wait3A_205, %dma_wait3A_216, %dma_wait3A_217] : memref<2x128x128xf32, #tpu.memory_space<vmem>> -> memref<1x128x128xf32, #tpu.memory_space<vmem>>
        %dma_wait3A_219 = tpu.memref_squeeze %dma_wait3A_218 : memref<1x128x128xf32, #tpu.memory_space<vmem>> -> memref<128x128xf32, #tpu.memory_space<vmem>>
        %dma_wait3A_220 = arith.constant 0 : i32
        %dma_wait3A_221 = arith.constant 0 : i32
        %dma_wait3A_222 = tpu.memref_slice %arg2[%dma_wait3A_220, %dma_wait3A_221] : memref<10000x128xf32, #tpu.memory_space<hbm>> -> memref<128x128xf32, #tpu.memory_space<hbm>>
        tpu.wait_dma2 semaphore(%dma_wait3A_215 : memref<!tpu.dma_semaphore, #tpu.memory_space<semaphore_mem>>) src(%dma_wait3A_222 : memref<128x128xf32, #tpu.memory_space<hbm>>) dst(%dma_wait3A_219 : memref<128x128xf32, #tpu.memory_space<vmem>>)
      } else {
      }
      %mul3A_123 = arith.constant 2 : i32
      %mul3A_124 = arith.muli %add3A_98, %mul3A_123 : i32
      %add3A_125 = arith.constant 1 : i32
      %add3A_126 = arith.addi %mul3A_124, %add3A_125 : i32
      %dma_start3A_127 = arith.constant 1 : i32
      %dma_start3A_128 = arith.constant 1 : i32
      %dma_start3A_129 = arith.constant 0 : i32
      %dma_start3A_130 = arith.constant 0 : i32
      %dma_start3A_131 = tpu.memref_slice %arg10[%dma_start3A_127, %dma_start3A_129, %dma_start3A_130] : memref<2x128x128xf32, #tpu.memory_space<vmem>> -> memref<1x128x128xf32, #tpu.memory_space<vmem>>
      %dma_start3A_132 = tpu.memref_squeeze %dma_start3A_131 : memref<1x128x128xf32, #tpu.memory_space<vmem>> -> memref<128x128xf32, #tpu.memory_space<vmem>>
      %dma_start3A_133 = arith.constant 0 : i32
      %dma_start3A_134 = tpu.memref_slice %arg8[%add3A_126, %dma_start3A_133] : memref<40x128xi32, #tpu.memory_space<vmem>> -> memref<1x128xi32, #tpu.memory_space<vmem>>
      %dma_start3A_135 = tpu.memref_squeeze %dma_start3A_134 : memref<1x128xi32, #tpu.memory_space<vmem>> -> memref<128xi32, #tpu.memory_space<vmem>>
      %dma_start3A_136 = arith.constant 0 : i32
      %dma_start3A_137 = arith.constant 0 : i32
      %dma_start3A_138 = tpu.memref_slice %arg2[%dma_start3A_136, %dma_start3A_137] : memref<10000x128xf32, #tpu.memory_space<hbm>> -> memref<10000x128xf32, #tpu.memory_space<hbm>>
      %dma_start3A_139 = tpu.memref_slice %arg11[%dma_start3A_128] : memref<2x!tpu.dma_semaphore, #tpu.memory_space<semaphore_mem>> -> memref<1x!tpu.dma_semaphore, #tpu.memory_space<semaphore_mem>>
      %dma_start3A_140 = tpu.memref_squeeze %dma_start3A_139 : memref<1x!tpu.dma_semaphore, #tpu.memory_space<semaphore_mem>> -> memref<!tpu.dma_semaphore, #tpu.memory_space<semaphore_mem>>
      tpu.enqueue_indirect_dma source(%dma_start3A_138 : memref<10000x128xf32, #tpu.memory_space<hbm>>) target(%dma_start3A_132 : memref<128x128xf32, #tpu.memory_space<vmem>>) offsets(%dma_start3A_135 : memref<128xi32, #tpu.memory_space<vmem>>) semaphore(%dma_start3A_140 : memref<!tpu.dma_semaphore, #tpu.memory_space<semaphore_mem>>)
      %dma_wait3A_141 = arith.constant 0 : i32
      %dma_wait3A_142 = arith.constant 0 : i32
      %dma_wait3A_143 = arith.constant 0 : i32
      %dma_wait3A_144 = arith.constant 0 : i32
      %dma_wait3A_145 = tpu.memref_slice %arg10[%dma_wait3A_141, %dma_wait3A_143, %dma_wait3A_144] : memref<2x128x128xf32, #tpu.memory_space<vmem>> -> memref<1x128x128xf32, #tpu.memory_space<vmem>>
      %dma_wait3A_146 = tpu.memref_squeeze %dma_wait3A_145 : memref<1x128x128xf32, #tpu.memory_space<vmem>> -> memref<128x128xf32, #tpu.memory_space<vmem>>
      %dma_wait3A_147 = arith.constant 0 : i32
      %dma_wait3A_148 = tpu.memref_slice %arg8[%add3A_104, %dma_wait3A_147] : memref<40x128xi32, #tpu.memory_space<vmem>> -> memref<1x128xi32, #tpu.memory_space<vmem>>
      %dma_wait3A_149 = tpu.memref_squeeze %dma_wait3A_148 : memref<1x128xi32, #tpu.memory_space<vmem>> -> memref<128xi32, #tpu.memory_space<vmem>>
      %dma_wait3A_150 = arith.constant 0 : i32
      %dma_wait3A_151 = arith.constant 0 : i32
      %dma_wait3A_152 = tpu.memref_slice %arg2[%dma_wait3A_150, %dma_wait3A_151] : memref<10000x128xf32, #tpu.memory_space<hbm>> -> memref<10000x128xf32, #tpu.memory_space<hbm>>
      %dma_wait3A_153 = tpu.memref_slice %arg11[%dma_wait3A_142] : memref<2x!tpu.dma_semaphore, #tpu.memory_space<semaphore_mem>> -> memref<1x!tpu.dma_semaphore, #tpu.memory_space<semaphore_mem>>
      %dma_wait3A_154 = tpu.memref_squeeze %dma_wait3A_153 : memref<1x!tpu.dma_semaphore, #tpu.memory_space<semaphore_mem>> -> memref<!tpu.dma_semaphore, #tpu.memory_space<semaphore_mem>>
      tpu.wait_indirect_dma semaphore(%dma_wait3A_154 : memref<!tpu.dma_semaphore, #tpu.memory_space<semaphore_mem>>) src(%dma_wait3A_152 : memref<10000x128xf32, #tpu.memory_space<hbm>>) dst(%dma_wait3A_146 : memref<128x128xf32, #tpu.memory_space<vmem>>)
      %mul3A_155 = arith.constant 2 : i32
      %mul3A_156 = arith.muli %add3A_98, %mul3A_155 : i32
      %add3A_157 = arith.constant 0 : i32
      %add3A_158 = arith.addi %mul3A_156, %add3A_157 : i32
      %dma_start3A_159 = arith.constant 0 : i32
      %dma_start3A_160 = arith.constant 0 : i32
      %dma_start3A_161 = arith.constant 0 : i32
      %dma_start3A_162 = arith.constant 0 : i32
      %dma_start3A_163 = tpu.memref_slice %arg10[%dma_start3A_159, %dma_start3A_161, %dma_start3A_162] : memref<2x128x128xf32, #tpu.memory_space<vmem>> -> memref<1x128x128xf32, #tpu.memory_space<vmem>>
      %dma_start3A_164 = tpu.memref_squeeze %dma_start3A_163 : memref<1x128x128xf32, #tpu.memory_space<vmem>> -> memref<128x128xf32, #tpu.memory_space<vmem>>
      %dma_start3A_165 = arith.constant 0 : i32
      %dma_start3A_166 = tpu.memref_slice %arg9[%add3A_158, %dma_start3A_165] : memref<40x128xi32, #tpu.memory_space<vmem>> -> memref<1x128xi32, #tpu.memory_space<vmem>>
      %dma_start3A_167 = tpu.memref_squeeze %dma_start3A_166 : memref<1x128xi32, #tpu.memory_space<vmem>> -> memref<128xi32, #tpu.memory_space<vmem>>
      %dma_start3A_168 = arith.constant 0 : i32
      %dma_start3A_169 = arith.constant 0 : i32
      %dma_start3A_170 = tpu.memref_slice %arg7[%dma_start3A_168, %dma_start3A_169] : memref<10240x128xf32, #tpu.memory_space<vmem_shared>> -> memref<10240x128xf32, #tpu.memory_space<vmem_shared>>
      %dma_start3A_171 = tpu.memref_slice %arg12[%dma_start3A_160] : memref<2x!tpu.dma_semaphore, #tpu.memory_space<semaphore_mem>> -> memref<1x!tpu.dma_semaphore, #tpu.memory_space<semaphore_mem>>
      %dma_start3A_172 = tpu.memref_squeeze %dma_start3A_171 : memref<1x!tpu.dma_semaphore, #tpu.memory_space<semaphore_mem>> -> memref<!tpu.dma_semaphore, #tpu.memory_space<semaphore_mem>>
      tpu.enqueue_indirect_dma source(%dma_start3A_164 : memref<128x128xf32, #tpu.memory_space<vmem>>) target(%dma_start3A_170 : memref<10240x128xf32, #tpu.memory_space<vmem_shared>>) offsets(%dma_start3A_167 : memref<128xi32, #tpu.memory_space<vmem>>) semaphore(%dma_start3A_172 : memref<!tpu.dma_semaphore, #tpu.memory_space<semaphore_mem>>) {add = true}
      %dma_wait3A_173 = arith.constant 1 : i32
      %dma_wait3A_174 = arith.constant 1 : i32
      %dma_wait3A_175 = arith.constant 0 : i32
      %dma_wait3A_176 = arith.constant 0 : i32
      %dma_wait3A_177 = tpu.memref_slice %arg10[%dma_wait3A_173, %dma_wait3A_175, %dma_wait3A_176] : memref<2x128x128xf32, #tpu.memory_space<vmem>> -> memref<1x128x128xf32, #tpu.memory_space<vmem>>
      %dma_wait3A_178 = tpu.memref_squeeze %dma_wait3A_177 : memref<1x128x128xf32, #tpu.memory_space<vmem>> -> memref<128x128xf32, #tpu.memory_space<vmem>>
      %dma_wait3A_179 = arith.constant 0 : i32
      %dma_wait3A_180 = tpu.memref_slice %arg8[%add3A_126, %dma_wait3A_179] : memref<40x128xi32, #tpu.memory_space<vmem>> -> memref<1x128xi32, #tpu.memory_space<vmem>>
      %dma_wait3A_181 = tpu.memref_squeeze %dma_wait3A_180 : memref<1x128xi32, #tpu.memory_space<vmem>> -> memref<128xi32, #tpu.memory_space<vmem>>
      %dma_wait3A_182 = arith.constant 0 : i32
      %dma_wait3A_183 = arith.constant 0 : i32
      %dma_wait3A_184 = tpu.memref_slice %arg2[%dma_wait3A_182, %dma_wait3A_183] : memref<10000x128xf32, #tpu.memory_space<hbm>> -> memref<10000x128xf32, #tpu.memory_space<hbm>>
      %dma_wait3A_185 = tpu.memref_slice %arg11[%dma_wait3A_174] : memref<2x!tpu.dma_semaphore, #tpu.memory_space<semaphore_mem>> -> memref<1x!tpu.dma_semaphore, #tpu.memory_space<semaphore_mem>>
      %dma_wait3A_186 = tpu.memref_squeeze %dma_wait3A_185 : memref<1x!tpu.dma_semaphore, #tpu.memory_space<semaphore_mem>> -> memref<!tpu.dma_semaphore, #tpu.memory_space<semaphore_mem>>
      tpu.wait_indirect_dma semaphore(%dma_wait3A_186 : memref<!tpu.dma_semaphore, #tpu.memory_space<semaphore_mem>>) src(%dma_wait3A_184 : memref<10000x128xf32, #tpu.memory_space<hbm>>) dst(%dma_wait3A_178 : memref<128x128xf32, #tpu.memory_space<vmem>>)
      %mul3A_187 = arith.constant 2 : i32
      %mul3A_188 = arith.muli %add3A_98, %mul3A_187 : i32
      %add3A_189 = arith.constant 1 : i32
      %add3A_190 = arith.addi %mul3A_188, %add3A_189 : i32
      %dma_start3A_191 = arith.constant 1 : i32
      %dma_start3A_192 = arith.constant 1 : i32
      %dma_start3A_193 = arith.constant 0 : i32
      %dma_start3A_194 = arith.constant 0 : i32
      %dma_start3A_195 = tpu.memref_slice %arg10[%dma_start3A_191, %dma_start3A_193, %dma_start3A_194] : memref<2x128x128xf32, #tpu.memory_space<vmem>> -> memref<1x128x128xf32, #tpu.memory_space<vmem>>
      %dma_start3A_196 = tpu.memref_squeeze %dma_start3A_195 : memref<1x128x128xf32, #tpu.memory_space<vmem>> -> memref<128x128xf32, #tpu.memory_space<vmem>>
      %dma_start3A_197 = arith.constant 0 : i32
      %dma_start3A_198 = tpu.memref_slice %arg9[%add3A_190, %dma_start3A_197] : memref<40x128xi32, #tpu.memory_space<vmem>> -> memref<1x128xi32, #tpu.memory_space<vmem>>
      %dma_start3A_199 = tpu.memref_squeeze %dma_start3A_198 : memref<1x128xi32, #tpu.memory_space<vmem>> -> memref<128xi32, #tpu.memory_space<vmem>>
      %dma_start3A_200 = arith.constant 0 : i32
      %dma_start3A_201 = arith.constant 0 : i32
      %dma_start3A_202 = tpu.memref_slice %arg7[%dma_start3A_200, %dma_start3A_201] : memref<10240x128xf32, #tpu.memory_space<vmem_shared>> -> memref<10240x128xf32, #tpu.memory_space<vmem_shared>>
      %dma_start3A_203 = tpu.memref_slice %arg12[%dma_start3A_192] : memref<2x!tpu.dma_semaphore, #tpu.memory_space<semaphore_mem>> -> memref<1x!tpu.dma_semaphore, #tpu.memory_space<semaphore_mem>>
      %dma_start3A_204 = tpu.memref_squeeze %dma_start3A_203 : memref<1x!tpu.dma_semaphore, #tpu.memory_space<semaphore_mem>> -> memref<!tpu.dma_semaphore, #tpu.memory_space<semaphore_mem>>
      tpu.enqueue_indirect_dma source(%dma_start3A_196 : memref<128x128xf32, #tpu.memory_space<vmem>>) target(%dma_start3A_202 : memref<10240x128xf32, #tpu.memory_space<vmem_shared>>) offsets(%dma_start3A_199 : memref<128xi32, #tpu.memory_space<vmem>>) semaphore(%dma_start3A_204 : memref<!tpu.dma_semaphore, #tpu.memory_space<semaphore_mem>>) {add = true}
    }
    %scan3A_12 = arith.constant 20 : i32
    %dma_wait3A = arith.constant 0 : i32
    %dma_wait3A_13 = arith.constant 0 : i32
    %dma_wait3A_14 = arith.constant 0 : i32
    %dma_wait3A_15 = arith.constant 0 : i32
    %dma_wait3A_16 = tpu.memref_slice %arg10[%dma_wait3A, %dma_wait3A_14, %dma_wait3A_15] : memref<2x128x128xf32, #tpu.memory_space<vmem>> -> memref<1x128x128xf32, #tpu.memory_space<vmem>>
    %dma_wait3A_17 = tpu.memref_squeeze %dma_wait3A_16 : memref<1x128x128xf32, #tpu.memory_space<vmem>> -> memref<128x128xf32, #tpu.memory_space<vmem>>
    %dma_wait3A_18 = arith.constant 0 : i32
    %dma_wait3A_19 = arith.constant 0 : i32
    %dma_wait3A_20 = tpu.memref_slice %arg2[%dma_wait3A_18, %dma_wait3A_19] : memref<10000x128xf32, #tpu.memory_space<hbm>> -> memref<128x128xf32, #tpu.memory_space<hbm>>
    %dma_wait3A_21 = tpu.memref_slice %arg12[%dma_wait3A_13] : memref<2x!tpu.dma_semaphore, #tpu.memory_space<semaphore_mem>> -> memref<1x!tpu.dma_semaphore, #tpu.memory_space<semaphore_mem>>
    %dma_wait3A_22 = tpu.memref_squeeze %dma_wait3A_21 : memref<1x!tpu.dma_semaphore, #tpu.memory_space<semaphore_mem>> -> memref<!tpu.dma_semaphore, #tpu.memory_space<semaphore_mem>>
    %dma_wait3A_23 = arith.constant 0 : i32
    %dma_wait3A_24 = arith.constant 0 : i32
    %dma_wait3A_25 = tpu.memref_slice %arg10[%dma_wait3A, %dma_wait3A_23, %dma_wait3A_24] : memref<2x128x128xf32, #tpu.memory_space<vmem>> -> memref<1x128x128xf32, #tpu.memory_space<vmem>>
    %dma_wait3A_26 = tpu.memref_squeeze %dma_wait3A_25 : memref<1x128x128xf32, #tpu.memory_space<vmem>> -> memref<128x128xf32, #tpu.memory_space<vmem>>
    %dma_wait3A_27 = arith.constant 0 : i32
    %dma_wait3A_28 = arith.constant 0 : i32
    %dma_wait3A_29 = tpu.memref_slice %arg2[%dma_wait3A_27, %dma_wait3A_28] : memref<10000x128xf32, #tpu.memory_space<hbm>> -> memref<128x128xf32, #tpu.memory_space<hbm>>
    tpu.wait_dma2 semaphore(%dma_wait3A_22 : memref<!tpu.dma_semaphore, #tpu.memory_space<semaphore_mem>>) src(%dma_wait3A_29 : memref<128x128xf32, #tpu.memory_space<hbm>>) dst(%dma_wait3A_26 : memref<128x128xf32, #tpu.memory_space<vmem>>)
    %dma_wait3A_30 = arith.constant 1 : i32
    %dma_wait3A_31 = arith.constant 1 : i32
    %dma_wait3A_32 = arith.constant 0 : i32
    %dma_wait3A_33 = arith.constant 0 : i32
    %dma_wait3A_34 = tpu.memref_slice %arg10[%dma_wait3A_30, %dma_wait3A_32, %dma_wait3A_33] : memref<2x128x128xf32, #tpu.memory_space<vmem>> -> memref<1x128x128xf32, #tpu.memory_space<vmem>>
    %dma_wait3A_35 = tpu.memref_squeeze %dma_wait3A_34 : memref<1x128x128xf32, #tpu.memory_space<vmem>> -> memref<128x128xf32, #tpu.memory_space<vmem>>
    %dma_wait3A_36 = arith.constant 0 : i32
    %dma_wait3A_37 = arith.constant 0 : i32
    %dma_wait3A_38 = tpu.memref_slice %arg2[%dma_wait3A_36, %dma_wait3A_37] : memref<10000x128xf32, #tpu.memory_space<hbm>> -> memref<128x128xf32, #tpu.memory_space<hbm>>
    %dma_wait3A_39 = tpu.memref_slice %arg12[%dma_wait3A_31] : memref<2x!tpu.dma_semaphore, #tpu.memory_space<semaphore_mem>> -> memref<1x!tpu.dma_semaphore, #tpu.memory_space<semaphore_mem>>
    %dma_wait3A_40 = tpu.memref_squeeze %dma_wait3A_39 : memref<1x!tpu.dma_semaphore, #tpu.memory_space<semaphore_mem>> -> memref<!tpu.dma_semaphore, #tpu.memory_space<semaphore_mem>>
    %dma_wait3A_41 = arith.constant 0 : i32
    %dma_wait3A_42 = arith.constant 0 : i32
    %dma_wait3A_43 = tpu.memref_slice %arg10[%dma_wait3A_30, %dma_wait3A_41, %dma_wait3A_42] : memref<2x128x128xf32, #tpu.memory_space<vmem>> -> memref<1x128x128xf32, #tpu.memory_space<vmem>>
    %dma_wait3A_44 = tpu.memref_squeeze %dma_wait3A_43 : memref<1x128x128xf32, #tpu.memory_space<vmem>> -> memref<128x128xf32, #tpu.memory_space<vmem>>
    %dma_wait3A_45 = arith.constant 0 : i32
    %dma_wait3A_46 = arith.constant 0 : i32
    %dma_wait3A_47 = tpu.memref_slice %arg2[%dma_wait3A_45, %dma_wait3A_46] : memref<10000x128xf32, #tpu.memory_space<hbm>> -> memref<128x128xf32, #tpu.memory_space<hbm>>
    tpu.wait_dma2 semaphore(%dma_wait3A_40 : memref<!tpu.dma_semaphore, #tpu.memory_space<semaphore_mem>>) src(%dma_wait3A_47 : memref<128x128xf32, #tpu.memory_space<hbm>>) dst(%dma_wait3A_44 : memref<128x128xf32, #tpu.memory_space<vmem>>)
    %add3A_48 = arith.constant 40 : i32
    %add3A_49 = arith.addi %mul3A_4, %add3A_48 : i32
    "tpu.region"() ({
      %run_scoped3A = tpu.sem_alloc : memref<!tpu.dma_semaphore, #tpu.memory_space<semaphore_mem>>
      %dma_start3A = arith.constant 0 : i32
      %dma_start3A_94 = tpu.memref_slice %arg3[%add3A_49, %dma_start3A] : memref<2560x128xi32, #tpu.memory_space<hbm>> -> memref<40x128xi32, #tpu.memory_space<hbm>>
      %dma_start3A_95 = arith.constant 0 : i32
      %dma_start3A_96 = tpu.memref_slice %arg3[%add3A_49, %dma_start3A_95] : memref<2560x128xi32, #tpu.memory_space<hbm>> -> memref<40x128xi32, #tpu.memory_space<hbm>>
      tpu.enqueue_dma source(%dma_start3A_96 : memref<40x128xi32, #tpu.memory_space<hbm>>) target(%arg8 : memref<40x128xi32, #tpu.memory_space<vmem>>) target_semaphore(%run_scoped3A : memref<!tpu.dma_semaphore, #tpu.memory_space<semaphore_mem>>)
      %dma_wait3A_97 = arith.constant 0 : i32
      %dma_wait3A_98 = tpu.memref_slice %arg3[%add3A_49, %dma_wait3A_97] : memref<2560x128xi32, #tpu.memory_space<hbm>> -> memref<40x128xi32, #tpu.memory_space<hbm>>
      %dma_wait3A_99 = arith.constant 0 : i32
      %dma_wait3A_100 = tpu.memref_slice %arg3[%add3A_49, %dma_wait3A_99] : memref<2560x128xi32, #tpu.memory_space<hbm>> -> memref<40x128xi32, #tpu.memory_space<hbm>>
      tpu.wait_dma2 semaphore(%run_scoped3A : memref<!tpu.dma_semaphore, #tpu.memory_space<semaphore_mem>>) src(%dma_wait3A_100 : memref<40x128xi32, #tpu.memory_space<hbm>>) dst(%arg8 : memref<40x128xi32, #tpu.memory_space<vmem>>)
      tpu.yield
    }) : () -> ()
    %add3A_50 = arith.constant 40 : i32
    %add3A_51 = arith.addi %mul3A_4, %add3A_50 : i32
    "tpu.region"() ({
      %run_scoped3A = tpu.sem_alloc : memref<!tpu.dma_semaphore, #tpu.memory_space<semaphore_mem>>
      %dma_start3A = arith.constant 0 : i32
      %dma_start3A_94 = tpu.memref_slice %arg4[%add3A_51, %dma_start3A] : memref<2560x128xi32, #tpu.memory_space<hbm>> -> memref<40x128xi32, #tpu.memory_space<hbm>>
      %dma_start3A_95 = arith.constant 0 : i32
      %dma_start3A_96 = tpu.memref_slice %arg4[%add3A_51, %dma_start3A_95] : memref<2560x128xi32, #tpu.memory_space<hbm>> -> memref<40x128xi32, #tpu.memory_space<hbm>>
      tpu.enqueue_dma source(%dma_start3A_96 : memref<40x128xi32, #tpu.memory_space<hbm>>) target(%arg9 : memref<40x128xi32, #tpu.memory_space<vmem>>) target_semaphore(%run_scoped3A : memref<!tpu.dma_semaphore, #tpu.memory_space<semaphore_mem>>)
      %dma_wait3A_97 = arith.constant 0 : i32
      %dma_wait3A_98 = tpu.memref_slice %arg4[%add3A_51, %dma_wait3A_97] : memref<2560x128xi32, #tpu.memory_space<hbm>> -> memref<40x128xi32, #tpu.memory_space<hbm>>
      %dma_wait3A_99 = arith.constant 0 : i32
      %dma_wait3A_100 = tpu.memref_slice %arg4[%add3A_51, %dma_wait3A_99] : memref<2560x128xi32, #tpu.memory_space<hbm>> -> memref<40x128xi32, #tpu.memory_space<hbm>>
      tpu.wait_dma2 semaphore(%run_scoped3A : memref<!tpu.dma_semaphore, #tpu.memory_space<semaphore_mem>>) src(%dma_wait3A_100 : memref<40x128xi32, #tpu.memory_space<hbm>>) dst(%arg9 : memref<40x128xi32, #tpu.memory_space<vmem>>)
      tpu.yield
    }) : () -> ()
    %scan3A_52 = arith.constant 0 : i32
    %scan3A_53 = arith.constant 20 : i32
    %scan3A_54 = arith.addi %scan3A_52, %scan3A_53 : i32
    %scan3A_55 = arith.constant 1 : i32
    scf.for %scan3A_94 = %scan3A_52 to %scan3A_54 step %scan3A_55  : i32 {
      %mul3A_95 = arith.constant 1 : i32
      %mul3A_96 = arith.muli %scan3A_94, %mul3A_95 : i32
      %add3A_97 = arith.constant 0 : i32
      %add3A_98 = arith.addi %add3A_97, %mul3A_96 : i32
      %gt3A = arith.constant 0 : i32
      %gt3A_99 = arith.cmpi sgt, %add3A_98, %gt3A : i32
      %convert_element_type3A = arith.extui %gt3A_99 : i1 to i32
      %cond3A = arith.constant 0 : i32
      %cond3A_100 = arith.cmpi ne, %convert_element_type3A, %cond3A : i32
      scf.if %cond3A_100 {
        %dma_wait3A_205 = arith.constant 0 : i32
        %dma_wait3A_206 = arith.constant 0 : i32
        %dma_wait3A_207 = arith.constant 0 : i32
        %dma_wait3A_208 = arith.constant 0 : i32
        %dma_wait3A_209 = tpu.memref_slice %arg10[%dma_wait3A_205, %dma_wait3A_207, %dma_wait3A_208] : memref<2x128x128xf32, #tpu.memory_space<vmem>> -> memref<1x128x128xf32, #tpu.memory_space<vmem>>
        %dma_wait3A_210 = tpu.memref_squeeze %dma_wait3A_209 : memref<1x128x128xf32, #tpu.memory_space<vmem>> -> memref<128x128xf32, #tpu.memory_space<vmem>>
        %dma_wait3A_211 = arith.constant 0 : i32
        %dma_wait3A_212 = arith.constant 0 : i32
        %dma_wait3A_213 = tpu.memref_slice %arg2[%dma_wait3A_211, %dma_wait3A_212] : memref<10000x128xf32, #tpu.memory_space<hbm>> -> memref<128x128xf32, #tpu.memory_space<hbm>>
        %dma_wait3A_214 = tpu.memref_slice %arg12[%dma_wait3A_206] : memref<2x!tpu.dma_semaphore, #tpu.memory_space<semaphore_mem>> -> memref<1x!tpu.dma_semaphore, #tpu.memory_space<semaphore_mem>>
        %dma_wait3A_215 = tpu.memref_squeeze %dma_wait3A_214 : memref<1x!tpu.dma_semaphore, #tpu.memory_space<semaphore_mem>> -> memref<!tpu.dma_semaphore, #tpu.memory_space<semaphore_mem>>
        %dma_wait3A_216 = arith.constant 0 : i32
        %dma_wait3A_217 = arith.constant 0 : i32
        %dma_wait3A_218 = tpu.memref_slice %arg10[%dma_wait3A_205, %dma_wait3A_216, %dma_wait3A_217] : memref<2x128x128xf32, #tpu.memory_space<vmem>> -> memref<1x128x128xf32, #tpu.memory_space<vmem>>
        %dma_wait3A_219 = tpu.memref_squeeze %dma_wait3A_218 : memref<1x128x128xf32, #tpu.memory_space<vmem>> -> memref<128x128xf32, #tpu.memory_space<vmem>>
        %dma_wait3A_220 = arith.constant 0 : i32
        %dma_wait3A_221 = arith.constant 0 : i32
        %dma_wait3A_222 = tpu.memref_slice %arg2[%dma_wait3A_220, %dma_wait3A_221] : memref<10000x128xf32, #tpu.memory_space<hbm>> -> memref<128x128xf32, #tpu.memory_space<hbm>>
        tpu.wait_dma2 semaphore(%dma_wait3A_215 : memref<!tpu.dma_semaphore, #tpu.memory_space<semaphore_mem>>) src(%dma_wait3A_222 : memref<128x128xf32, #tpu.memory_space<hbm>>) dst(%dma_wait3A_219 : memref<128x128xf32, #tpu.memory_space<vmem>>)
      } else {
      }
      %mul3A_101 = arith.constant 2 : i32
      %mul3A_102 = arith.muli %add3A_98, %mul3A_101 : i32
      %add3A_103 = arith.constant 0 : i32
      %add3A_104 = arith.addi %mul3A_102, %add3A_103 : i32
      %dma_start3A = arith.constant 0 : i32
      %dma_start3A_105 = arith.constant 0 : i32
      %dma_start3A_106 = arith.constant 0 : i32
      %dma_start3A_107 = arith.constant 0 : i32
      %dma_start3A_108 = tpu.memref_slice %arg10[%dma_start3A, %dma_start3A_106, %dma_start3A_107] : memref<2x128x128xf32, #tpu.memory_space<vmem>> -> memref<1x128x128xf32, #tpu.memory_space<vmem>>
      %dma_start3A_109 = tpu.memref_squeeze %dma_start3A_108 : memref<1x128x128xf32, #tpu.memory_space<vmem>> -> memref<128x128xf32, #tpu.memory_space<vmem>>
      %dma_start3A_110 = arith.constant 0 : i32
      %dma_start3A_111 = tpu.memref_slice %arg8[%add3A_104, %dma_start3A_110] : memref<40x128xi32, #tpu.memory_space<vmem>> -> memref<1x128xi32, #tpu.memory_space<vmem>>
      %dma_start3A_112 = tpu.memref_squeeze %dma_start3A_111 : memref<1x128xi32, #tpu.memory_space<vmem>> -> memref<128xi32, #tpu.memory_space<vmem>>
      %dma_start3A_113 = arith.constant 0 : i32
      %dma_start3A_114 = arith.constant 0 : i32
      %dma_start3A_115 = tpu.memref_slice %arg2[%dma_start3A_113, %dma_start3A_114] : memref<10000x128xf32, #tpu.memory_space<hbm>> -> memref<10000x128xf32, #tpu.memory_space<hbm>>
      %dma_start3A_116 = tpu.memref_slice %arg11[%dma_start3A_105] : memref<2x!tpu.dma_semaphore, #tpu.memory_space<semaphore_mem>> -> memref<1x!tpu.dma_semaphore, #tpu.memory_space<semaphore_mem>>
      %dma_start3A_117 = tpu.memref_squeeze %dma_start3A_116 : memref<1x!tpu.dma_semaphore, #tpu.memory_space<semaphore_mem>> -> memref<!tpu.dma_semaphore, #tpu.memory_space<semaphore_mem>>
      tpu.enqueue_indirect_dma source(%dma_start3A_115 : memref<10000x128xf32, #tpu.memory_space<hbm>>) target(%dma_start3A_109 : memref<128x128xf32, #tpu.memory_space<vmem>>) offsets(%dma_start3A_112 : memref<128xi32, #tpu.memory_space<vmem>>) semaphore(%dma_start3A_117 : memref<!tpu.dma_semaphore, #tpu.memory_space<semaphore_mem>>)
      %gt3A_118 = arith.constant 0 : i32
      %gt3A_119 = arith.cmpi sgt, %add3A_98, %gt3A_118 : i32
      %convert_element_type3A_120 = arith.extui %gt3A_119 : i1 to i32
      %cond3A_121 = arith.constant 0 : i32
      %cond3A_122 = arith.cmpi ne, %convert_element_type3A_120, %cond3A_121 : i32
      scf.if %cond3A_122 {
        %dma_wait3A_205 = arith.constant 1 : i32
        %dma_wait3A_206 = arith.constant 1 : i32
        %dma_wait3A_207 = arith.constant 0 : i32
        %dma_wait3A_208 = arith.constant 0 : i32
        %dma_wait3A_209 = tpu.memref_slice %arg10[%dma_wait3A_205, %dma_wait3A_207, %dma_wait3A_208] : memref<2x128x128xf32, #tpu.memory_space<vmem>> -> memref<1x128x128xf32, #tpu.memory_space<vmem>>
        %dma_wait3A_210 = tpu.memref_squeeze %dma_wait3A_209 : memref<1x128x128xf32, #tpu.memory_space<vmem>> -> memref<128x128xf32, #tpu.memory_space<vmem>>
        %dma_wait3A_211 = arith.constant 0 : i32
        %dma_wait3A_212 = arith.constant 0 : i32
        %dma_wait3A_213 = tpu.memref_slice %arg2[%dma_wait3A_211, %dma_wait3A_212] : memref<10000x128xf32, #tpu.memory_space<hbm>> -> memref<128x128xf32, #tpu.memory_space<hbm>>
        %dma_wait3A_214 = tpu.memref_slice %arg12[%dma_wait3A_206] : memref<2x!tpu.dma_semaphore, #tpu.memory_space<semaphore_mem>> -> memref<1x!tpu.dma_semaphore, #tpu.memory_space<semaphore_mem>>
        %dma_wait3A_215 = tpu.memref_squeeze %dma_wait3A_214 : memref<1x!tpu.dma_semaphore, #tpu.memory_space<semaphore_mem>> -> memref<!tpu.dma_semaphore, #tpu.memory_space<semaphore_mem>>
        %dma_wait3A_216 = arith.constant 0 : i32
        %dma_wait3A_217 = arith.constant 0 : i32
        %dma_wait3A_218 = tpu.memref_slice %arg10[%dma_wait3A_205, %dma_wait3A_216, %dma_wait3A_217] : memref<2x128x128xf32, #tpu.memory_space<vmem>> -> memref<1x128x128xf32, #tpu.memory_space<vmem>>
        %dma_wait3A_219 = tpu.memref_squeeze %dma_wait3A_218 : memref<1x128x128xf32, #tpu.memory_space<vmem>> -> memref<128x128xf32, #tpu.memory_space<vmem>>
        %dma_wait3A_220 = arith.constant 0 : i32
        %dma_wait3A_221 = arith.constant 0 : i32
        %dma_wait3A_222 = tpu.memref_slice %arg2[%dma_wait3A_220, %dma_wait3A_221] : memref<10000x128xf32, #tpu.memory_space<hbm>> -> memref<128x128xf32, #tpu.memory_space<hbm>>
        tpu.wait_dma2 semaphore(%dma_wait3A_215 : memref<!tpu.dma_semaphore, #tpu.memory_space<semaphore_mem>>) src(%dma_wait3A_222 : memref<128x128xf32, #tpu.memory_space<hbm>>) dst(%dma_wait3A_219 : memref<128x128xf32, #tpu.memory_space<vmem>>)
      } else {
      }
      %mul3A_123 = arith.constant 2 : i32
      %mul3A_124 = arith.muli %add3A_98, %mul3A_123 : i32
      %add3A_125 = arith.constant 1 : i32
      %add3A_126 = arith.addi %mul3A_124, %add3A_125 : i32
      %dma_start3A_127 = arith.constant 1 : i32
      %dma_start3A_128 = arith.constant 1 : i32
      %dma_start3A_129 = arith.constant 0 : i32
      %dma_start3A_130 = arith.constant 0 : i32
      %dma_start3A_131 = tpu.memref_slice %arg10[%dma_start3A_127, %dma_start3A_129, %dma_start3A_130] : memref<2x128x128xf32, #tpu.memory_space<vmem>> -> memref<1x128x128xf32, #tpu.memory_space<vmem>>
      %dma_start3A_132 = tpu.memref_squeeze %dma_start3A_131 : memref<1x128x128xf32, #tpu.memory_space<vmem>> -> memref<128x128xf32, #tpu.memory_space<vmem>>
      %dma_start3A_133 = arith.constant 0 : i32
      %dma_start3A_134 = tpu.memref_slice %arg8[%add3A_126, %dma_start3A_133] : memref<40x128xi32, #tpu.memory_space<vmem>> -> memref<1x128xi32, #tpu.memory_space<vmem>>
      %dma_start3A_135 = tpu.memref_squeeze %dma_start3A_134 : memref<1x128xi32, #tpu.memory_space<vmem>> -> memref<128xi32, #tpu.memory_space<vmem>>
      %dma_start3A_136 = arith.constant 0 : i32
      %dma_start3A_137 = arith.constant 0 : i32
      %dma_start3A_138 = tpu.memref_slice %arg2[%dma_start3A_136, %dma_start3A_137] : memref<10000x128xf32, #tpu.memory_space<hbm>> -> memref<10000x128xf32, #tpu.memory_space<hbm>>
      %dma_start3A_139 = tpu.memref_slice %arg11[%dma_start3A_128] : memref<2x!tpu.dma_semaphore, #tpu.memory_space<semaphore_mem>> -> memref<1x!tpu.dma_semaphore, #tpu.memory_space<semaphore_mem>>
      %dma_start3A_140 = tpu.memref_squeeze %dma_start3A_139 : memref<1x!tpu.dma_semaphore, #tpu.memory_space<semaphore_mem>> -> memref<!tpu.dma_semaphore, #tpu.memory_space<semaphore_mem>>
      tpu.enqueue_indirect_dma source(%dma_start3A_138 : memref<10000x128xf32, #tpu.memory_space<hbm>>) target(%dma_start3A_132 : memref<128x128xf32, #tpu.memory_space<vmem>>) offsets(%dma_start3A_135 : memref<128xi32, #tpu.memory_space<vmem>>) semaphore(%dma_start3A_140 : memref<!tpu.dma_semaphore, #tpu.memory_space<semaphore_mem>>)
      %dma_wait3A_141 = arith.constant 0 : i32
      %dma_wait3A_142 = arith.constant 0 : i32
      %dma_wait3A_143 = arith.constant 0 : i32
      %dma_wait3A_144 = arith.constant 0 : i32
      %dma_wait3A_145 = tpu.memref_slice %arg10[%dma_wait3A_141, %dma_wait3A_143, %dma_wait3A_144] : memref<2x128x128xf32, #tpu.memory_space<vmem>> -> memref<1x128x128xf32, #tpu.memory_space<vmem>>
      %dma_wait3A_146 = tpu.memref_squeeze %dma_wait3A_145 : memref<1x128x128xf32, #tpu.memory_space<vmem>> -> memref<128x128xf32, #tpu.memory_space<vmem>>
      %dma_wait3A_147 = arith.constant 0 : i32
      %dma_wait3A_148 = tpu.memref_slice %arg8[%add3A_104, %dma_wait3A_147] : memref<40x128xi32, #tpu.memory_space<vmem>> -> memref<1x128xi32, #tpu.memory_space<vmem>>
      %dma_wait3A_149 = tpu.memref_squeeze %dma_wait3A_148 : memref<1x128xi32, #tpu.memory_space<vmem>> -> memref<128xi32, #tpu.memory_space<vmem>>
      %dma_wait3A_150 = arith.constant 0 : i32
      %dma_wait3A_151 = arith.constant 0 : i32
      %dma_wait3A_152 = tpu.memref_slice %arg2[%dma_wait3A_150, %dma_wait3A_151] : memref<10000x128xf32, #tpu.memory_space<hbm>> -> memref<10000x128xf32, #tpu.memory_space<hbm>>
      %dma_wait3A_153 = tpu.memref_slice %arg11[%dma_wait3A_142] : memref<2x!tpu.dma_semaphore, #tpu.memory_space<semaphore_mem>> -> memref<1x!tpu.dma_semaphore, #tpu.memory_space<semaphore_mem>>
      %dma_wait3A_154 = tpu.memref_squeeze %dma_wait3A_153 : memref<1x!tpu.dma_semaphore, #tpu.memory_space<semaphore_mem>> -> memref<!tpu.dma_semaphore, #tpu.memory_space<semaphore_mem>>
      tpu.wait_indirect_dma semaphore(%dma_wait3A_154 : memref<!tpu.dma_semaphore, #tpu.memory_space<semaphore_mem>>) src(%dma_wait3A_152 : memref<10000x128xf32, #tpu.memory_space<hbm>>) dst(%dma_wait3A_146 : memref<128x128xf32, #tpu.memory_space<vmem>>)
      %mul3A_155 = arith.constant 2 : i32
      %mul3A_156 = arith.muli %add3A_98, %mul3A_155 : i32
      %add3A_157 = arith.constant 0 : i32
      %add3A_158 = arith.addi %mul3A_156, %add3A_157 : i32
      %dma_start3A_159 = arith.constant 0 : i32
      %dma_start3A_160 = arith.constant 0 : i32
      %dma_start3A_161 = arith.constant 0 : i32
      %dma_start3A_162 = arith.constant 0 : i32
      %dma_start3A_163 = tpu.memref_slice %arg10[%dma_start3A_159, %dma_start3A_161, %dma_start3A_162] : memref<2x128x128xf32, #tpu.memory_space<vmem>> -> memref<1x128x128xf32, #tpu.memory_space<vmem>>
      %dma_start3A_164 = tpu.memref_squeeze %dma_start3A_163 : memref<1x128x128xf32, #tpu.memory_space<vmem>> -> memref<128x128xf32, #tpu.memory_space<vmem>>
      %dma_start3A_165 = arith.constant 0 : i32
      %dma_start3A_166 = tpu.memref_slice %arg9[%add3A_158, %dma_start3A_165] : memref<40x128xi32, #tpu.memory_space<vmem>> -> memref<1x128xi32, #tpu.memory_space<vmem>>
      %dma_start3A_167 = tpu.memref_squeeze %dma_start3A_166 : memref<1x128xi32, #tpu.memory_space<vmem>> -> memref<128xi32, #tpu.memory_space<vmem>>
      %dma_start3A_168 = arith.constant 0 : i32
      %dma_start3A_169 = arith.constant 0 : i32
      %dma_start3A_170 = tpu.memref_slice %arg7[%dma_start3A_168, %dma_start3A_169] : memref<10240x128xf32, #tpu.memory_space<vmem_shared>> -> memref<10240x128xf32, #tpu.memory_space<vmem_shared>>
      %dma_start3A_171 = tpu.memref_slice %arg12[%dma_start3A_160] : memref<2x!tpu.dma_semaphore, #tpu.memory_space<semaphore_mem>> -> memref<1x!tpu.dma_semaphore, #tpu.memory_space<semaphore_mem>>
      %dma_start3A_172 = tpu.memref_squeeze %dma_start3A_171 : memref<1x!tpu.dma_semaphore, #tpu.memory_space<semaphore_mem>> -> memref<!tpu.dma_semaphore, #tpu.memory_space<semaphore_mem>>
      tpu.enqueue_indirect_dma source(%dma_start3A_164 : memref<128x128xf32, #tpu.memory_space<vmem>>) target(%dma_start3A_170 : memref<10240x128xf32, #tpu.memory_space<vmem_shared>>) offsets(%dma_start3A_167 : memref<128xi32, #tpu.memory_space<vmem>>) semaphore(%dma_start3A_172 : memref<!tpu.dma_semaphore, #tpu.memory_space<semaphore_mem>>) {add = true}
      %dma_wait3A_173 = arith.constant 1 : i32
      %dma_wait3A_174 = arith.constant 1 : i32
      %dma_wait3A_175 = arith.constant 0 : i32
      %dma_wait3A_176 = arith.constant 0 : i32
      %dma_wait3A_177 = tpu.memref_slice %arg10[%dma_wait3A_173, %dma_wait3A_175, %dma_wait3A_176] : memref<2x128x128xf32, #tpu.memory_space<vmem>> -> memref<1x128x128xf32, #tpu.memory_space<vmem>>
      %dma_wait3A_178 = tpu.memref_squeeze %dma_wait3A_177 : memref<1x128x128xf32, #tpu.memory_space<vmem>> -> memref<128x128xf32, #tpu.memory_space<vmem>>
      %dma_wait3A_179 = arith.constant 0 : i32
      %dma_wait3A_180 = tpu.memref_slice %arg8[%add3A_126, %dma_wait3A_179] : memref<40x128xi32, #tpu.memory_space<vmem>> -> memref<1x128xi32, #tpu.memory_space<vmem>>
      %dma_wait3A_181 = tpu.memref_squeeze %dma_wait3A_180 : memref<1x128xi32, #tpu.memory_space<vmem>> -> memref<128xi32, #tpu.memory_space<vmem>>
      %dma_wait3A_182 = arith.constant 0 : i32
      %dma_wait3A_183 = arith.constant 0 : i32
      %dma_wait3A_184 = tpu.memref_slice %arg2[%dma_wait3A_182, %dma_wait3A_183] : memref<10000x128xf32, #tpu.memory_space<hbm>> -> memref<10000x128xf32, #tpu.memory_space<hbm>>
      %dma_wait3A_185 = tpu.memref_slice %arg11[%dma_wait3A_174] : memref<2x!tpu.dma_semaphore, #tpu.memory_space<semaphore_mem>> -> memref<1x!tpu.dma_semaphore, #tpu.memory_space<semaphore_mem>>
      %dma_wait3A_186 = tpu.memref_squeeze %dma_wait3A_185 : memref<1x!tpu.dma_semaphore, #tpu.memory_space<semaphore_mem>> -> memref<!tpu.dma_semaphore, #tpu.memory_space<semaphore_mem>>
      tpu.wait_indirect_dma semaphore(%dma_wait3A_186 : memref<!tpu.dma_semaphore, #tpu.memory_space<semaphore_mem>>) src(%dma_wait3A_184 : memref<10000x128xf32, #tpu.memory_space<hbm>>) dst(%dma_wait3A_178 : memref<128x128xf32, #tpu.memory_space<vmem>>)
      %mul3A_187 = arith.constant 2 : i32
      %mul3A_188 = arith.muli %add3A_98, %mul3A_187 : i32
      %add3A_189 = arith.constant 1 : i32
      %add3A_190 = arith.addi %mul3A_188, %add3A_189 : i32
      %dma_start3A_191 = arith.constant 1 : i32
      %dma_start3A_192 = arith.constant 1 : i32
      %dma_start3A_193 = arith.constant 0 : i32
      %dma_start3A_194 = arith.constant 0 : i32
      %dma_start3A_195 = tpu.memref_slice %arg10[%dma_start3A_191, %dma_start3A_193, %dma_start3A_194] : memref<2x128x128xf32, #tpu.memory_space<vmem>> -> memref<1x128x128xf32, #tpu.memory_space<vmem>>
      %dma_start3A_196 = tpu.memref_squeeze %dma_start3A_195 : memref<1x128x128xf32, #tpu.memory_space<vmem>> -> memref<128x128xf32, #tpu.memory_space<vmem>>
      %dma_start3A_197 = arith.constant 0 : i32
      %dma_start3A_198 = tpu.memref_slice %arg9[%add3A_190, %dma_start3A_197] : memref<40x128xi32, #tpu.memory_space<vmem>> -> memref<1x128xi32, #tpu.memory_space<vmem>>
      %dma_start3A_199 = tpu.memref_squeeze %dma_start3A_198 : memref<1x128xi32, #tpu.memory_space<vmem>> -> memref<128xi32, #tpu.memory_space<vmem>>
      %dma_start3A_200 = arith.constant 0 : i32
      %dma_start3A_201 = arith.constant 0 : i32
      %dma_start3A_202 = tpu.memref_slice %arg7[%dma_start3A_200, %dma_start3A_201] : memref<10240x128xf32, #tpu.memory_space<vmem_shared>> -> memref<10240x128xf32, #tpu.memory_space<vmem_shared>>
      %dma_start3A_203 = tpu.memref_slice %arg12[%dma_start3A_192] : memref<2x!tpu.dma_semaphore, #tpu.memory_space<semaphore_mem>> -> memref<1x!tpu.dma_semaphore, #tpu.memory_space<semaphore_mem>>
      %dma_start3A_204 = tpu.memref_squeeze %dma_start3A_203 : memref<1x!tpu.dma_semaphore, #tpu.memory_space<semaphore_mem>> -> memref<!tpu.dma_semaphore, #tpu.memory_space<semaphore_mem>>
      tpu.enqueue_indirect_dma source(%dma_start3A_196 : memref<128x128xf32, #tpu.memory_space<vmem>>) target(%dma_start3A_202 : memref<10240x128xf32, #tpu.memory_space<vmem_shared>>) offsets(%dma_start3A_199 : memref<128xi32, #tpu.memory_space<vmem>>) semaphore(%dma_start3A_204 : memref<!tpu.dma_semaphore, #tpu.memory_space<semaphore_mem>>) {add = true}
    }
    %scan3A_56 = arith.constant 20 : i32
    %dma_wait3A_57 = arith.constant 0 : i32
    %dma_wait3A_58 = arith.constant 0 : i32
    %dma_wait3A_59 = arith.constant 0 : i32
    %dma_wait3A_60 = arith.constant 0 : i32
    %dma_wait3A_61 = tpu.memref_slice %arg10[%dma_wait3A_57, %dma_wait3A_59, %dma_wait3A_60] : memref<2x128x128xf32, #tpu.memory_space<vmem>> -> memref<1x128x128xf32, #tpu.memory_space<vmem>>
    %dma_wait3A_62 = tpu.memref_squeeze %dma_wait3A_61 : memref<1x128x128xf32, #tpu.memory_space<vmem>> -> memref<128x128xf32, #tpu.memory_space<vmem>>
    %dma_wait3A_63 = arith.constant 0 : i32
    %dma_wait3A_64 = arith.constant 0 : i32
    %dma_wait3A_65 = tpu.memref_slice %arg2[%dma_wait3A_63, %dma_wait3A_64] : memref<10000x128xf32, #tpu.memory_space<hbm>> -> memref<128x128xf32, #tpu.memory_space<hbm>>
    %dma_wait3A_66 = tpu.memref_slice %arg12[%dma_wait3A_58] : memref<2x!tpu.dma_semaphore, #tpu.memory_space<semaphore_mem>> -> memref<1x!tpu.dma_semaphore, #tpu.memory_space<semaphore_mem>>
    %dma_wait3A_67 = tpu.memref_squeeze %dma_wait3A_66 : memref<1x!tpu.dma_semaphore, #tpu.memory_space<semaphore_mem>> -> memref<!tpu.dma_semaphore, #tpu.memory_space<semaphore_mem>>
    %dma_wait3A_68 = arith.constant 0 : i32
    %dma_wait3A_69 = arith.constant 0 : i32
    %dma_wait3A_70 = tpu.memref_slice %arg10[%dma_wait3A_57, %dma_wait3A_68, %dma_wait3A_69] : memref<2x128x128xf32, #tpu.memory_space<vmem>> -> memref<1x128x128xf32, #tpu.memory_space<vmem>>
    %dma_wait3A_71 = tpu.memref_squeeze %dma_wait3A_70 : memref<1x128x128xf32, #tpu.memory_space<vmem>> -> memref<128x128xf32, #tpu.memory_space<vmem>>
    %dma_wait3A_72 = arith.constant 0 : i32
    %dma_wait3A_73 = arith.constant 0 : i32
    %dma_wait3A_74 = tpu.memref_slice %arg2[%dma_wait3A_72, %dma_wait3A_73] : memref<10000x128xf32, #tpu.memory_space<hbm>> -> memref<128x128xf32, #tpu.memory_space<hbm>>
    tpu.wait_dma2 semaphore(%dma_wait3A_67 : memref<!tpu.dma_semaphore, #tpu.memory_space<semaphore_mem>>) src(%dma_wait3A_74 : memref<128x128xf32, #tpu.memory_space<hbm>>) dst(%dma_wait3A_71 : memref<128x128xf32, #tpu.memory_space<vmem>>)
    %dma_wait3A_75 = arith.constant 1 : i32
    %dma_wait3A_76 = arith.constant 1 : i32
    %dma_wait3A_77 = arith.constant 0 : i32
    %dma_wait3A_78 = arith.constant 0 : i32
    %dma_wait3A_79 = tpu.memref_slice %arg10[%dma_wait3A_75, %dma_wait3A_77, %dma_wait3A_78] : memref<2x128x128xf32, #tpu.memory_space<vmem>> -> memref<1x128x128xf32, #tpu.memory_space<vmem>>
    %dma_wait3A_80 = tpu.memref_squeeze %dma_wait3A_79 : memref<1x128x128xf32, #tpu.memory_space<vmem>> -> memref<128x128xf32, #tpu.memory_space<vmem>>
    %dma_wait3A_81 = arith.constant 0 : i32
    %dma_wait3A_82 = arith.constant 0 : i32
    %dma_wait3A_83 = tpu.memref_slice %arg2[%dma_wait3A_81, %dma_wait3A_82] : memref<10000x128xf32, #tpu.memory_space<hbm>> -> memref<128x128xf32, #tpu.memory_space<hbm>>
    %dma_wait3A_84 = tpu.memref_slice %arg12[%dma_wait3A_76] : memref<2x!tpu.dma_semaphore, #tpu.memory_space<semaphore_mem>> -> memref<1x!tpu.dma_semaphore, #tpu.memory_space<semaphore_mem>>
    %dma_wait3A_85 = tpu.memref_squeeze %dma_wait3A_84 : memref<1x!tpu.dma_semaphore, #tpu.memory_space<semaphore_mem>> -> memref<!tpu.dma_semaphore, #tpu.memory_space<semaphore_mem>>
    %dma_wait3A_86 = arith.constant 0 : i32
    %dma_wait3A_87 = arith.constant 0 : i32
    %dma_wait3A_88 = tpu.memref_slice %arg10[%dma_wait3A_75, %dma_wait3A_86, %dma_wait3A_87] : memref<2x128x128xf32, #tpu.memory_space<vmem>> -> memref<1x128x128xf32, #tpu.memory_space<vmem>>
    %dma_wait3A_89 = tpu.memref_squeeze %dma_wait3A_88 : memref<1x128x128xf32, #tpu.memory_space<vmem>> -> memref<128x128xf32, #tpu.memory_space<vmem>>
    %dma_wait3A_90 = arith.constant 0 : i32
    %dma_wait3A_91 = arith.constant 0 : i32
    %dma_wait3A_92 = tpu.memref_slice %arg2[%dma_wait3A_90, %dma_wait3A_91] : memref<10000x128xf32, #tpu.memory_space<hbm>> -> memref<128x128xf32, #tpu.memory_space<hbm>>
    tpu.wait_dma2 semaphore(%dma_wait3A_85 : memref<!tpu.dma_semaphore, #tpu.memory_space<semaphore_mem>>) src(%dma_wait3A_92 : memref<128x128xf32, #tpu.memory_space<hbm>>) dst(%dma_wait3A_89 : memref<128x128xf32, #tpu.memory_space<vmem>>)
    %barrier3A_93 = arith.constant 0 : index
    tpu.barrier barrier_id(%barrier3A_93)
    "tpu.region"() ({
      %run_scoped3A = tpu.sem_alloc : memref<!tpu.dma_semaphore, #tpu.memory_space<semaphore_mem>>
      %dma_start3A = arith.constant 0 : i32
      %dma_start3A_94 = tpu.memref_slice %arg6[%arg0, %mul3A_2, %dma_start3A] : memref<2x10240x128xf32, #tpu.memory_space<hbm>> -> memref<1x640x128xf32, #tpu.memory_space<hbm>>
      %dma_start3A_95 = tpu.memref_squeeze %dma_start3A_94 : memref<1x640x128xf32, #tpu.memory_space<hbm>> -> memref<640x128xf32, #tpu.memory_space<hbm>>
      %dma_start3A_96 = arith.constant 0 : i32
      %dma_start3A_97 = tpu.memref_slice %arg7[%mul3A_2, %dma_start3A_96] : memref<10240x128xf32, #tpu.memory_space<vmem_shared>> -> memref<640x128xf32, #tpu.memory_space<vmem_shared>>
      tpu.enqueue_dma source(%dma_start3A_97 : memref<640x128xf32, #tpu.memory_space<vmem_shared>>) target(%dma_start3A_95 : memref<640x128xf32, #tpu.memory_space<hbm>>) target_semaphore(%run_scoped3A : memref<!tpu.dma_semaphore, #tpu.memory_space<semaphore_mem>>)
      %dma_wait3A_98 = arith.constant 0 : i32
      %dma_wait3A_99 = tpu.memref_slice %arg6[%arg0, %mul3A_2, %dma_wait3A_98] : memref<2x10240x128xf32, #tpu.memory_space<hbm>> -> memref<1x640x128xf32, #tpu.memory_space<hbm>>
      %dma_wait3A_100 = tpu.memref_squeeze %dma_wait3A_99 : memref<1x640x128xf32, #tpu.memory_space<hbm>> -> memref<640x128xf32, #tpu.memory_space<hbm>>
      %dma_wait3A_101 = arith.constant 0 : i32
      %dma_wait3A_102 = tpu.memref_slice %arg7[%mul3A_2, %dma_wait3A_101] : memref<10240x128xf32, #tpu.memory_space<vmem_shared>> -> memref<640x128xf32, #tpu.memory_space<vmem_shared>>
      tpu.wait_dma2 semaphore(%run_scoped3A : memref<!tpu.dma_semaphore, #tpu.memory_space<semaphore_mem>>) src(%dma_wait3A_102 : memref<640x128xf32, #tpu.memory_space<vmem_shared>>) dst(%dma_wait3A_100 : memref<640x128xf32, #tpu.memory_space<hbm>>)
      tpu.yield
    }) : () -> ()
    return
  }
}

#map = affine_map<(d0, d1) -> (0, 0)>
#map1 = affine_map<(d0, d1) -> (0, 0, 0)>
module attributes {stable_mosaic.version = 14 : i64} {
  func.func @_sc_agg_body(%arg0: i32, %arg1: i32, %arg2: memref<10000x128xf32, #tpu.memory_space<hbm>>, %arg3: memref<2560x128xi32, #tpu.memory_space<hbm>>, %arg4: memref<2560x128xi32, #tpu.memory_space<hbm>>, %arg5: memref<640x128xf32, #tpu.memory_space<hbm>>, %arg6: memref<2x10240x128xf32, #tpu.memory_space<hbm>>, %arg7: memref<10240x128xf32, #tpu.memory_space<vmem_shared>>, %arg8: memref<40x128xi32, #tpu.memory_space<vmem>>, %arg9: memref<40x128xi32, #tpu.memory_space<vmem>>, %arg10: memref<2x128x128xf32, #tpu.memory_space<vmem>>, %arg11: memref<2x!tpu.dma_semaphore, #tpu.memory_space<semaphore_mem>>, %arg12: memref<2x!tpu.dma_semaphore, #tpu.memory_space<semaphore_mem>>) attributes {dimension_semantics = [#tpu.dimension_semantics<core_parallel>, #tpu.dimension_semantics<subcore_parallel>], iteration_bounds = array<i64: 2, 16>, scalar_prefetch = 0 : i64, scratch_operands = 6 : i64, tpu.core_type = #tpu.core_type<sc_vector_subcore>, window_params = [{transform_indices = #map}, {transform_indices = #map}, {transform_indices = #map}, {transform_indices = #map}, {transform_indices = #map1}]} {
    %mul3A = arith.constant 2 : i32
    %mul3A_0 = arith.muli %arg1, %mul3A : i32
    %add3A = arith.addi %mul3A_0, %arg0 : i32
    %mul3A_1 = arith.constant 640 : i32
    %mul3A_2 = arith.muli %arg1, %mul3A_1 : i32
    %mul3A_3 = arith.constant 80 : i32
    %mul3A_4 = arith.muli %add3A, %mul3A_3 : i32
    "tpu.region"() ({
      %run_scoped3A = tpu.sem_alloc : memref<!tpu.dma_semaphore, #tpu.memory_space<semaphore_mem>>
      %dma_start3A = arith.constant 0 : i32
      %dma_start3A_94 = tpu.memref_slice %arg7[%mul3A_2, %dma_start3A] : memref<10240x128xf32, #tpu.memory_space<vmem_shared>> -> memref<640x128xf32, #tpu.memory_space<vmem_shared>>
      tpu.enqueue_dma source(%arg5 : memref<640x128xf32, #tpu.memory_space<hbm>>) target(%dma_start3A_94 : memref<640x128xf32, #tpu.memory_space<vmem_shared>>) target_semaphore(%run_scoped3A : memref<!tpu.dma_semaphore, #tpu.memory_space<semaphore_mem>>)
      %dma_wait3A_95 = arith.constant 0 : i32
      %dma_wait3A_96 = tpu.memref_slice %arg7[%mul3A_2, %dma_wait3A_95] : memref<10240x128xf32, #tpu.memory_space<vmem_shared>> -> memref<640x128xf32, #tpu.memory_space<vmem_shared>>
      tpu.wait_dma2 semaphore(%run_scoped3A : memref<!tpu.dma_semaphore, #tpu.memory_space<semaphore_mem>>) src(%arg5 : memref<640x128xf32, #tpu.memory_space<hbm>>) dst(%dma_wait3A_96 : memref<640x128xf32, #tpu.memory_space<vmem_shared>>)
      tpu.yield
    }) : () -> ()
    %barrier3A = arith.constant 0 : index
    tpu.barrier barrier_id(%barrier3A)
    %add3A_5 = arith.constant 0 : i32
    %add3A_6 = arith.addi %mul3A_4, %add3A_5 : i32
    "tpu.region"() ({
      %run_scoped3A = tpu.sem_alloc : memref<!tpu.dma_semaphore, #tpu.memory_space<semaphore_mem>>
      %dma_start3A = arith.constant 0 : i32
      %dma_start3A_94 = tpu.memref_slice %arg3[%add3A_6, %dma_start3A] : memref<2560x128xi32, #tpu.memory_space<hbm>> -> memref<40x128xi32, #tpu.memory_space<hbm>>
      %dma_start3A_95 = arith.constant 0 : i32
      %dma_start3A_96 = tpu.memref_slice %arg3[%add3A_6, %dma_start3A_95] : memref<2560x128xi32, #tpu.memory_space<hbm>> -> memref<40x128xi32, #tpu.memory_space<hbm>>
      tpu.enqueue_dma source(%dma_start3A_96 : memref<40x128xi32, #tpu.memory_space<hbm>>) target(%arg8 : memref<40x128xi32, #tpu.memory_space<vmem>>) target_semaphore(%run_scoped3A : memref<!tpu.dma_semaphore, #tpu.memory_space<semaphore_mem>>)
      %dma_wait3A_97 = arith.constant 0 : i32
      %dma_wait3A_98 = tpu.memref_slice %arg3[%add3A_6, %dma_wait3A_97] : memref<2560x128xi32, #tpu.memory_space<hbm>> -> memref<40x128xi32, #tpu.memory_space<hbm>>
      %dma_wait3A_99 = arith.constant 0 : i32
      %dma_wait3A_100 = tpu.memref_slice %arg3[%add3A_6, %dma_wait3A_99] : memref<2560x128xi32, #tpu.memory_space<hbm>> -> memref<40x128xi32, #tpu.memory_space<hbm>>
      tpu.wait_dma2 semaphore(%run_scoped3A : memref<!tpu.dma_semaphore, #tpu.memory_space<semaphore_mem>>) src(%dma_wait3A_100 : memref<40x128xi32, #tpu.memory_space<hbm>>) dst(%arg8 : memref<40x128xi32, #tpu.memory_space<vmem>>)
      tpu.yield
    }) : () -> ()
    %add3A_7 = arith.constant 0 : i32
    %add3A_8 = arith.addi %mul3A_4, %add3A_7 : i32
    "tpu.region"() ({
      %run_scoped3A = tpu.sem_alloc : memref<!tpu.dma_semaphore, #tpu.memory_space<semaphore_mem>>
      %dma_start3A = arith.constant 0 : i32
      %dma_start3A_94 = tpu.memref_slice %arg4[%add3A_8, %dma_start3A] : memref<2560x128xi32, #tpu.memory_space<hbm>> -> memref<40x128xi32, #tpu.memory_space<hbm>>
      %dma_start3A_95 = arith.constant 0 : i32
      %dma_start3A_96 = tpu.memref_slice %arg4[%add3A_8, %dma_start3A_95] : memref<2560x128xi32, #tpu.memory_space<hbm>> -> memref<40x128xi32, #tpu.memory_space<hbm>>
      tpu.enqueue_dma source(%dma_start3A_96 : memref<40x128xi32, #tpu.memory_space<hbm>>) target(%arg9 : memref<40x128xi32, #tpu.memory_space<vmem>>) target_semaphore(%run_scoped3A : memref<!tpu.dma_semaphore, #tpu.memory_space<semaphore_mem>>)
      %dma_wait3A_97 = arith.constant 0 : i32
      %dma_wait3A_98 = tpu.memref_slice %arg4[%add3A_8, %dma_wait3A_97] : memref<2560x128xi32, #tpu.memory_space<hbm>> -> memref<40x128xi32, #tpu.memory_space<hbm>>
      %dma_wait3A_99 = arith.constant 0 : i32
      %dma_wait3A_100 = tpu.memref_slice %arg4[%add3A_8, %dma_wait3A_99] : memref<2560x128xi32, #tpu.memory_space<hbm>> -> memref<40x128xi32, #tpu.memory_space<hbm>>
      tpu.wait_dma2 semaphore(%run_scoped3A : memref<!tpu.dma_semaphore, #tpu.memory_space<semaphore_mem>>) src(%dma_wait3A_100 : memref<40x128xi32, #tpu.memory_space<hbm>>) dst(%arg9 : memref<40x128xi32, #tpu.memory_space<vmem>>)
      tpu.yield
    }) : () -> ()
    %scan3A = arith.constant 0 : i32
    %scan3A_9 = arith.constant 20 : i32
    %scan3A_10 = arith.addi %scan3A, %scan3A_9 : i32
    %scan3A_11 = arith.constant 1 : i32
    scf.for %scan3A_94 = %scan3A to %scan3A_10 step %scan3A_11  : i32 {
      %mul3A_95 = arith.constant 1 : i32
      %mul3A_96 = arith.muli %scan3A_94, %mul3A_95 : i32
      %add3A_97 = arith.constant 0 : i32
      %add3A_98 = arith.addi %add3A_97, %mul3A_96 : i32
      %gt3A = arith.constant 0 : i32
      %gt3A_99 = arith.cmpi sgt, %add3A_98, %gt3A : i32
      %convert_element_type3A = arith.extui %gt3A_99 : i1 to i32
      %cond3A = arith.constant 0 : i32
      %cond3A_100 = arith.cmpi ne, %convert_element_type3A, %cond3A : i32
      scf.if %cond3A_100 {
        %dma_wait3A_205 = arith.constant 0 : i32
        %dma_wait3A_206 = arith.constant 0 : i32
        %dma_wait3A_207 = arith.constant 0 : i32
        %dma_wait3A_208 = arith.constant 0 : i32
        %dma_wait3A_209 = tpu.memref_slice %arg10[%dma_wait3A_205, %dma_wait3A_207, %dma_wait3A_208] : memref<2x128x128xf32, #tpu.memory_space<vmem>> -> memref<1x128x128xf32, #tpu.memory_space<vmem>>
        %dma_wait3A_210 = tpu.memref_squeeze %dma_wait3A_209 : memref<1x128x128xf32, #tpu.memory_space<vmem>> -> memref<128x128xf32, #tpu.memory_space<vmem>>
        %dma_wait3A_211 = arith.constant 0 : i32
        %dma_wait3A_212 = arith.constant 0 : i32
        %dma_wait3A_213 = tpu.memref_slice %arg2[%dma_wait3A_211, %dma_wait3A_212] : memref<10000x128xf32, #tpu.memory_space<hbm>> -> memref<128x128xf32, #tpu.memory_space<hbm>>
        %dma_wait3A_214 = tpu.memref_slice %arg12[%dma_wait3A_206] : memref<2x!tpu.dma_semaphore, #tpu.memory_space<semaphore_mem>> -> memref<1x!tpu.dma_semaphore, #tpu.memory_space<semaphore_mem>>
        %dma_wait3A_215 = tpu.memref_squeeze %dma_wait3A_214 : memref<1x!tpu.dma_semaphore, #tpu.memory_space<semaphore_mem>> -> memref<!tpu.dma_semaphore, #tpu.memory_space<semaphore_mem>>
        %dma_wait3A_216 = arith.constant 0 : i32
        %dma_wait3A_217 = arith.constant 0 : i32
        %dma_wait3A_218 = tpu.memref_slice %arg10[%dma_wait3A_205, %dma_wait3A_216, %dma_wait3A_217] : memref<2x128x128xf32, #tpu.memory_space<vmem>> -> memref<1x128x128xf32, #tpu.memory_space<vmem>>
        %dma_wait3A_219 = tpu.memref_squeeze %dma_wait3A_218 : memref<1x128x128xf32, #tpu.memory_space<vmem>> -> memref<128x128xf32, #tpu.memory_space<vmem>>
        %dma_wait3A_220 = arith.constant 0 : i32
        %dma_wait3A_221 = arith.constant 0 : i32
        %dma_wait3A_222 = tpu.memref_slice %arg2[%dma_wait3A_220, %dma_wait3A_221] : memref<10000x128xf32, #tpu.memory_space<hbm>> -> memref<128x128xf32, #tpu.memory_space<hbm>>
        tpu.wait_dma2 semaphore(%dma_wait3A_215 : memref<!tpu.dma_semaphore, #tpu.memory_space<semaphore_mem>>) src(%dma_wait3A_222 : memref<128x128xf32, #tpu.memory_space<hbm>>) dst(%dma_wait3A_219 : memref<128x128xf32, #tpu.memory_space<vmem>>)
      } else {
      }
      %mul3A_101 = arith.constant 2 : i32
      %mul3A_102 = arith.muli %add3A_98, %mul3A_101 : i32
      %add3A_103 = arith.constant 0 : i32
      %add3A_104 = arith.addi %mul3A_102, %add3A_103 : i32
      %dma_start3A = arith.constant 0 : i32
      %dma_start3A_105 = arith.constant 0 : i32
      %dma_start3A_106 = arith.constant 0 : i32
      %dma_start3A_107 = arith.constant 0 : i32
      %dma_start3A_108 = tpu.memref_slice %arg10[%dma_start3A, %dma_start3A_106, %dma_start3A_107] : memref<2x128x128xf32, #tpu.memory_space<vmem>> -> memref<1x128x128xf32, #tpu.memory_space<vmem>>
      %dma_start3A_109 = tpu.memref_squeeze %dma_start3A_108 : memref<1x128x128xf32, #tpu.memory_space<vmem>> -> memref<128x128xf32, #tpu.memory_space<vmem>>
      %dma_start3A_110 = arith.constant 0 : i32
      %dma_start3A_111 = tpu.memref_slice %arg8[%add3A_104, %dma_start3A_110] : memref<40x128xi32, #tpu.memory_space<vmem>> -> memref<1x128xi32, #tpu.memory_space<vmem>>
      %dma_start3A_112 = tpu.memref_squeeze %dma_start3A_111 : memref<1x128xi32, #tpu.memory_space<vmem>> -> memref<128xi32, #tpu.memory_space<vmem>>
      %dma_start3A_113 = arith.constant 0 : i32
      %dma_start3A_114 = arith.constant 0 : i32
      %dma_start3A_115 = tpu.memref_slice %arg2[%dma_start3A_113, %dma_start3A_114] : memref<10000x128xf32, #tpu.memory_space<hbm>> -> memref<10000x128xf32, #tpu.memory_space<hbm>>
      %dma_start3A_116 = tpu.memref_slice %arg11[%dma_start3A_105] : memref<2x!tpu.dma_semaphore, #tpu.memory_space<semaphore_mem>> -> memref<1x!tpu.dma_semaphore, #tpu.memory_space<semaphore_mem>>
      %dma_start3A_117 = tpu.memref_squeeze %dma_start3A_116 : memref<1x!tpu.dma_semaphore, #tpu.memory_space<semaphore_mem>> -> memref<!tpu.dma_semaphore, #tpu.memory_space<semaphore_mem>>
      tpu.enqueue_indirect_dma source(%dma_start3A_115 : memref<10000x128xf32, #tpu.memory_space<hbm>>) target(%dma_start3A_109 : memref<128x128xf32, #tpu.memory_space<vmem>>) offsets(%dma_start3A_112 : memref<128xi32, #tpu.memory_space<vmem>>) semaphore(%dma_start3A_117 : memref<!tpu.dma_semaphore, #tpu.memory_space<semaphore_mem>>)
      %gt3A_118 = arith.constant 0 : i32
      %gt3A_119 = arith.cmpi sgt, %add3A_98, %gt3A_118 : i32
      %convert_element_type3A_120 = arith.extui %gt3A_119 : i1 to i32
      %cond3A_121 = arith.constant 0 : i32
      %cond3A_122 = arith.cmpi ne, %convert_element_type3A_120, %cond3A_121 : i32
      scf.if %cond3A_122 {
        %dma_wait3A_205 = arith.constant 1 : i32
        %dma_wait3A_206 = arith.constant 1 : i32
        %dma_wait3A_207 = arith.constant 0 : i32
        %dma_wait3A_208 = arith.constant 0 : i32
        %dma_wait3A_209 = tpu.memref_slice %arg10[%dma_wait3A_205, %dma_wait3A_207, %dma_wait3A_208] : memref<2x128x128xf32, #tpu.memory_space<vmem>> -> memref<1x128x128xf32, #tpu.memory_space<vmem>>
        %dma_wait3A_210 = tpu.memref_squeeze %dma_wait3A_209 : memref<1x128x128xf32, #tpu.memory_space<vmem>> -> memref<128x128xf32, #tpu.memory_space<vmem>>
        %dma_wait3A_211 = arith.constant 0 : i32
        %dma_wait3A_212 = arith.constant 0 : i32
        %dma_wait3A_213 = tpu.memref_slice %arg2[%dma_wait3A_211, %dma_wait3A_212] : memref<10000x128xf32, #tpu.memory_space<hbm>> -> memref<128x128xf32, #tpu.memory_space<hbm>>
        %dma_wait3A_214 = tpu.memref_slice %arg12[%dma_wait3A_206] : memref<2x!tpu.dma_semaphore, #tpu.memory_space<semaphore_mem>> -> memref<1x!tpu.dma_semaphore, #tpu.memory_space<semaphore_mem>>
        %dma_wait3A_215 = tpu.memref_squeeze %dma_wait3A_214 : memref<1x!tpu.dma_semaphore, #tpu.memory_space<semaphore_mem>> -> memref<!tpu.dma_semaphore, #tpu.memory_space<semaphore_mem>>
        %dma_wait3A_216 = arith.constant 0 : i32
        %dma_wait3A_217 = arith.constant 0 : i32
        %dma_wait3A_218 = tpu.memref_slice %arg10[%dma_wait3A_205, %dma_wait3A_216, %dma_wait3A_217] : memref<2x128x128xf32, #tpu.memory_space<vmem>> -> memref<1x128x128xf32, #tpu.memory_space<vmem>>
        %dma_wait3A_219 = tpu.memref_squeeze %dma_wait3A_218 : memref<1x128x128xf32, #tpu.memory_space<vmem>> -> memref<128x128xf32, #tpu.memory_space<vmem>>
        %dma_wait3A_220 = arith.constant 0 : i32
        %dma_wait3A_221 = arith.constant 0 : i32
        %dma_wait3A_222 = tpu.memref_slice %arg2[%dma_wait3A_220, %dma_wait3A_221] : memref<10000x128xf32, #tpu.memory_space<hbm>> -> memref<128x128xf32, #tpu.memory_space<hbm>>
        tpu.wait_dma2 semaphore(%dma_wait3A_215 : memref<!tpu.dma_semaphore, #tpu.memory_space<semaphore_mem>>) src(%dma_wait3A_222 : memref<128x128xf32, #tpu.memory_space<hbm>>) dst(%dma_wait3A_219 : memref<128x128xf32, #tpu.memory_space<vmem>>)
      } else {
      }
      %mul3A_123 = arith.constant 2 : i32
      %mul3A_124 = arith.muli %add3A_98, %mul3A_123 : i32
      %add3A_125 = arith.constant 1 : i32
      %add3A_126 = arith.addi %mul3A_124, %add3A_125 : i32
      %dma_start3A_127 = arith.constant 1 : i32
      %dma_start3A_128 = arith.constant 1 : i32
      %dma_start3A_129 = arith.constant 0 : i32
      %dma_start3A_130 = arith.constant 0 : i32
      %dma_start3A_131 = tpu.memref_slice %arg10[%dma_start3A_127, %dma_start3A_129, %dma_start3A_130] : memref<2x128x128xf32, #tpu.memory_space<vmem>> -> memref<1x128x128xf32, #tpu.memory_space<vmem>>
      %dma_start3A_132 = tpu.memref_squeeze %dma_start3A_131 : memref<1x128x128xf32, #tpu.memory_space<vmem>> -> memref<128x128xf32, #tpu.memory_space<vmem>>
      %dma_start3A_133 = arith.constant 0 : i32
      %dma_start3A_134 = tpu.memref_slice %arg8[%add3A_126, %dma_start3A_133] : memref<40x128xi32, #tpu.memory_space<vmem>> -> memref<1x128xi32, #tpu.memory_space<vmem>>
      %dma_start3A_135 = tpu.memref_squeeze %dma_start3A_134 : memref<1x128xi32, #tpu.memory_space<vmem>> -> memref<128xi32, #tpu.memory_space<vmem>>
      %dma_start3A_136 = arith.constant 0 : i32
      %dma_start3A_137 = arith.constant 0 : i32
      %dma_start3A_138 = tpu.memref_slice %arg2[%dma_start3A_136, %dma_start3A_137] : memref<10000x128xf32, #tpu.memory_space<hbm>> -> memref<10000x128xf32, #tpu.memory_space<hbm>>
      %dma_start3A_139 = tpu.memref_slice %arg11[%dma_start3A_128] : memref<2x!tpu.dma_semaphore, #tpu.memory_space<semaphore_mem>> -> memref<1x!tpu.dma_semaphore, #tpu.memory_space<semaphore_mem>>
      %dma_start3A_140 = tpu.memref_squeeze %dma_start3A_139 : memref<1x!tpu.dma_semaphore, #tpu.memory_space<semaphore_mem>> -> memref<!tpu.dma_semaphore, #tpu.memory_space<semaphore_mem>>
      tpu.enqueue_indirect_dma source(%dma_start3A_138 : memref<10000x128xf32, #tpu.memory_space<hbm>>) target(%dma_start3A_132 : memref<128x128xf32, #tpu.memory_space<vmem>>) offsets(%dma_start3A_135 : memref<128xi32, #tpu.memory_space<vmem>>) semaphore(%dma_start3A_140 : memref<!tpu.dma_semaphore, #tpu.memory_space<semaphore_mem>>)
      %dma_wait3A_141 = arith.constant 0 : i32
      %dma_wait3A_142 = arith.constant 0 : i32
      %dma_wait3A_143 = arith.constant 0 : i32
      %dma_wait3A_144 = arith.constant 0 : i32
      %dma_wait3A_145 = tpu.memref_slice %arg10[%dma_wait3A_141, %dma_wait3A_143, %dma_wait3A_144] : memref<2x128x128xf32, #tpu.memory_space<vmem>> -> memref<1x128x128xf32, #tpu.memory_space<vmem>>
      %dma_wait3A_146 = tpu.memref_squeeze %dma_wait3A_145 : memref<1x128x128xf32, #tpu.memory_space<vmem>> -> memref<128x128xf32, #tpu.memory_space<vmem>>
      %dma_wait3A_147 = arith.constant 0 : i32
      %dma_wait3A_148 = tpu.memref_slice %arg8[%add3A_104, %dma_wait3A_147] : memref<40x128xi32, #tpu.memory_space<vmem>> -> memref<1x128xi32, #tpu.memory_space<vmem>>
      %dma_wait3A_149 = tpu.memref_squeeze %dma_wait3A_148 : memref<1x128xi32, #tpu.memory_space<vmem>> -> memref<128xi32, #tpu.memory_space<vmem>>
      %dma_wait3A_150 = arith.constant 0 : i32
      %dma_wait3A_151 = arith.constant 0 : i32
      %dma_wait3A_152 = tpu.memref_slice %arg2[%dma_wait3A_150, %dma_wait3A_151] : memref<10000x128xf32, #tpu.memory_space<hbm>> -> memref<10000x128xf32, #tpu.memory_space<hbm>>
      %dma_wait3A_153 = tpu.memref_slice %arg11[%dma_wait3A_142] : memref<2x!tpu.dma_semaphore, #tpu.memory_space<semaphore_mem>> -> memref<1x!tpu.dma_semaphore, #tpu.memory_space<semaphore_mem>>
      %dma_wait3A_154 = tpu.memref_squeeze %dma_wait3A_153 : memref<1x!tpu.dma_semaphore, #tpu.memory_space<semaphore_mem>> -> memref<!tpu.dma_semaphore, #tpu.memory_space<semaphore_mem>>
      tpu.wait_indirect_dma semaphore(%dma_wait3A_154 : memref<!tpu.dma_semaphore, #tpu.memory_space<semaphore_mem>>) src(%dma_wait3A_152 : memref<10000x128xf32, #tpu.memory_space<hbm>>) dst(%dma_wait3A_146 : memref<128x128xf32, #tpu.memory_space<vmem>>)
      %mul3A_155 = arith.constant 2 : i32
      %mul3A_156 = arith.muli %add3A_98, %mul3A_155 : i32
      %add3A_157 = arith.constant 0 : i32
      %add3A_158 = arith.addi %mul3A_156, %add3A_157 : i32
      %dma_start3A_159 = arith.constant 0 : i32
      %dma_start3A_160 = arith.constant 0 : i32
      %dma_start3A_161 = arith.constant 0 : i32
      %dma_start3A_162 = arith.constant 0 : i32
      %dma_start3A_163 = tpu.memref_slice %arg10[%dma_start3A_159, %dma_start3A_161, %dma_start3A_162] : memref<2x128x128xf32, #tpu.memory_space<vmem>> -> memref<1x128x128xf32, #tpu.memory_space<vmem>>
      %dma_start3A_164 = tpu.memref_squeeze %dma_start3A_163 : memref<1x128x128xf32, #tpu.memory_space<vmem>> -> memref<128x128xf32, #tpu.memory_space<vmem>>
      %dma_start3A_165 = arith.constant 0 : i32
      %dma_start3A_166 = tpu.memref_slice %arg9[%add3A_158, %dma_start3A_165] : memref<40x128xi32, #tpu.memory_space<vmem>> -> memref<1x128xi32, #tpu.memory_space<vmem>>
      %dma_start3A_167 = tpu.memref_squeeze %dma_start3A_166 : memref<1x128xi32, #tpu.memory_space<vmem>> -> memref<128xi32, #tpu.memory_space<vmem>>
      %dma_start3A_168 = arith.constant 0 : i32
      %dma_start3A_169 = arith.constant 0 : i32
      %dma_start3A_170 = tpu.memref_slice %arg7[%dma_start3A_168, %dma_start3A_169] : memref<10240x128xf32, #tpu.memory_space<vmem_shared>> -> memref<10240x128xf32, #tpu.memory_space<vmem_shared>>
      %dma_start3A_171 = tpu.memref_slice %arg12[%dma_start3A_160] : memref<2x!tpu.dma_semaphore, #tpu.memory_space<semaphore_mem>> -> memref<1x!tpu.dma_semaphore, #tpu.memory_space<semaphore_mem>>
      %dma_start3A_172 = tpu.memref_squeeze %dma_start3A_171 : memref<1x!tpu.dma_semaphore, #tpu.memory_space<semaphore_mem>> -> memref<!tpu.dma_semaphore, #tpu.memory_space<semaphore_mem>>
      tpu.enqueue_indirect_dma source(%dma_start3A_164 : memref<128x128xf32, #tpu.memory_space<vmem>>) target(%dma_start3A_170 : memref<10240x128xf32, #tpu.memory_space<vmem_shared>>) offsets(%dma_start3A_167 : memref<128xi32, #tpu.memory_space<vmem>>) semaphore(%dma_start3A_172 : memref<!tpu.dma_semaphore, #tpu.memory_space<semaphore_mem>>) {add = true}
      %dma_wait3A_173 = arith.constant 1 : i32
      %dma_wait3A_174 = arith.constant 1 : i32
      %dma_wait3A_175 = arith.constant 0 : i32
      %dma_wait3A_176 = arith.constant 0 : i32
      %dma_wait3A_177 = tpu.memref_slice %arg10[%dma_wait3A_173, %dma_wait3A_175, %dma_wait3A_176] : memref<2x128x128xf32, #tpu.memory_space<vmem>> -> memref<1x128x128xf32, #tpu.memory_space<vmem>>
      %dma_wait3A_178 = tpu.memref_squeeze %dma_wait3A_177 : memref<1x128x128xf32, #tpu.memory_space<vmem>> -> memref<128x128xf32, #tpu.memory_space<vmem>>
      %dma_wait3A_179 = arith.constant 0 : i32
      %dma_wait3A_180 = tpu.memref_slice %arg8[%add3A_126, %dma_wait3A_179] : memref<40x128xi32, #tpu.memory_space<vmem>> -> memref<1x128xi32, #tpu.memory_space<vmem>>
      %dma_wait3A_181 = tpu.memref_squeeze %dma_wait3A_180 : memref<1x128xi32, #tpu.memory_space<vmem>> -> memref<128xi32, #tpu.memory_space<vmem>>
      %dma_wait3A_182 = arith.constant 0 : i32
      %dma_wait3A_183 = arith.constant 0 : i32
      %dma_wait3A_184 = tpu.memref_slice %arg2[%dma_wait3A_182, %dma_wait3A_183] : memref<10000x128xf32, #tpu.memory_space<hbm>> -> memref<10000x128xf32, #tpu.memory_space<hbm>>
      %dma_wait3A_185 = tpu.memref_slice %arg11[%dma_wait3A_174] : memref<2x!tpu.dma_semaphore, #tpu.memory_space<semaphore_mem>> -> memref<1x!tpu.dma_semaphore, #tpu.memory_space<semaphore_mem>>
      %dma_wait3A_186 = tpu.memref_squeeze %dma_wait3A_185 : memref<1x!tpu.dma_semaphore, #tpu.memory_space<semaphore_mem>> -> memref<!tpu.dma_semaphore, #tpu.memory_space<semaphore_mem>>
      tpu.wait_indirect_dma semaphore(%dma_wait3A_186 : memref<!tpu.dma_semaphore, #tpu.memory_space<semaphore_mem>>) src(%dma_wait3A_184 : memref<10000x128xf32, #tpu.memory_space<hbm>>) dst(%dma_wait3A_178 : memref<128x128xf32, #tpu.memory_space<vmem>>)
      %mul3A_187 = arith.constant 2 : i32
      %mul3A_188 = arith.muli %add3A_98, %mul3A_187 : i32
      %add3A_189 = arith.constant 1 : i32
      %add3A_190 = arith.addi %mul3A_188, %add3A_189 : i32
      %dma_start3A_191 = arith.constant 1 : i32
      %dma_start3A_192 = arith.constant 1 : i32
      %dma_start3A_193 = arith.constant 0 : i32
      %dma_start3A_194 = arith.constant 0 : i32
      %dma_start3A_195 = tpu.memref_slice %arg10[%dma_start3A_191, %dma_start3A_193, %dma_start3A_194] : memref<2x128x128xf32, #tpu.memory_space<vmem>> -> memref<1x128x128xf32, #tpu.memory_space<vmem>>
      %dma_start3A_196 = tpu.memref_squeeze %dma_start3A_195 : memref<1x128x128xf32, #tpu.memory_space<vmem>> -> memref<128x128xf32, #tpu.memory_space<vmem>>
      %dma_start3A_197 = arith.constant 0 : i32
      %dma_start3A_198 = tpu.memref_slice %arg9[%add3A_190, %dma_start3A_197] : memref<40x128xi32, #tpu.memory_space<vmem>> -> memref<1x128xi32, #tpu.memory_space<vmem>>
      %dma_start3A_199 = tpu.memref_squeeze %dma_start3A_198 : memref<1x128xi32, #tpu.memory_space<vmem>> -> memref<128xi32, #tpu.memory_space<vmem>>
      %dma_start3A_200 = arith.constant 0 : i32
      %dma_start3A_201 = arith.constant 0 : i32
      %dma_start3A_202 = tpu.memref_slice %arg7[%dma_start3A_200, %dma_start3A_201] : memref<10240x128xf32, #tpu.memory_space<vmem_shared>> -> memref<10240x128xf32, #tpu.memory_space<vmem_shared>>
      %dma_start3A_203 = tpu.memref_slice %arg12[%dma_start3A_192] : memref<2x!tpu.dma_semaphore, #tpu.memory_space<semaphore_mem>> -> memref<1x!tpu.dma_semaphore, #tpu.memory_space<semaphore_mem>>
      %dma_start3A_204 = tpu.memref_squeeze %dma_start3A_203 : memref<1x!tpu.dma_semaphore, #tpu.memory_space<semaphore_mem>> -> memref<!tpu.dma_semaphore, #tpu.memory_space<semaphore_mem>>
      tpu.enqueue_indirect_dma source(%dma_start3A_196 : memref<128x128xf32, #tpu.memory_space<vmem>>) target(%dma_start3A_202 : memref<10240x128xf32, #tpu.memory_space<vmem_shared>>) offsets(%dma_start3A_199 : memref<128xi32, #tpu.memory_space<vmem>>) semaphore(%dma_start3A_204 : memref<!tpu.dma_semaphore, #tpu.memory_space<semaphore_mem>>) {add = true}
    }
    %scan3A_12 = arith.constant 20 : i32
    %dma_wait3A = arith.constant 0 : i32
    %dma_wait3A_13 = arith.constant 0 : i32
    %dma_wait3A_14 = arith.constant 0 : i32
    %dma_wait3A_15 = arith.constant 0 : i32
    %dma_wait3A_16 = tpu.memref_slice %arg10[%dma_wait3A, %dma_wait3A_14, %dma_wait3A_15] : memref<2x128x128xf32, #tpu.memory_space<vmem>> -> memref<1x128x128xf32, #tpu.memory_space<vmem>>
    %dma_wait3A_17 = tpu.memref_squeeze %dma_wait3A_16 : memref<1x128x128xf32, #tpu.memory_space<vmem>> -> memref<128x128xf32, #tpu.memory_space<vmem>>
    %dma_wait3A_18 = arith.constant 0 : i32
    %dma_wait3A_19 = arith.constant 0 : i32
    %dma_wait3A_20 = tpu.memref_slice %arg2[%dma_wait3A_18, %dma_wait3A_19] : memref<10000x128xf32, #tpu.memory_space<hbm>> -> memref<128x128xf32, #tpu.memory_space<hbm>>
    %dma_wait3A_21 = tpu.memref_slice %arg12[%dma_wait3A_13] : memref<2x!tpu.dma_semaphore, #tpu.memory_space<semaphore_mem>> -> memref<1x!tpu.dma_semaphore, #tpu.memory_space<semaphore_mem>>
    %dma_wait3A_22 = tpu.memref_squeeze %dma_wait3A_21 : memref<1x!tpu.dma_semaphore, #tpu.memory_space<semaphore_mem>> -> memref<!tpu.dma_semaphore, #tpu.memory_space<semaphore_mem>>
    %dma_wait3A_23 = arith.constant 0 : i32
    %dma_wait3A_24 = arith.constant 0 : i32
    %dma_wait3A_25 = tpu.memref_slice %arg10[%dma_wait3A, %dma_wait3A_23, %dma_wait3A_24] : memref<2x128x128xf32, #tpu.memory_space<vmem>> -> memref<1x128x128xf32, #tpu.memory_space<vmem>>
    %dma_wait3A_26 = tpu.memref_squeeze %dma_wait3A_25 : memref<1x128x128xf32, #tpu.memory_space<vmem>> -> memref<128x128xf32, #tpu.memory_space<vmem>>
    %dma_wait3A_27 = arith.constant 0 : i32
    %dma_wait3A_28 = arith.constant 0 : i32
    %dma_wait3A_29 = tpu.memref_slice %arg2[%dma_wait3A_27, %dma_wait3A_28] : memref<10000x128xf32, #tpu.memory_space<hbm>> -> memref<128x128xf32, #tpu.memory_space<hbm>>
    tpu.wait_dma2 semaphore(%dma_wait3A_22 : memref<!tpu.dma_semaphore, #tpu.memory_space<semaphore_mem>>) src(%dma_wait3A_29 : memref<128x128xf32, #tpu.memory_space<hbm>>) dst(%dma_wait3A_26 : memref<128x128xf32, #tpu.memory_space<vmem>>)
    %dma_wait3A_30 = arith.constant 1 : i32
    %dma_wait3A_31 = arith.constant 1 : i32
    %dma_wait3A_32 = arith.constant 0 : i32
    %dma_wait3A_33 = arith.constant 0 : i32
    %dma_wait3A_34 = tpu.memref_slice %arg10[%dma_wait3A_30, %dma_wait3A_32, %dma_wait3A_33] : memref<2x128x128xf32, #tpu.memory_space<vmem>> -> memref<1x128x128xf32, #tpu.memory_space<vmem>>
    %dma_wait3A_35 = tpu.memref_squeeze %dma_wait3A_34 : memref<1x128x128xf32, #tpu.memory_space<vmem>> -> memref<128x128xf32, #tpu.memory_space<vmem>>
    %dma_wait3A_36 = arith.constant 0 : i32
    %dma_wait3A_37 = arith.constant 0 : i32
    %dma_wait3A_38 = tpu.memref_slice %arg2[%dma_wait3A_36, %dma_wait3A_37] : memref<10000x128xf32, #tpu.memory_space<hbm>> -> memref<128x128xf32, #tpu.memory_space<hbm>>
    %dma_wait3A_39 = tpu.memref_slice %arg12[%dma_wait3A_31] : memref<2x!tpu.dma_semaphore, #tpu.memory_space<semaphore_mem>> -> memref<1x!tpu.dma_semaphore, #tpu.memory_space<semaphore_mem>>
    %dma_wait3A_40 = tpu.memref_squeeze %dma_wait3A_39 : memref<1x!tpu.dma_semaphore, #tpu.memory_space<semaphore_mem>> -> memref<!tpu.dma_semaphore, #tpu.memory_space<semaphore_mem>>
    %dma_wait3A_41 = arith.constant 0 : i32
    %dma_wait3A_42 = arith.constant 0 : i32
    %dma_wait3A_43 = tpu.memref_slice %arg10[%dma_wait3A_30, %dma_wait3A_41, %dma_wait3A_42] : memref<2x128x128xf32, #tpu.memory_space<vmem>> -> memref<1x128x128xf32, #tpu.memory_space<vmem>>
    %dma_wait3A_44 = tpu.memref_squeeze %dma_wait3A_43 : memref<1x128x128xf32, #tpu.memory_space<vmem>> -> memref<128x128xf32, #tpu.memory_space<vmem>>
    %dma_wait3A_45 = arith.constant 0 : i32
    %dma_wait3A_46 = arith.constant 0 : i32
    %dma_wait3A_47 = tpu.memref_slice %arg2[%dma_wait3A_45, %dma_wait3A_46] : memref<10000x128xf32, #tpu.memory_space<hbm>> -> memref<128x128xf32, #tpu.memory_space<hbm>>
    tpu.wait_dma2 semaphore(%dma_wait3A_40 : memref<!tpu.dma_semaphore, #tpu.memory_space<semaphore_mem>>) src(%dma_wait3A_47 : memref<128x128xf32, #tpu.memory_space<hbm>>) dst(%dma_wait3A_44 : memref<128x128xf32, #tpu.memory_space<vmem>>)
    %add3A_48 = arith.constant 40 : i32
    %add3A_49 = arith.addi %mul3A_4, %add3A_48 : i32
    "tpu.region"() ({
      %run_scoped3A = tpu.sem_alloc : memref<!tpu.dma_semaphore, #tpu.memory_space<semaphore_mem>>
      %dma_start3A = arith.constant 0 : i32
      %dma_start3A_94 = tpu.memref_slice %arg3[%add3A_49, %dma_start3A] : memref<2560x128xi32, #tpu.memory_space<hbm>> -> memref<40x128xi32, #tpu.memory_space<hbm>>
      %dma_start3A_95 = arith.constant 0 : i32
      %dma_start3A_96 = tpu.memref_slice %arg3[%add3A_49, %dma_start3A_95] : memref<2560x128xi32, #tpu.memory_space<hbm>> -> memref<40x128xi32, #tpu.memory_space<hbm>>
      tpu.enqueue_dma source(%dma_start3A_96 : memref<40x128xi32, #tpu.memory_space<hbm>>) target(%arg8 : memref<40x128xi32, #tpu.memory_space<vmem>>) target_semaphore(%run_scoped3A : memref<!tpu.dma_semaphore, #tpu.memory_space<semaphore_mem>>)
      %dma_wait3A_97 = arith.constant 0 : i32
      %dma_wait3A_98 = tpu.memref_slice %arg3[%add3A_49, %dma_wait3A_97] : memref<2560x128xi32, #tpu.memory_space<hbm>> -> memref<40x128xi32, #tpu.memory_space<hbm>>
      %dma_wait3A_99 = arith.constant 0 : i32
      %dma_wait3A_100 = tpu.memref_slice %arg3[%add3A_49, %dma_wait3A_99] : memref<2560x128xi32, #tpu.memory_space<hbm>> -> memref<40x128xi32, #tpu.memory_space<hbm>>
      tpu.wait_dma2 semaphore(%run_scoped3A : memref<!tpu.dma_semaphore, #tpu.memory_space<semaphore_mem>>) src(%dma_wait3A_100 : memref<40x128xi32, #tpu.memory_space<hbm>>) dst(%arg8 : memref<40x128xi32, #tpu.memory_space<vmem>>)
      tpu.yield
    }) : () -> ()
    %add3A_50 = arith.constant 40 : i32
    %add3A_51 = arith.addi %mul3A_4, %add3A_50 : i32
    "tpu.region"() ({
      %run_scoped3A = tpu.sem_alloc : memref<!tpu.dma_semaphore, #tpu.memory_space<semaphore_mem>>
      %dma_start3A = arith.constant 0 : i32
      %dma_start3A_94 = tpu.memref_slice %arg4[%add3A_51, %dma_start3A] : memref<2560x128xi32, #tpu.memory_space<hbm>> -> memref<40x128xi32, #tpu.memory_space<hbm>>
      %dma_start3A_95 = arith.constant 0 : i32
      %dma_start3A_96 = tpu.memref_slice %arg4[%add3A_51, %dma_start3A_95] : memref<2560x128xi32, #tpu.memory_space<hbm>> -> memref<40x128xi32, #tpu.memory_space<hbm>>
      tpu.enqueue_dma source(%dma_start3A_96 : memref<40x128xi32, #tpu.memory_space<hbm>>) target(%arg9 : memref<40x128xi32, #tpu.memory_space<vmem>>) target_semaphore(%run_scoped3A : memref<!tpu.dma_semaphore, #tpu.memory_space<semaphore_mem>>)
      %dma_wait3A_97 = arith.constant 0 : i32
      %dma_wait3A_98 = tpu.memref_slice %arg4[%add3A_51, %dma_wait3A_97] : memref<2560x128xi32, #tpu.memory_space<hbm>> -> memref<40x128xi32, #tpu.memory_space<hbm>>
      %dma_wait3A_99 = arith.constant 0 : i32
      %dma_wait3A_100 = tpu.memref_slice %arg4[%add3A_51, %dma_wait3A_99] : memref<2560x128xi32, #tpu.memory_space<hbm>> -> memref<40x128xi32, #tpu.memory_space<hbm>>
      tpu.wait_dma2 semaphore(%run_scoped3A : memref<!tpu.dma_semaphore, #tpu.memory_space<semaphore_mem>>) src(%dma_wait3A_100 : memref<40x128xi32, #tpu.memory_space<hbm>>) dst(%arg9 : memref<40x128xi32, #tpu.memory_space<vmem>>)
      tpu.yield
    }) : () -> ()
    %scan3A_52 = arith.constant 0 : i32
    %scan3A_53 = arith.constant 20 : i32
    %scan3A_54 = arith.addi %scan3A_52, %scan3A_53 : i32
    %scan3A_55 = arith.constant 1 : i32
    scf.for %scan3A_94 = %scan3A_52 to %scan3A_54 step %scan3A_55  : i32 {
      %mul3A_95 = arith.constant 1 : i32
      %mul3A_96 = arith.muli %scan3A_94, %mul3A_95 : i32
      %add3A_97 = arith.constant 0 : i32
      %add3A_98 = arith.addi %add3A_97, %mul3A_96 : i32
      %gt3A = arith.constant 0 : i32
      %gt3A_99 = arith.cmpi sgt, %add3A_98, %gt3A : i32
      %convert_element_type3A = arith.extui %gt3A_99 : i1 to i32
      %cond3A = arith.constant 0 : i32
      %cond3A_100 = arith.cmpi ne, %convert_element_type3A, %cond3A : i32
      scf.if %cond3A_100 {
        %dma_wait3A_205 = arith.constant 0 : i32
        %dma_wait3A_206 = arith.constant 0 : i32
        %dma_wait3A_207 = arith.constant 0 : i32
        %dma_wait3A_208 = arith.constant 0 : i32
        %dma_wait3A_209 = tpu.memref_slice %arg10[%dma_wait3A_205, %dma_wait3A_207, %dma_wait3A_208] : memref<2x128x128xf32, #tpu.memory_space<vmem>> -> memref<1x128x128xf32, #tpu.memory_space<vmem>>
        %dma_wait3A_210 = tpu.memref_squeeze %dma_wait3A_209 : memref<1x128x128xf32, #tpu.memory_space<vmem>> -> memref<128x128xf32, #tpu.memory_space<vmem>>
        %dma_wait3A_211 = arith.constant 0 : i32
        %dma_wait3A_212 = arith.constant 0 : i32
        %dma_wait3A_213 = tpu.memref_slice %arg2[%dma_wait3A_211, %dma_wait3A_212] : memref<10000x128xf32, #tpu.memory_space<hbm>> -> memref<128x128xf32, #tpu.memory_space<hbm>>
        %dma_wait3A_214 = tpu.memref_slice %arg12[%dma_wait3A_206] : memref<2x!tpu.dma_semaphore, #tpu.memory_space<semaphore_mem>> -> memref<1x!tpu.dma_semaphore, #tpu.memory_space<semaphore_mem>>
        %dma_wait3A_215 = tpu.memref_squeeze %dma_wait3A_214 : memref<1x!tpu.dma_semaphore, #tpu.memory_space<semaphore_mem>> -> memref<!tpu.dma_semaphore, #tpu.memory_space<semaphore_mem>>
        %dma_wait3A_216 = arith.constant 0 : i32
        %dma_wait3A_217 = arith.constant 0 : i32
        %dma_wait3A_218 = tpu.memref_slice %arg10[%dma_wait3A_205, %dma_wait3A_216, %dma_wait3A_217] : memref<2x128x128xf32, #tpu.memory_space<vmem>> -> memref<1x128x128xf32, #tpu.memory_space<vmem>>
        %dma_wait3A_219 = tpu.memref_squeeze %dma_wait3A_218 : memref<1x128x128xf32, #tpu.memory_space<vmem>> -> memref<128x128xf32, #tpu.memory_space<vmem>>
        %dma_wait3A_220 = arith.constant 0 : i32
        %dma_wait3A_221 = arith.constant 0 : i32
        %dma_wait3A_222 = tpu.memref_slice %arg2[%dma_wait3A_220, %dma_wait3A_221] : memref<10000x128xf32, #tpu.memory_space<hbm>> -> memref<128x128xf32, #tpu.memory_space<hbm>>
        tpu.wait_dma2 semaphore(%dma_wait3A_215 : memref<!tpu.dma_semaphore, #tpu.memory_space<semaphore_mem>>) src(%dma_wait3A_222 : memref<128x128xf32, #tpu.memory_space<hbm>>) dst(%dma_wait3A_219 : memref<128x128xf32, #tpu.memory_space<vmem>>)
      } else {
      }
      %mul3A_101 = arith.constant 2 : i32
      %mul3A_102 = arith.muli %add3A_98, %mul3A_101 : i32
      %add3A_103 = arith.constant 0 : i32
      %add3A_104 = arith.addi %mul3A_102, %add3A_103 : i32
      %dma_start3A = arith.constant 0 : i32
      %dma_start3A_105 = arith.constant 0 : i32
      %dma_start3A_106 = arith.constant 0 : i32
      %dma_start3A_107 = arith.constant 0 : i32
      %dma_start3A_108 = tpu.memref_slice %arg10[%dma_start3A, %dma_start3A_106, %dma_start3A_107] : memref<2x128x128xf32, #tpu.memory_space<vmem>> -> memref<1x128x128xf32, #tpu.memory_space<vmem>>
      %dma_start3A_109 = tpu.memref_squeeze %dma_start3A_108 : memref<1x128x128xf32, #tpu.memory_space<vmem>> -> memref<128x128xf32, #tpu.memory_space<vmem>>
      %dma_start3A_110 = arith.constant 0 : i32
      %dma_start3A_111 = tpu.memref_slice %arg8[%add3A_104, %dma_start3A_110] : memref<40x128xi32, #tpu.memory_space<vmem>> -> memref<1x128xi32, #tpu.memory_space<vmem>>
      %dma_start3A_112 = tpu.memref_squeeze %dma_start3A_111 : memref<1x128xi32, #tpu.memory_space<vmem>> -> memref<128xi32, #tpu.memory_space<vmem>>
      %dma_start3A_113 = arith.constant 0 : i32
      %dma_start3A_114 = arith.constant 0 : i32
      %dma_start3A_115 = tpu.memref_slice %arg2[%dma_start3A_113, %dma_start3A_114] : memref<10000x128xf32, #tpu.memory_space<hbm>> -> memref<10000x128xf32, #tpu.memory_space<hbm>>
      %dma_start3A_116 = tpu.memref_slice %arg11[%dma_start3A_105] : memref<2x!tpu.dma_semaphore, #tpu.memory_space<semaphore_mem>> -> memref<1x!tpu.dma_semaphore, #tpu.memory_space<semaphore_mem>>
      %dma_start3A_117 = tpu.memref_squeeze %dma_start3A_116 : memref<1x!tpu.dma_semaphore, #tpu.memory_space<semaphore_mem>> -> memref<!tpu.dma_semaphore, #tpu.memory_space<semaphore_mem>>
      tpu.enqueue_indirect_dma source(%dma_start3A_115 : memref<10000x128xf32, #tpu.memory_space<hbm>>) target(%dma_start3A_109 : memref<128x128xf32, #tpu.memory_space<vmem>>) offsets(%dma_start3A_112 : memref<128xi32, #tpu.memory_space<vmem>>) semaphore(%dma_start3A_117 : memref<!tpu.dma_semaphore, #tpu.memory_space<semaphore_mem>>)
      %gt3A_118 = arith.constant 0 : i32
      %gt3A_119 = arith.cmpi sgt, %add3A_98, %gt3A_118 : i32
      %convert_element_type3A_120 = arith.extui %gt3A_119 : i1 to i32
      %cond3A_121 = arith.constant 0 : i32
      %cond3A_122 = arith.cmpi ne, %convert_element_type3A_120, %cond3A_121 : i32
      scf.if %cond3A_122 {
        %dma_wait3A_205 = arith.constant 1 : i32
        %dma_wait3A_206 = arith.constant 1 : i32
        %dma_wait3A_207 = arith.constant 0 : i32
        %dma_wait3A_208 = arith.constant 0 : i32
        %dma_wait3A_209 = tpu.memref_slice %arg10[%dma_wait3A_205, %dma_wait3A_207, %dma_wait3A_208] : memref<2x128x128xf32, #tpu.memory_space<vmem>> -> memref<1x128x128xf32, #tpu.memory_space<vmem>>
        %dma_wait3A_210 = tpu.memref_squeeze %dma_wait3A_209 : memref<1x128x128xf32, #tpu.memory_space<vmem>> -> memref<128x128xf32, #tpu.memory_space<vmem>>
        %dma_wait3A_211 = arith.constant 0 : i32
        %dma_wait3A_212 = arith.constant 0 : i32
        %dma_wait3A_213 = tpu.memref_slice %arg2[%dma_wait3A_211, %dma_wait3A_212] : memref<10000x128xf32, #tpu.memory_space<hbm>> -> memref<128x128xf32, #tpu.memory_space<hbm>>
        %dma_wait3A_214 = tpu.memref_slice %arg12[%dma_wait3A_206] : memref<2x!tpu.dma_semaphore, #tpu.memory_space<semaphore_mem>> -> memref<1x!tpu.dma_semaphore, #tpu.memory_space<semaphore_mem>>
        %dma_wait3A_215 = tpu.memref_squeeze %dma_wait3A_214 : memref<1x!tpu.dma_semaphore, #tpu.memory_space<semaphore_mem>> -> memref<!tpu.dma_semaphore, #tpu.memory_space<semaphore_mem>>
        %dma_wait3A_216 = arith.constant 0 : i32
        %dma_wait3A_217 = arith.constant 0 : i32
        %dma_wait3A_218 = tpu.memref_slice %arg10[%dma_wait3A_205, %dma_wait3A_216, %dma_wait3A_217] : memref<2x128x128xf32, #tpu.memory_space<vmem>> -> memref<1x128x128xf32, #tpu.memory_space<vmem>>
        %dma_wait3A_219 = tpu.memref_squeeze %dma_wait3A_218 : memref<1x128x128xf32, #tpu.memory_space<vmem>> -> memref<128x128xf32, #tpu.memory_space<vmem>>
        %dma_wait3A_220 = arith.constant 0 : i32
        %dma_wait3A_221 = arith.constant 0 : i32
        %dma_wait3A_222 = tpu.memref_slice %arg2[%dma_wait3A_220, %dma_wait3A_221] : memref<10000x128xf32, #tpu.memory_space<hbm>> -> memref<128x128xf32, #tpu.memory_space<hbm>>
        tpu.wait_dma2 semaphore(%dma_wait3A_215 : memref<!tpu.dma_semaphore, #tpu.memory_space<semaphore_mem>>) src(%dma_wait3A_222 : memref<128x128xf32, #tpu.memory_space<hbm>>) dst(%dma_wait3A_219 : memref<128x128xf32, #tpu.memory_space<vmem>>)
      } else {
      }
      %mul3A_123 = arith.constant 2 : i32
      %mul3A_124 = arith.muli %add3A_98, %mul3A_123 : i32
      %add3A_125 = arith.constant 1 : i32
      %add3A_126 = arith.addi %mul3A_124, %add3A_125 : i32
      %dma_start3A_127 = arith.constant 1 : i32
      %dma_start3A_128 = arith.constant 1 : i32
      %dma_start3A_129 = arith.constant 0 : i32
      %dma_start3A_130 = arith.constant 0 : i32
      %dma_start3A_131 = tpu.memref_slice %arg10[%dma_start3A_127, %dma_start3A_129, %dma_start3A_130] : memref<2x128x128xf32, #tpu.memory_space<vmem>> -> memref<1x128x128xf32, #tpu.memory_space<vmem>>
      %dma_start3A_132 = tpu.memref_squeeze %dma_start3A_131 : memref<1x128x128xf32, #tpu.memory_space<vmem>> -> memref<128x128xf32, #tpu.memory_space<vmem>>
      %dma_start3A_133 = arith.constant 0 : i32
      %dma_start3A_134 = tpu.memref_slice %arg8[%add3A_126, %dma_start3A_133] : memref<40x128xi32, #tpu.memory_space<vmem>> -> memref<1x128xi32, #tpu.memory_space<vmem>>
      %dma_start3A_135 = tpu.memref_squeeze %dma_start3A_134 : memref<1x128xi32, #tpu.memory_space<vmem>> -> memref<128xi32, #tpu.memory_space<vmem>>
      %dma_start3A_136 = arith.constant 0 : i32
      %dma_start3A_137 = arith.constant 0 : i32
      %dma_start3A_138 = tpu.memref_slice %arg2[%dma_start3A_136, %dma_start3A_137] : memref<10000x128xf32, #tpu.memory_space<hbm>> -> memref<10000x128xf32, #tpu.memory_space<hbm>>
      %dma_start3A_139 = tpu.memref_slice %arg11[%dma_start3A_128] : memref<2x!tpu.dma_semaphore, #tpu.memory_space<semaphore_mem>> -> memref<1x!tpu.dma_semaphore, #tpu.memory_space<semaphore_mem>>
      %dma_start3A_140 = tpu.memref_squeeze %dma_start3A_139 : memref<1x!tpu.dma_semaphore, #tpu.memory_space<semaphore_mem>> -> memref<!tpu.dma_semaphore, #tpu.memory_space<semaphore_mem>>
      tpu.enqueue_indirect_dma source(%dma_start3A_138 : memref<10000x128xf32, #tpu.memory_space<hbm>>) target(%dma_start3A_132 : memref<128x128xf32, #tpu.memory_space<vmem>>) offsets(%dma_start3A_135 : memref<128xi32, #tpu.memory_space<vmem>>) semaphore(%dma_start3A_140 : memref<!tpu.dma_semaphore, #tpu.memory_space<semaphore_mem>>)
      %dma_wait3A_141 = arith.constant 0 : i32
      %dma_wait3A_142 = arith.constant 0 : i32
      %dma_wait3A_143 = arith.constant 0 : i32
      %dma_wait3A_144 = arith.constant 0 : i32
      %dma_wait3A_145 = tpu.memref_slice %arg10[%dma_wait3A_141, %dma_wait3A_143, %dma_wait3A_144] : memref<2x128x128xf32, #tpu.memory_space<vmem>> -> memref<1x128x128xf32, #tpu.memory_space<vmem>>
      %dma_wait3A_146 = tpu.memref_squeeze %dma_wait3A_145 : memref<1x128x128xf32, #tpu.memory_space<vmem>> -> memref<128x128xf32, #tpu.memory_space<vmem>>
      %dma_wait3A_147 = arith.constant 0 : i32
      %dma_wait3A_148 = tpu.memref_slice %arg8[%add3A_104, %dma_wait3A_147] : memref<40x128xi32, #tpu.memory_space<vmem>> -> memref<1x128xi32, #tpu.memory_space<vmem>>
      %dma_wait3A_149 = tpu.memref_squeeze %dma_wait3A_148 : memref<1x128xi32, #tpu.memory_space<vmem>> -> memref<128xi32, #tpu.memory_space<vmem>>
      %dma_wait3A_150 = arith.constant 0 : i32
      %dma_wait3A_151 = arith.constant 0 : i32
      %dma_wait3A_152 = tpu.memref_slice %arg2[%dma_wait3A_150, %dma_wait3A_151] : memref<10000x128xf32, #tpu.memory_space<hbm>> -> memref<10000x128xf32, #tpu.memory_space<hbm>>
      %dma_wait3A_153 = tpu.memref_slice %arg11[%dma_wait3A_142] : memref<2x!tpu.dma_semaphore, #tpu.memory_space<semaphore_mem>> -> memref<1x!tpu.dma_semaphore, #tpu.memory_space<semaphore_mem>>
      %dma_wait3A_154 = tpu.memref_squeeze %dma_wait3A_153 : memref<1x!tpu.dma_semaphore, #tpu.memory_space<semaphore_mem>> -> memref<!tpu.dma_semaphore, #tpu.memory_space<semaphore_mem>>
      tpu.wait_indirect_dma semaphore(%dma_wait3A_154 : memref<!tpu.dma_semaphore, #tpu.memory_space<semaphore_mem>>) src(%dma_wait3A_152 : memref<10000x128xf32, #tpu.memory_space<hbm>>) dst(%dma_wait3A_146 : memref<128x128xf32, #tpu.memory_space<vmem>>)
      %mul3A_155 = arith.constant 2 : i32
      %mul3A_156 = arith.muli %add3A_98, %mul3A_155 : i32
      %add3A_157 = arith.constant 0 : i32
      %add3A_158 = arith.addi %mul3A_156, %add3A_157 : i32
      %dma_start3A_159 = arith.constant 0 : i32
      %dma_start3A_160 = arith.constant 0 : i32
      %dma_start3A_161 = arith.constant 0 : i32
      %dma_start3A_162 = arith.constant 0 : i32
      %dma_start3A_163 = tpu.memref_slice %arg10[%dma_start3A_159, %dma_start3A_161, %dma_start3A_162] : memref<2x128x128xf32, #tpu.memory_space<vmem>> -> memref<1x128x128xf32, #tpu.memory_space<vmem>>
      %dma_start3A_164 = tpu.memref_squeeze %dma_start3A_163 : memref<1x128x128xf32, #tpu.memory_space<vmem>> -> memref<128x128xf32, #tpu.memory_space<vmem>>
      %dma_start3A_165 = arith.constant 0 : i32
      %dma_start3A_166 = tpu.memref_slice %arg9[%add3A_158, %dma_start3A_165] : memref<40x128xi32, #tpu.memory_space<vmem>> -> memref<1x128xi32, #tpu.memory_space<vmem>>
      %dma_start3A_167 = tpu.memref_squeeze %dma_start3A_166 : memref<1x128xi32, #tpu.memory_space<vmem>> -> memref<128xi32, #tpu.memory_space<vmem>>
      %dma_start3A_168 = arith.constant 0 : i32
      %dma_start3A_169 = arith.constant 0 : i32
      %dma_start3A_170 = tpu.memref_slice %arg7[%dma_start3A_168, %dma_start3A_169] : memref<10240x128xf32, #tpu.memory_space<vmem_shared>> -> memref<10240x128xf32, #tpu.memory_space<vmem_shared>>
      %dma_start3A_171 = tpu.memref_slice %arg12[%dma_start3A_160] : memref<2x!tpu.dma_semaphore, #tpu.memory_space<semaphore_mem>> -> memref<1x!tpu.dma_semaphore, #tpu.memory_space<semaphore_mem>>
      %dma_start3A_172 = tpu.memref_squeeze %dma_start3A_171 : memref<1x!tpu.dma_semaphore, #tpu.memory_space<semaphore_mem>> -> memref<!tpu.dma_semaphore, #tpu.memory_space<semaphore_mem>>
      tpu.enqueue_indirect_dma source(%dma_start3A_164 : memref<128x128xf32, #tpu.memory_space<vmem>>) target(%dma_start3A_170 : memref<10240x128xf32, #tpu.memory_space<vmem_shared>>) offsets(%dma_start3A_167 : memref<128xi32, #tpu.memory_space<vmem>>) semaphore(%dma_start3A_172 : memref<!tpu.dma_semaphore, #tpu.memory_space<semaphore_mem>>) {add = true}
      %dma_wait3A_173 = arith.constant 1 : i32
      %dma_wait3A_174 = arith.constant 1 : i32
      %dma_wait3A_175 = arith.constant 0 : i32
      %dma_wait3A_176 = arith.constant 0 : i32
      %dma_wait3A_177 = tpu.memref_slice %arg10[%dma_wait3A_173, %dma_wait3A_175, %dma_wait3A_176] : memref<2x128x128xf32, #tpu.memory_space<vmem>> -> memref<1x128x128xf32, #tpu.memory_space<vmem>>
      %dma_wait3A_178 = tpu.memref_squeeze %dma_wait3A_177 : memref<1x128x128xf32, #tpu.memory_space<vmem>> -> memref<128x128xf32, #tpu.memory_space<vmem>>
      %dma_wait3A_179 = arith.constant 0 : i32
      %dma_wait3A_180 = tpu.memref_slice %arg8[%add3A_126, %dma_wait3A_179] : memref<40x128xi32, #tpu.memory_space<vmem>> -> memref<1x128xi32, #tpu.memory_space<vmem>>
      %dma_wait3A_181 = tpu.memref_squeeze %dma_wait3A_180 : memref<1x128xi32, #tpu.memory_space<vmem>> -> memref<128xi32, #tpu.memory_space<vmem>>
      %dma_wait3A_182 = arith.constant 0 : i32
      %dma_wait3A_183 = arith.constant 0 : i32
      %dma_wait3A_184 = tpu.memref_slice %arg2[%dma_wait3A_182, %dma_wait3A_183] : memref<10000x128xf32, #tpu.memory_space<hbm>> -> memref<10000x128xf32, #tpu.memory_space<hbm>>
      %dma_wait3A_185 = tpu.memref_slice %arg11[%dma_wait3A_174] : memref<2x!tpu.dma_semaphore, #tpu.memory_space<semaphore_mem>> -> memref<1x!tpu.dma_semaphore, #tpu.memory_space<semaphore_mem>>
      %dma_wait3A_186 = tpu.memref_squeeze %dma_wait3A_185 : memref<1x!tpu.dma_semaphore, #tpu.memory_space<semaphore_mem>> -> memref<!tpu.dma_semaphore, #tpu.memory_space<semaphore_mem>>
      tpu.wait_indirect_dma semaphore(%dma_wait3A_186 : memref<!tpu.dma_semaphore, #tpu.memory_space<semaphore_mem>>) src(%dma_wait3A_184 : memref<10000x128xf32, #tpu.memory_space<hbm>>) dst(%dma_wait3A_178 : memref<128x128xf32, #tpu.memory_space<vmem>>)
      %mul3A_187 = arith.constant 2 : i32
      %mul3A_188 = arith.muli %add3A_98, %mul3A_187 : i32
      %add3A_189 = arith.constant 1 : i32
      %add3A_190 = arith.addi %mul3A_188, %add3A_189 : i32
      %dma_start3A_191 = arith.constant 1 : i32
      %dma_start3A_192 = arith.constant 1 : i32
      %dma_start3A_193 = arith.constant 0 : i32
      %dma_start3A_194 = arith.constant 0 : i32
      %dma_start3A_195 = tpu.memref_slice %arg10[%dma_start3A_191, %dma_start3A_193, %dma_start3A_194] : memref<2x128x128xf32, #tpu.memory_space<vmem>> -> memref<1x128x128xf32, #tpu.memory_space<vmem>>
      %dma_start3A_196 = tpu.memref_squeeze %dma_start3A_195 : memref<1x128x128xf32, #tpu.memory_space<vmem>> -> memref<128x128xf32, #tpu.memory_space<vmem>>
      %dma_start3A_197 = arith.constant 0 : i32
      %dma_start3A_198 = tpu.memref_slice %arg9[%add3A_190, %dma_start3A_197] : memref<40x128xi32, #tpu.memory_space<vmem>> -> memref<1x128xi32, #tpu.memory_space<vmem>>
      %dma_start3A_199 = tpu.memref_squeeze %dma_start3A_198 : memref<1x128xi32, #tpu.memory_space<vmem>> -> memref<128xi32, #tpu.memory_space<vmem>>
      %dma_start3A_200 = arith.constant 0 : i32
      %dma_start3A_201 = arith.constant 0 : i32
      %dma_start3A_202 = tpu.memref_slice %arg7[%dma_start3A_200, %dma_start3A_201] : memref<10240x128xf32, #tpu.memory_space<vmem_shared>> -> memref<10240x128xf32, #tpu.memory_space<vmem_shared>>
      %dma_start3A_203 = tpu.memref_slice %arg12[%dma_start3A_192] : memref<2x!tpu.dma_semaphore, #tpu.memory_space<semaphore_mem>> -> memref<1x!tpu.dma_semaphore, #tpu.memory_space<semaphore_mem>>
      %dma_start3A_204 = tpu.memref_squeeze %dma_start3A_203 : memref<1x!tpu.dma_semaphore, #tpu.memory_space<semaphore_mem>> -> memref<!tpu.dma_semaphore, #tpu.memory_space<semaphore_mem>>
      tpu.enqueue_indirect_dma source(%dma_start3A_196 : memref<128x128xf32, #tpu.memory_space<vmem>>) target(%dma_start3A_202 : memref<10240x128xf32, #tpu.memory_space<vmem_shared>>) offsets(%dma_start3A_199 : memref<128xi32, #tpu.memory_space<vmem>>) semaphore(%dma_start3A_204 : memref<!tpu.dma_semaphore, #tpu.memory_space<semaphore_mem>>) {add = true}
    }
    %scan3A_56 = arith.constant 20 : i32
    %dma_wait3A_57 = arith.constant 0 : i32
    %dma_wait3A_58 = arith.constant 0 : i32
    %dma_wait3A_59 = arith.constant 0 : i32
    %dma_wait3A_60 = arith.constant 0 : i32
    %dma_wait3A_61 = tpu.memref_slice %arg10[%dma_wait3A_57, %dma_wait3A_59, %dma_wait3A_60] : memref<2x128x128xf32, #tpu.memory_space<vmem>> -> memref<1x128x128xf32, #tpu.memory_space<vmem>>
    %dma_wait3A_62 = tpu.memref_squeeze %dma_wait3A_61 : memref<1x128x128xf32, #tpu.memory_space<vmem>> -> memref<128x128xf32, #tpu.memory_space<vmem>>
    %dma_wait3A_63 = arith.constant 0 : i32
    %dma_wait3A_64 = arith.constant 0 : i32
    %dma_wait3A_65 = tpu.memref_slice %arg2[%dma_wait3A_63, %dma_wait3A_64] : memref<10000x128xf32, #tpu.memory_space<hbm>> -> memref<128x128xf32, #tpu.memory_space<hbm>>
    %dma_wait3A_66 = tpu.memref_slice %arg12[%dma_wait3A_58] : memref<2x!tpu.dma_semaphore, #tpu.memory_space<semaphore_mem>> -> memref<1x!tpu.dma_semaphore, #tpu.memory_space<semaphore_mem>>
    %dma_wait3A_67 = tpu.memref_squeeze %dma_wait3A_66 : memref<1x!tpu.dma_semaphore, #tpu.memory_space<semaphore_mem>> -> memref<!tpu.dma_semaphore, #tpu.memory_space<semaphore_mem>>
    %dma_wait3A_68 = arith.constant 0 : i32
    %dma_wait3A_69 = arith.constant 0 : i32
    %dma_wait3A_70 = tpu.memref_slice %arg10[%dma_wait3A_57, %dma_wait3A_68, %dma_wait3A_69] : memref<2x128x128xf32, #tpu.memory_space<vmem>> -> memref<1x128x128xf32, #tpu.memory_space<vmem>>
    %dma_wait3A_71 = tpu.memref_squeeze %dma_wait3A_70 : memref<1x128x128xf32, #tpu.memory_space<vmem>> -> memref<128x128xf32, #tpu.memory_space<vmem>>
    %dma_wait3A_72 = arith.constant 0 : i32
    %dma_wait3A_73 = arith.constant 0 : i32
    %dma_wait3A_74 = tpu.memref_slice %arg2[%dma_wait3A_72, %dma_wait3A_73] : memref<10000x128xf32, #tpu.memory_space<hbm>> -> memref<128x128xf32, #tpu.memory_space<hbm>>
    tpu.wait_dma2 semaphore(%dma_wait3A_67 : memref<!tpu.dma_semaphore, #tpu.memory_space<semaphore_mem>>) src(%dma_wait3A_74 : memref<128x128xf32, #tpu.memory_space<hbm>>) dst(%dma_wait3A_71 : memref<128x128xf32, #tpu.memory_space<vmem>>)
    %dma_wait3A_75 = arith.constant 1 : i32
    %dma_wait3A_76 = arith.constant 1 : i32
    %dma_wait3A_77 = arith.constant 0 : i32
    %dma_wait3A_78 = arith.constant 0 : i32
    %dma_wait3A_79 = tpu.memref_slice %arg10[%dma_wait3A_75, %dma_wait3A_77, %dma_wait3A_78] : memref<2x128x128xf32, #tpu.memory_space<vmem>> -> memref<1x128x128xf32, #tpu.memory_space<vmem>>
    %dma_wait3A_80 = tpu.memref_squeeze %dma_wait3A_79 : memref<1x128x128xf32, #tpu.memory_space<vmem>> -> memref<128x128xf32, #tpu.memory_space<vmem>>
    %dma_wait3A_81 = arith.constant 0 : i32
    %dma_wait3A_82 = arith.constant 0 : i32
    %dma_wait3A_83 = tpu.memref_slice %arg2[%dma_wait3A_81, %dma_wait3A_82] : memref<10000x128xf32, #tpu.memory_space<hbm>> -> memref<128x128xf32, #tpu.memory_space<hbm>>
    %dma_wait3A_84 = tpu.memref_slice %arg12[%dma_wait3A_76] : memref<2x!tpu.dma_semaphore, #tpu.memory_space<semaphore_mem>> -> memref<1x!tpu.dma_semaphore, #tpu.memory_space<semaphore_mem>>
    %dma_wait3A_85 = tpu.memref_squeeze %dma_wait3A_84 : memref<1x!tpu.dma_semaphore, #tpu.memory_space<semaphore_mem>> -> memref<!tpu.dma_semaphore, #tpu.memory_space<semaphore_mem>>
    %dma_wait3A_86 = arith.constant 0 : i32
    %dma_wait3A_87 = arith.constant 0 : i32
    %dma_wait3A_88 = tpu.memref_slice %arg10[%dma_wait3A_75, %dma_wait3A_86, %dma_wait3A_87] : memref<2x128x128xf32, #tpu.memory_space<vmem>> -> memref<1x128x128xf32, #tpu.memory_space<vmem>>
    %dma_wait3A_89 = tpu.memref_squeeze %dma_wait3A_88 : memref<1x128x128xf32, #tpu.memory_space<vmem>> -> memref<128x128xf32, #tpu.memory_space<vmem>>
    %dma_wait3A_90 = arith.constant 0 : i32
    %dma_wait3A_91 = arith.constant 0 : i32
    %dma_wait3A_92 = tpu.memref_slice %arg2[%dma_wait3A_90, %dma_wait3A_91] : memref<10000x128xf32, #tpu.memory_space<hbm>> -> memref<128x128xf32, #tpu.memory_space<hbm>>
    tpu.wait_dma2 semaphore(%dma_wait3A_85 : memref<!tpu.dma_semaphore, #tpu.memory_space<semaphore_mem>>) src(%dma_wait3A_92 : memref<128x128xf32, #tpu.memory_space<hbm>>) dst(%dma_wait3A_89 : memref<128x128xf32, #tpu.memory_space<vmem>>)
    %barrier3A_93 = arith.constant 0 : index
    tpu.barrier barrier_id(%barrier3A_93)
    "tpu.region"() ({
      %run_scoped3A = tpu.sem_alloc : memref<!tpu.dma_semaphore, #tpu.memory_space<semaphore_mem>>
      %dma_start3A = arith.constant 0 : i32
      %dma_start3A_94 = tpu.memref_slice %arg6[%arg0, %mul3A_2, %dma_start3A] : memref<2x10240x128xf32, #tpu.memory_space<hbm>> -> memref<1x640x128xf32, #tpu.memory_space<hbm>>
      %dma_start3A_95 = tpu.memref_squeeze %dma_start3A_94 : memref<1x640x128xf32, #tpu.memory_space<hbm>> -> memref<640x128xf32, #tpu.memory_space<hbm>>
      %dma_start3A_96 = arith.constant 0 : i32
      %dma_start3A_97 = tpu.memref_slice %arg7[%mul3A_2, %dma_start3A_96] : memref<10240x128xf32, #tpu.memory_space<vmem_shared>> -> memref<640x128xf32, #tpu.memory_space<vmem_shared>>
      tpu.enqueue_dma source(%dma_start3A_97 : memref<640x128xf32, #tpu.memory_space<vmem_shared>>) target(%dma_start3A_95 : memref<640x128xf32, #tpu.memory_space<hbm>>) target_semaphore(%run_scoped3A : memref<!tpu.dma_semaphore, #tpu.memory_space<semaphore_mem>>)
      %dma_wait3A_98 = arith.constant 0 : i32
      %dma_wait3A_99 = tpu.memref_slice %arg6[%arg0, %mul3A_2, %dma_wait3A_98] : memref<2x10240x128xf32, #tpu.memory_space<hbm>> -> memref<1x640x128xf32, #tpu.memory_space<hbm>>
      %dma_wait3A_100 = tpu.memref_squeeze %dma_wait3A_99 : memref<1x640x128xf32, #tpu.memory_space<hbm>> -> memref<640x128xf32, #tpu.memory_space<hbm>>
      %dma_wait3A_101 = arith.constant 0 : i32
      %dma_wait3A_102 = tpu.memref_slice %arg7[%mul3A_2, %dma_wait3A_101] : memref<10240x128xf32, #tpu.memory_space<vmem_shared>> -> memref<640x128xf32, #tpu.memory_space<vmem_shared>>
      tpu.wait_dma2 semaphore(%run_scoped3A : memref<!tpu.dma_semaphore, #tpu.memory_space<semaphore_mem>>) src(%dma_wait3A_102 : memref<640x128xf32, #tpu.memory_space<vmem_shared>>) dst(%dma_wait3A_100 : memref<640x128xf32, #tpu.memory_space<hbm>>)
      tpu.yield
    }) : () -> ()
    return
  }
}

module attributes {stable_mosaic.version = 14 : i64} {
  func.func @body(%arg0: memref<10000x128xf32, #tpu.memory_space<vmem>>, %arg1: memref<128x128xf32, #tpu.memory_space<vmem>>, %arg2: memref<10000x128xf32, #tpu.memory_space<vmem>>) attributes {dimension_semantics = [], scalar_prefetch = 0 : i64, scratch_operands = 0 : i64, tpu.core_type = #tpu.core_type<tc>} {
    %get3A = arith.constant 0 : index
    %get3A_0 = arith.constant 0 : index
    %get3A_1 = vector.load %arg0[%get3A, %get3A_0] : memref<10000x128xf32, #tpu.memory_space<vmem>>, vector<10000x128xf32>
    %get3A_2 = arith.constant 0 : index
    %get3A_3 = arith.constant 0 : index
    %get3A_4 = vector.load %arg1[%get3A_2, %get3A_3] : memref<128x128xf32, #tpu.memory_space<vmem>>, vector<128x128xf32>
    %dot_general3A = arith.constant dense<0.000000e+00> : vector<10000x128xf32>
    %dot_general3A_5 = tpu.matmul %get3A_1, %get3A_4, %dot_general3A {dimension_numbers = #tpu.dot_dimension_numbers<[1], [0], [0], [1], [0, 0, 1, 1], [], []>, transpose_lhs_hint = false} : vector<10000x128xf32>, vector<128x128xf32>, vector<10000x128xf32> -> vector<10000x128xf32>
    %swap3A = arith.constant 0 : index
    %swap3A_6 = arith.constant 0 : index
    %swap3A_7 = vector.load %arg2[%swap3A, %swap3A_6] : memref<10000x128xf32, #tpu.memory_space<vmem>>, vector<10000x128xf32>
    tpu.vector_store %arg2[%swap3A, %swap3A_6], %dot_general3A_5 {strides = array<i32>} : memref<10000x128xf32, #tpu.memory_space<vmem>>, vector<10000x128xf32>,
    return
  }
}

module attributes {stable_mosaic.version = 14 : i64} {
  func.func @body(%arg0: memref<2x10240x128xf32, #tpu.memory_space<vmem>>, %arg1: memref<2x10240x128xf32, #tpu.memory_space<vmem>>, %arg2: memref<10000x128xf32, #tpu.memory_space<vmem>>, %arg3: memref<128x128xf32, #tpu.memory_space<vmem>>, %arg4: memref<1x128xf32, #tpu.memory_space<vmem>>, %arg5: memref<10000x128xf32, #tpu.memory_space<vmem>>) attributes {dimension_semantics = [], scalar_prefetch = 0 : i64, scratch_operands = 0 : i64, tpu.core_type = #tpu.core_type<tc>} {
    %get3A = arith.constant 0 : index
    %get3A_0 = arith.constant 0 : index
    %get3A_1 = arith.constant 0 : index
    %get3A_2 = vector.load %arg0[%get3A, %get3A_0, %get3A_1] : memref<2x10240x128xf32, #tpu.memory_space<vmem>>, vector<1x10000x128xf32>
    %get3A_3 = vector.shape_cast %get3A_2 : vector<1x10000x128xf32> to vector<10000x128xf32>
    %get3A_4 = arith.constant 1 : index
    %get3A_5 = arith.constant 0 : index
    %get3A_6 = arith.constant 0 : index
    %get3A_7 = vector.load %arg0[%get3A_4, %get3A_5, %get3A_6] : memref<2x10240x128xf32, #tpu.memory_space<vmem>>, vector<1x10000x128xf32>
    %get3A_8 = vector.shape_cast %get3A_7 : vector<1x10000x128xf32> to vector<10000x128xf32>
    %add3A = arith.addf %get3A_3, %get3A_8 : vector<10000x128xf32>
    %get3A_9 = arith.constant 0 : index
    %get3A_10 = arith.constant 0 : index
    %get3A_11 = arith.constant 0 : index
    %get3A_12 = vector.load %arg1[%get3A_9, %get3A_10, %get3A_11] : memref<2x10240x128xf32, #tpu.memory_space<vmem>>, vector<1x10000x1xf32>
    %get3A_13 = vector.shape_cast %get3A_12 : vector<1x10000x1xf32> to vector<10000x1xf32>
    %get3A_14 = arith.constant 1 : index
    %get3A_15 = arith.constant 0 : index
    %get3A_16 = arith.constant 0 : index
    %get3A_17 = vector.load %arg1[%get3A_14, %get3A_15, %get3A_16] : memref<2x10240x128xf32, #tpu.memory_space<vmem>>, vector<1x10000x1xf32>
    %get3A_18 = vector.shape_cast %get3A_17 : vector<1x10000x1xf32> to vector<10000x1xf32>
    %add3A_19 = arith.addf %get3A_13, %get3A_18 : vector<10000x1xf32>
    %max3A = arith.constant 1.000000e+00 : f32
    %max3A_20 = vector.broadcast %max3A : f32 to vector<10000x1xf32>
    %max3A_21 = arith.maximumf %add3A_19, %max3A_20 : vector<10000x1xf32>
    %div3A = arith.constant 1.000000e+00 : f32
    %div3A_22 = vector.broadcast %div3A : f32 to vector<10000x1xf32>
    %div3A_23 = arith.divf %div3A_22, %max3A_21 : vector<10000x1xf32>
    %mul3A = vector.broadcast %div3A_23 : vector<10000x1xf32> to vector<10000x128xf32>
    %mul3A_24 = arith.mulf %add3A, %mul3A : vector<10000x128xf32>
    %get3A_25 = arith.constant 0 : index
    %get3A_26 = arith.constant 0 : index
    %get3A_27 = vector.load %arg3[%get3A_25, %get3A_26] : memref<128x128xf32, #tpu.memory_space<vmem>>, vector<128x128xf32>
    %dot_general3A = arith.constant dense<0.000000e+00> : vector<10000x128xf32>
    %dot_general3A_28 = tpu.matmul %mul3A_24, %get3A_27, %dot_general3A {dimension_numbers = #tpu.dot_dimension_numbers<[1], [0], [0], [1], [0, 0, 1, 1], [], []>, transpose_lhs_hint = false} : vector<10000x128xf32>, vector<128x128xf32>, vector<10000x128xf32> -> vector<10000x128xf32>
    %get3A_29 = arith.constant 0 : index
    %get3A_30 = arith.constant 0 : index
    %get3A_31 = vector.load %arg4[%get3A_29, %get3A_30] : memref<1x128xf32, #tpu.memory_space<vmem>>, vector<1x128xf32>
    %add3A_32 = vector.broadcast %get3A_31 : vector<1x128xf32> to vector<10000x128xf32>
    %add3A_33 = arith.addf %dot_general3A_28, %add3A_32 : vector<10000x128xf32>
    %get3A_34 = arith.constant 0 : index
    %get3A_35 = arith.constant 0 : index
    %get3A_36 = vector.load %arg2[%get3A_34, %get3A_35] : memref<10000x128xf32, #tpu.memory_space<vmem>>, vector<10000x128xf32>
    %add3A_37 = arith.addf %add3A_33, %get3A_36 : vector<10000x128xf32>
    %swap3A = arith.constant 0 : index
    %swap3A_38 = arith.constant 0 : index
    %swap3A_39 = vector.load %arg5[%swap3A, %swap3A_38] : memref<10000x128xf32, #tpu.memory_space<vmem>>, vector<10000x128xf32>
    tpu.vector_store %arg5[%swap3A, %swap3A_38], %add3A_37 {strides = array<i32>} : memref<10000x128xf32, #tpu.memory_space<vmem>>, vector<10000x128xf32>,
    return
  }
}

module attributes {stable_mosaic.version = 14 : i64} {
  func.func @body(%arg0: memref<2x10240x128xf32, #tpu.memory_space<vmem>>, %arg1: memref<2x10240x128xf32, #tpu.memory_space<vmem>>, %arg2: memref<10000x128xf32, #tpu.memory_space<vmem>>, %arg3: memref<128x128xf32, #tpu.memory_space<vmem>>, %arg4: memref<1x128xf32, #tpu.memory_space<vmem>>, %arg5: memref<10000x1xi32, #tpu.memory_space<vmem>>, %arg6: memref<1x10000xi32, #tpu.memory_space<vmem>>, %arg7: memref<1x128xf32, #tpu.memory_space<vmem>>, %arg8: memref<128x128xf32, #tpu.memory_space<vmem>>, %arg9: memref<1x128xf32, #tpu.memory_space<vmem>>, %arg10: memref<128x128xf32, #tpu.memory_space<vmem>>, %arg11: memref<1x128xf32, #tpu.memory_space<vmem>>, %arg12: memref<128x128xf32, #tpu.memory_space<vmem>>, %arg13: memref<1x128xf32, #tpu.memory_space<vmem>>, %arg14: memref<128x128xf32, #tpu.memory_space<vmem>>, %arg15: memref<1x128xf32, #tpu.memory_space<vmem>>, %arg16: memref<10000x128xf32, #tpu.memory_space<vmem>>) attributes {dimension_semantics = [], scalar_prefetch = 0 : i64, scratch_operands = 0 : i64, tpu.core_type = #tpu.core_type<tc>} {
    %get3A = arith.constant 0 : index
    %get3A_0 = arith.constant 0 : index
    %get3A_1 = arith.constant 0 : index
    %get3A_2 = vector.load %arg0[%get3A, %get3A_0, %get3A_1] : memref<2x10240x128xf32, #tpu.memory_space<vmem>>, vector<1x10000x128xf32>
    %get3A_3 = vector.shape_cast %get3A_2 : vector<1x10000x128xf32> to vector<10000x128xf32>
    %get3A_4 = arith.constant 1 : index
    %get3A_5 = arith.constant 0 : index
    %get3A_6 = arith.constant 0 : index
    %get3A_7 = vector.load %arg0[%get3A_4, %get3A_5, %get3A_6] : memref<2x10240x128xf32, #tpu.memory_space<vmem>>, vector<1x10000x128xf32>
    %get3A_8 = vector.shape_cast %get3A_7 : vector<1x10000x128xf32> to vector<10000x128xf32>
    %add3A = arith.addf %get3A_3, %get3A_8 : vector<10000x128xf32>
    %get3A_9 = arith.constant 0 : index
    %get3A_10 = arith.constant 0 : index
    %get3A_11 = arith.constant 0 : index
    %get3A_12 = vector.load %arg1[%get3A_9, %get3A_10, %get3A_11] : memref<2x10240x128xf32, #tpu.memory_space<vmem>>, vector<1x10000x1xf32>
    %get3A_13 = vector.shape_cast %get3A_12 : vector<1x10000x1xf32> to vector<10000x1xf32>
    %get3A_14 = arith.constant 1 : index
    %get3A_15 = arith.constant 0 : index
    %get3A_16 = arith.constant 0 : index
    %get3A_17 = vector.load %arg1[%get3A_14, %get3A_15, %get3A_16] : memref<2x10240x128xf32, #tpu.memory_space<vmem>>, vector<1x10000x1xf32>
    %get3A_18 = vector.shape_cast %get3A_17 : vector<1x10000x1xf32> to vector<10000x1xf32>
    %add3A_19 = arith.addf %get3A_13, %get3A_18 : vector<10000x1xf32>
    %max3A = arith.constant 1.000000e+00 : f32
    %max3A_20 = vector.broadcast %max3A : f32 to vector<10000x1xf32>
    %max3A_21 = arith.maximumf %add3A_19, %max3A_20 : vector<10000x1xf32>
    %div3A = arith.constant 1.000000e+00 : f32
    %div3A_22 = vector.broadcast %div3A : f32 to vector<10000x1xf32>
    %div3A_23 = arith.divf %div3A_22, %max3A_21 : vector<10000x1xf32>
    %mul3A = vector.broadcast %div3A_23 : vector<10000x1xf32> to vector<10000x128xf32>
    %mul3A_24 = arith.mulf %add3A, %mul3A : vector<10000x128xf32>
    %get3A_25 = arith.constant 0 : index
    %get3A_26 = arith.constant 0 : index
    %get3A_27 = vector.load %arg3[%get3A_25, %get3A_26] : memref<128x128xf32, #tpu.memory_space<vmem>>, vector<128x128xf32>
    %dot_general3A = arith.constant dense<0.000000e+00> : vector<10000x128xf32>
    %dot_general3A_28 = tpu.matmul %mul3A_24, %get3A_27, %dot_general3A {dimension_numbers = #tpu.dot_dimension_numbers<[1], [0], [0], [1], [0, 0, 1, 1], [], []>, transpose_lhs_hint = false} : vector<10000x128xf32>, vector<128x128xf32>, vector<10000x128xf32> -> vector<10000x128xf32>
    %get3A_29 = arith.constant 0 : index
    %get3A_30 = arith.constant 0 : index
    %get3A_31 = vector.load %arg4[%get3A_29, %get3A_30] : memref<1x128xf32, #tpu.memory_space<vmem>>, vector<1x128xf32>
    %add3A_32 = vector.broadcast %get3A_31 : vector<1x128xf32> to vector<10000x128xf32>
    %add3A_33 = arith.addf %dot_general3A_28, %add3A_32 : vector<10000x128xf32>
    %get3A_34 = arith.constant 0 : index
    %get3A_35 = arith.constant 0 : index
    %get3A_36 = vector.load %arg2[%get3A_34, %get3A_35] : memref<10000x128xf32, #tpu.memory_space<vmem>>, vector<10000x128xf32>
    %add3A_37 = arith.addf %add3A_33, %get3A_36 : vector<10000x128xf32>
    %iota3A = tpu.iota {dimensions = array<i32: 0>} : vector<64x10000xi32>
    %get3A_38 = arith.constant 0 : index
    %get3A_39 = arith.constant 0 : index
    %get3A_40 = vector.load %arg6[%get3A_38, %get3A_39] : memref<1x10000xi32, #tpu.memory_space<vmem>>, vector<1x10000xi32>
    %eq3A = vector.broadcast %get3A_40 : vector<1x10000xi32> to vector<64x10000xi32>
    %eq3A_41 = arith.cmpi eq, %iota3A, %eq3A : vector<64x10000xi32>
    %convert_element_type3A = arith.extui %eq3A_41 : vector<64x10000xi1> to vector<64x10000xi32>
    %convert_element_type3A_42 = arith.sitofp %convert_element_type3A : vector<64x10000xi32> to vector<64x10000xf32>
    %dot_general3A_43 = arith.constant dense<0.000000e+00> : vector<64x128xf32>
    %dot_general3A_44 = tpu.matmul %convert_element_type3A_42, %add3A_37, %dot_general3A_43 {dimension_numbers = #tpu.dot_dimension_numbers<[1], [0], [0], [1], [0, 0, 1, 1], [], []>, transpose_lhs_hint = false} : vector<64x10000xf32>, vector<10000x128xf32>, vector<64x128xf32> -> vector<64x128xf32>
    %get3A_45 = arith.constant 0 : index
    %get3A_46 = arith.constant 0 : index
    %get3A_47 = vector.load %arg7[%get3A_45, %get3A_46] : memref<1x128xf32, #tpu.memory_space<vmem>>, vector<1x128xf32>
    %mul3A_48 = arith.constant 2.000000e+00 : f32
    %mul3A_49 = vector.broadcast %mul3A_48 : f32 to vector<1x128xf32>
    %mul3A_50 = arith.mulf %mul3A_49, %get3A_47 : vector<1x128xf32>
    %add3A_51 = vector.broadcast %mul3A_50 : vector<1x128xf32> to vector<64x128xf32>
    %add3A_52 = arith.addf %dot_general3A_44, %add3A_51 : vector<64x128xf32>
    %get3A_53 = arith.constant 0 : index
    %get3A_54 = arith.constant 0 : index
    %get3A_55 = vector.load %arg8[%get3A_53, %get3A_54] : memref<128x128xf32, #tpu.memory_space<vmem>>, vector<128x128xf32>
    %dot_general3A_56 = arith.constant dense<0.000000e+00> : vector<64x128xf32>
    %dot_general3A_57 = tpu.matmul %add3A_52, %get3A_55, %dot_general3A_56 {dimension_numbers = #tpu.dot_dimension_numbers<[1], [0], [0], [1], [0, 0, 1, 1], [], []>, transpose_lhs_hint = false} : vector<64x128xf32>, vector<128x128xf32>, vector<64x128xf32> -> vector<64x128xf32>
    %get3A_58 = arith.constant 0 : index
    %get3A_59 = arith.constant 0 : index
    %get3A_60 = vector.load %arg9[%get3A_58, %get3A_59] : memref<1x128xf32, #tpu.memory_space<vmem>>, vector<1x128xf32>
    %add3A_61 = vector.broadcast %get3A_60 : vector<1x128xf32> to vector<64x128xf32>
    %add3A_62 = arith.addf %dot_general3A_57, %add3A_61 : vector<64x128xf32>
    %max3A_63 = arith.constant 0.000000e+00 : f32
    %max3A_64 = vector.broadcast %max3A_63 : f32 to vector<64x128xf32>
    %max3A_65 = arith.maximumf %add3A_62, %max3A_64 : vector<64x128xf32>
    %get3A_66 = arith.constant 0 : index
    %get3A_67 = arith.constant 0 : index
    %get3A_68 = vector.load %arg10[%get3A_66, %get3A_67] : memref<128x128xf32, #tpu.memory_space<vmem>>, vector<128x128xf32>
    %dot_general3A_69 = arith.constant dense<0.000000e+00> : vector<64x128xf32>
    %dot_general3A_70 = tpu.matmul %max3A_65, %get3A_68, %dot_general3A_69 {dimension_numbers = #tpu.dot_dimension_numbers<[1], [0], [0], [1], [0, 0, 1, 1], [], []>, transpose_lhs_hint = false} : vector<64x128xf32>, vector<128x128xf32>, vector<64x128xf32> -> vector<64x128xf32>
    %get3A_71 = arith.constant 0 : index
    %get3A_72 = arith.constant 0 : index
    %get3A_73 = vector.load %arg11[%get3A_71, %get3A_72] : memref<1x128xf32, #tpu.memory_space<vmem>>, vector<1x128xf32>
    %add3A_74 = vector.broadcast %get3A_73 : vector<1x128xf32> to vector<64x128xf32>
    %add3A_75 = arith.addf %dot_general3A_70, %add3A_74 : vector<64x128xf32>
    %max3A_76 = arith.constant 0.000000e+00 : f32
    %max3A_77 = vector.broadcast %max3A_76 : f32 to vector<64x128xf32>
    %max3A_78 = arith.maximumf %add3A_75, %max3A_77 : vector<64x128xf32>
    %get3A_79 = arith.constant 0 : index
    %get3A_80 = arith.constant 0 : index
    %get3A_81 = vector.load %arg12[%get3A_79, %get3A_80] : memref<128x128xf32, #tpu.memory_space<vmem>>, vector<128x128xf32>
    %dot_general3A_82 = arith.constant dense<0.000000e+00> : vector<64x128xf32>
    %dot_general3A_83 = tpu.matmul %max3A_78, %get3A_81, %dot_general3A_82 {dimension_numbers = #tpu.dot_dimension_numbers<[1], [0], [0], [1], [0, 0, 1, 1], [], []>, transpose_lhs_hint = false} : vector<64x128xf32>, vector<128x128xf32>, vector<64x128xf32> -> vector<64x128xf32>
    %get3A_84 = arith.constant 0 : index
    %get3A_85 = arith.constant 0 : index
    %get3A_86 = vector.load %arg13[%get3A_84, %get3A_85] : memref<1x128xf32, #tpu.memory_space<vmem>>, vector<1x128xf32>
    %add3A_87 = vector.broadcast %get3A_86 : vector<1x128xf32> to vector<64x128xf32>
    %add3A_88 = arith.addf %dot_general3A_83, %add3A_87 : vector<64x128xf32>
    %max3A_89 = arith.constant 0.000000e+00 : f32
    %max3A_90 = vector.broadcast %max3A_89 : f32 to vector<64x128xf32>
    %max3A_91 = arith.maximumf %add3A_88, %max3A_90 : vector<64x128xf32>
    %get3A_92 = arith.constant 0 : index
    %get3A_93 = arith.constant 0 : index
    %get3A_94 = vector.load %arg14[%get3A_92, %get3A_93] : memref<128x128xf32, #tpu.memory_space<vmem>>, vector<128x128xf32>
    %dot_general3A_95 = arith.constant dense<0.000000e+00> : vector<64x128xf32>
    %dot_general3A_96 = tpu.matmul %max3A_91, %get3A_94, %dot_general3A_95 {dimension_numbers = #tpu.dot_dimension_numbers<[1], [0], [0], [1], [0, 0, 1, 1], [], []>, transpose_lhs_hint = false} : vector<64x128xf32>, vector<128x128xf32>, vector<64x128xf32> -> vector<64x128xf32>
    %get3A_97 = arith.constant 0 : index
    %get3A_98 = arith.constant 0 : index
    %get3A_99 = vector.load %arg15[%get3A_97, %get3A_98] : memref<1x128xf32, #tpu.memory_space<vmem>>, vector<1x128xf32>
    %add3A_100 = vector.broadcast %get3A_99 : vector<1x128xf32> to vector<64x128xf32>
    %add3A_101 = arith.addf %dot_general3A_96, %add3A_100 : vector<64x128xf32>
    %max3A_102 = arith.constant 0.000000e+00 : f32
    %max3A_103 = vector.broadcast %max3A_102 : f32 to vector<64x128xf32>
    %max3A_104 = arith.maximumf %add3A_101, %max3A_103 : vector<64x128xf32>
    %iota3A_105 = tpu.iota {dimensions = array<i32: 1>} : vector<10000x64xi32>
    %get3A_106 = arith.constant 0 : index
    %get3A_107 = arith.constant 0 : index
    %get3A_108 = vector.load %arg5[%get3A_106, %get3A_107] : memref<10000x1xi32, #tpu.memory_space<vmem>>, vector<10000x1xi32>
    %eq3A_109 = vector.broadcast %get3A_108 : vector<10000x1xi32> to vector<10000x64xi32>
    %eq3A_110 = arith.cmpi eq, %iota3A_105, %eq3A_109 : vector<10000x64xi32>
    %convert_element_type3A_111 = arith.extui %eq3A_110 : vector<10000x64xi1> to vector<10000x64xi32>
    %convert_element_type3A_112 = arith.sitofp %convert_element_type3A_111 : vector<10000x64xi32> to vector<10000x64xf32>
    %dot_general3A_113 = arith.constant dense<0.000000e+00> : vector<10000x128xf32>
    %dot_general3A_114 = tpu.matmul %convert_element_type3A_112, %max3A_104, %dot_general3A_113 {dimension_numbers = #tpu.dot_dimension_numbers<[1], [0], [0], [1], [0, 0, 1, 1], [], []>, transpose_lhs_hint = false} : vector<10000x64xf32>, vector<64x128xf32>, vector<10000x128xf32> -> vector<10000x128xf32>
    %add3A_115 = arith.addf %add3A_37, %dot_general3A_114 : vector<10000x128xf32>
    %swap3A = arith.constant 0 : index
    %swap3A_116 = arith.constant 0 : index
    %swap3A_117 = vector.load %arg16[%swap3A, %swap3A_116] : memref<10000x128xf32, #tpu.memory_space<vmem>>, vector<10000x128xf32>
    tpu.vector_store %arg16[%swap3A, %swap3A_116], %add3A_115 {strides = array<i32>} : memref<10000x128xf32, #tpu.memory_space<vmem>>, vector<10000x128xf32>,
    return
  }
}

module attributes {stable_mosaic.version = 14 : i64} {
  func.func @body(%arg0: memref<2x10240x128xf32, #tpu.memory_space<vmem>>, %arg1: memref<2x10240x128xf32, #tpu.memory_space<vmem>>, %arg2: memref<10000x128xf32, #tpu.memory_space<vmem>>, %arg3: memref<128x128xf32, #tpu.memory_space<vmem>>, %arg4: memref<1x128xf32, #tpu.memory_space<vmem>>, %arg5: memref<10000x128xf32, #tpu.memory_space<vmem>>) attributes {dimension_semantics = [], scalar_prefetch = 0 : i64, scratch_operands = 0 : i64, tpu.core_type = #tpu.core_type<tc>} {
    %get3A = arith.constant 0 : index
    %get3A_0 = arith.constant 0 : index
    %get3A_1 = arith.constant 0 : index
    %get3A_2 = vector.load %arg0[%get3A, %get3A_0, %get3A_1] : memref<2x10240x128xf32, #tpu.memory_space<vmem>>, vector<1x10000x128xf32>
    %get3A_3 = vector.shape_cast %get3A_2 : vector<1x10000x128xf32> to vector<10000x128xf32>
    %get3A_4 = arith.constant 1 : index
    %get3A_5 = arith.constant 0 : index
    %get3A_6 = arith.constant 0 : index
    %get3A_7 = vector.load %arg0[%get3A_4, %get3A_5, %get3A_6] : memref<2x10240x128xf32, #tpu.memory_space<vmem>>, vector<1x10000x128xf32>
    %get3A_8 = vector.shape_cast %get3A_7 : vector<1x10000x128xf32> to vector<10000x128xf32>
    %add3A = arith.addf %get3A_3, %get3A_8 : vector<10000x128xf32>
    %get3A_9 = arith.constant 0 : index
    %get3A_10 = arith.constant 0 : index
    %get3A_11 = arith.constant 0 : index
    %get3A_12 = vector.load %arg1[%get3A_9, %get3A_10, %get3A_11] : memref<2x10240x128xf32, #tpu.memory_space<vmem>>, vector<1x10000x1xf32>
    %get3A_13 = vector.shape_cast %get3A_12 : vector<1x10000x1xf32> to vector<10000x1xf32>
    %get3A_14 = arith.constant 1 : index
    %get3A_15 = arith.constant 0 : index
    %get3A_16 = arith.constant 0 : index
    %get3A_17 = vector.load %arg1[%get3A_14, %get3A_15, %get3A_16] : memref<2x10240x128xf32, #tpu.memory_space<vmem>>, vector<1x10000x1xf32>
    %get3A_18 = vector.shape_cast %get3A_17 : vector<1x10000x1xf32> to vector<10000x1xf32>
    %add3A_19 = arith.addf %get3A_13, %get3A_18 : vector<10000x1xf32>
    %max3A = arith.constant 1.000000e+00 : f32
    %max3A_20 = vector.broadcast %max3A : f32 to vector<10000x1xf32>
    %max3A_21 = arith.maximumf %add3A_19, %max3A_20 : vector<10000x1xf32>
    %div3A = arith.constant 1.000000e+00 : f32
    %div3A_22 = vector.broadcast %div3A : f32 to vector<10000x1xf32>
    %div3A_23 = arith.divf %div3A_22, %max3A_21 : vector<10000x1xf32>
    %mul3A = vector.broadcast %div3A_23 : vector<10000x1xf32> to vector<10000x128xf32>
    %mul3A_24 = arith.mulf %add3A, %mul3A : vector<10000x128xf32>
    %get3A_25 = arith.constant 0 : index
    %get3A_26 = arith.constant 0 : index
    %get3A_27 = vector.load %arg3[%get3A_25, %get3A_26] : memref<128x128xf32, #tpu.memory_space<vmem>>, vector<128x128xf32>
    %dot_general3A = arith.constant dense<0.000000e+00> : vector<10000x128xf32>
    %dot_general3A_28 = tpu.matmul %mul3A_24, %get3A_27, %dot_general3A {dimension_numbers = #tpu.dot_dimension_numbers<[1], [0], [0], [1], [0, 0, 1, 1], [], []>, transpose_lhs_hint = false} : vector<10000x128xf32>, vector<128x128xf32>, vector<10000x128xf32> -> vector<10000x128xf32>
    %get3A_29 = arith.constant 0 : index
    %get3A_30 = arith.constant 0 : index
    %get3A_31 = vector.load %arg4[%get3A_29, %get3A_30] : memref<1x128xf32, #tpu.memory_space<vmem>>, vector<1x128xf32>
    %add3A_32 = vector.broadcast %get3A_31 : vector<1x128xf32> to vector<10000x128xf32>
    %add3A_33 = arith.addf %dot_general3A_28, %add3A_32 : vector<10000x128xf32>
    %get3A_34 = arith.constant 0 : index
    %get3A_35 = arith.constant 0 : index
    %get3A_36 = vector.load %arg2[%get3A_34, %get3A_35] : memref<10000x128xf32, #tpu.memory_space<vmem>>, vector<10000x128xf32>
    %add3A_37 = arith.addf %add3A_33, %get3A_36 : vector<10000x128xf32>
    %swap3A = arith.constant 0 : index
    %swap3A_38 = arith.constant 0 : index
    %swap3A_39 = vector.load %arg5[%swap3A, %swap3A_38] : memref<10000x128xf32, #tpu.memory_space<vmem>>, vector<10000x128xf32>
    tpu.vector_store %arg5[%swap3A, %swap3A_38], %add3A_37 {strides = array<i32>} : memref<10000x128xf32, #tpu.memory_space<vmem>>, vector<10000x128xf32>,
    return
  }
}

</mosaic_0001>

<sc_bundles>
// kernel: kernel.11.cloned.1.call-start
scs
__scs_entry_jumppad:
0x0: {  	(pc) =	sbr.rel $0x88, $3  }
0x1: {  	(tag) =	ssettag $0x0;
	lr =	simm.s32 $0x1  }
0x2: {  	[smem:$0x3F8C] =	sst lr;
	_ =	strace $0xD0000000  }
0x3: {  	_ = 	snop  }
0x4: {  	_ = 	snop  }
0x5: {  	_ = 	snop  }
0x6: {  	_ = 	snop  }
0x7: {  	_ = 	snop  }
__scs_overlays_trampoline_lowered:
0x8: {  	[smem:$0x3F9B] =	sst s0  }
0x9: {  	[smem:$0x3F9C] =	sst s1  }
0xa: {  	[smem:$0x3F9D] =	sst s2  }
0xb: {  	[smem:$0x3F9E] =	sst s3  }
0xc: {  	[smem:$0x3F9F] =	sst s4  }
0xd: {  	[smem:$0x3FA0] =	sst s5  }
0xe: {  	[smem:$0x3FA1] =	sst s6  }
0xf: {  	[smem:$0x3FA2] =	sst s7  }
0x10: {  	[smem:$0x3FA3] =	sst s8  }
0x11: {  	[smem:$0x3FA4] =	sst s9;
	s0 =	simm.s32 @!p0 $0x0  }
0x12: {  	s1 =	sld [smem:$0x3F8A];
	s0 =	simm.s32 @p0 $0x1  }
0x13: {  	[smem:$0x3FA5] =	sst s0;
	s0 =	simm.s32 @!p1 $0x0  }
0x14: {  	s2 =	sld [smem:$0x3F89];
	s0 =	simm.s32 @p1 $0x1  }
0x15: {  	[smem:$0x3FA6] =	sst s0;
	s0 =	simm.s32 @!p2 $0x0  }
0x16: {  	s3 =	sld [smem:$0x3FDB];
	s0 =	simm.s32 @p2 $0x1  }
0x17: {  	s4 =	simm.s32 $0x1BF5;
	[smem:$0x3FA8] =	sst s0  }
0x18: {  	s0 =	sld [smem:$0x3F8B];
	_ =	swait.ge [sflag:s4], $0x0  }
0x19: {  	s7 =	sld [smem:$0x3F8C]  }
0x1a: {  	s8 =	sadd.s32 $0xFFFFE003, lr  }
0x1b: {  	s9 =	sadd.s32 $0xFFFFFEF7, lr;
	s5 =	simm.s32 $0xFFFFFFFF;
	p2 =	slt.u32 s8, $0xFFFFF086  }
0x1c: {  	p1 =	slt.u32 s9, $0xF7A;
	s5 =	simm.s32 @!p2 $0x0  }
0x1d: {  	s5 =	simm.s32 @p1 $0x1;
	p0 =	seq.s32 s7, s2  }
0x1e: {  	s7 =	smul.u32 @!p0 $0xF7A, s2;
	p2 =	seq.s32 @!p0 s5, $0x0  }
0x1f: {  	s9 =	smul.u32 $0xF7A, s1;
	s8 =	simm.s32 @!p0 $0x1BF5;
	p2 =	por !p2, p0  }
0x20: {  	[sflag:s8] =	ssyncset.s32 @!p0 $0xFFFFF086;
	s6 =	sadd.s32 @!p0 s3, s7;
	s7 =	simm.s32 @!p0 $0x108  }
0x21: {  	s3 =	sadd.s32 s3, s9;
	s6 =	sadd.s32 @!p0 $0x88, s6;
	s7 =	simm.s32 @p2 $0x1082  }
0x22: {  	[simem:s7], [sflag:s8] =	dma.local @!p0 [hbm:s6], $0xF7A  }
0x23: {  	s9 =	sor.u32 $0xD0000000, s2;
	s6 =	simm.s32 $0x108;
	_ =	swait.ge @!p0 [sflag:s8], $0x0  }
0x24: {  	s3 =	sadd.s32 $0x88, s3;
	s6 =	simm.s32 @!p1 $0x1082;
	[sflag:s4] =	ssyncset.s32 $0xFFFFF086  }
0x25: {  	[simem:s6], [sflag:s4] =	dma.local [hbm:s3], $0xF7A  }
0x26: {  	[smem:$0x3F8C] =	sst s1;
	(tag) =	ssettag s2;
	_ =	strace s9  }
0x27: {  	s1 =	sld [smem:$0x3F9C]  }
0x28: {  	s2 =	sld [smem:$0x3F9D]  }
0x29: {  	s4 =	sld [smem:$0x3F9F]  }
0x2a: {  	p0 =	seq.s32 s5, $0x0;
	s5 =	sld [smem:$0x3FA0]  }
0x2b: {  	s6 =	sld [smem:$0x3FA1]  }
0x2c: {  	s7 =	sld [smem:$0x3FA2]  }
0x2d: {  	s3 =	simm.s32 $0x108;
	s8 =	sld [smem:$0x3FA3]  }
0x2e: {  	s3 =	simm.s32 @!p0 $0x1082;
	s9 =	sld [smem:$0x3FA4]  }
0x2f: {  	lr =	sadd.s32 s0, s3;
	s0 =	sld [smem:$0x3F9B]  }
0x30: {  	s3 =	sld [smem:$0x3F9E]  }
0x31: {  	[smem:$0x3FA7] =	sst s10  }
0x32: {  	s10 =	sld [smem:$0x3FA5];
	_ =	sdelay $0x3  }
0x33: {  	p0 =	seq.s32 s10, $0x1;
	s10 =	sld [smem:$0x3FA7];
	_ =	sdelay $0x3  }
0x34: {  	[smem:$0x3FA7] =	sst s10  }
0x35: {  	s10 =	sld [smem:$0x3FA6];
	_ =	sdelay $0x3  }
0x36: {  	p1 =	seq.s32 s10, $0x1;
	s10 =	sld [smem:$0x3FA7];
	_ =	sdelay $0x3  }
0x37: {  	[smem:$0x3FA7] =	sst s10  }
0x38: {  	s10 =	sld [smem:$0x3FA8]  }
0x39: {  	_ = 	snop;
	(pc) =	sbr.ind lr, $3  }
0x3a: {  	_ = 	snop  }
0x3b: {  	_ = 	snop  }
0x3c: {  	p2 =	seq.s32 s10, $0x1;
	s10 =	sld [smem:$0x3FA7]  }
0x3d: {  	_ =	shalt  }
0x3e: {  	_ =	shalt  }
0x3f: {  	_ =	shalt  }
0x40: {  	_ =	shalt  }
0x41: {  	_ =	shalt  }
0x42: {  	_ =	shalt  }
0x43: {  	_ =	shalt  }
0x44: {  	_ =	shalt  }
0x45: {  	_ =	shalt  }
0x46: {  	_ =	shalt  }
0x47: {  	_ =	shalt  }
0x48: {  	_ =	shalt  }
0x49: {  	_ =	shalt  }
0x4a: {  	_ =	shalt  }
0x4b: {  	_ =	shalt  }
0x4c: {  	_ =	shalt  }
0x4d: {  	_ =	shalt  }
0x4e: {  	_ =	shalt  }
0x4f: {  	_ =	shalt  }
0x50: {  	_ =	shalt  }
0x51: {  	_ =	shalt  }
0x52: {  	_ =	shalt  }
0x53: {  	_ =	shalt  }
0x54: {  	_ =	shalt  }
0x55: {  	_ =	shalt  }
0x56: {  	_ =	shalt  }
0x57: {  	_ =	shalt  }
0x58: {  	_ =	shalt  }
0x59: {  	_ =	shalt  }
0x5a: {  	_ =	shalt  }
0x5b: {  	_ =	shalt  }
0x5c: {  	_ =	shalt  }
0x5d: {  	_ =	shalt  }
0x5e: {  	_ =	shalt  }
0x5f: {  	_ =	shalt  }
0x60: {  	_ =	shalt  }
0x61: {  	_ =	shalt  }
0x62: {  	_ =	shalt  }
0x63: {  	_ =	shalt  }
0x64: {  	_ =	shalt  }
0x65: {  	_ =	shalt  }
0x66: {  	_ =	shalt  }
0x67: {  	_ =	shalt  }
0x68: {  	_ =	shalt  }
0x69: {  	_ =	shalt  }
0x6a: {  	_ =	shalt  }
0x6b: {  	_ =	shalt  }
0x6c: {  	_ =	shalt  }
0x6d: {  	_ =	shalt  }
0x6e: {  	_ =	shalt  }
0x6f: {  	_ =	shalt  }
0x70: {  	_ =	shalt  }
0x71: {  	_ =	shalt  }
0x72: {  	_ =	shalt  }
0x73: {  	_ =	shalt  }
0x74: {  	_ =	shalt  }
0x75: {  	_ =	shalt  }
0x76: {  	_ =	shalt  }
0x77: {  	_ =	shalt  }
0x78: {  	_ =	shalt  }
0x79: {  	_ =	shalt  }
0x7a: {  	_ =	shalt  }
0x7b: {  	_ =	shalt  }
0x7c: {  	_ =	shalt  }
0x7d: {  	_ =	shalt  }
0x7e: {  	_ =	shalt  }
0x7f: {  	_ =	shalt  }
0x80: {  	_ =	shalt  }
0x81: {  	_ =	shalt  }
0x82: {  	_ =	shalt  }
0x83: {  	_ =	shalt  }
0x84: {  	_ =	shalt  }
0x85: {  	_ =	shalt  }
0x86: {  	_ =	shalt  }
0x87: {  	_ =	shalt  }
.Lfunc_end0:
.L_simem_size_0:
called_computation_lowered:
.L_overlay_start_0:
0x88: {  	s2 =	sld [smem:$0x3FD9]  }
0x89: {  	s3 =	sld [smem:$0x3FFE];
	_ =	sdelay $0x1  }
0x8a: {  	s1 =	srdreg.scid  }
0x8b: {  	s0 =	sand.u32 $0x1, s1  }
0x8c: {  	s17 =	sshll.u32 s0, $0xA;
	s2 =	sadd.s32 s3, s2  }
0x8d: {  	s2 =	sadd.s32 s2, s17  }
0x8e: {  	[smem:$0x3FB3] =	sst s2  }
0x8f: {  	_ = 	snop  }
0x90: {  	s2 =	sld [smem:$0x3FC9]  }
0x91: {  	s18 =	sld [smem:$0x3FD0];
	(tm) =	ssettm $0x1  }
0x92: {  	s4 =	sld [smem:$0x3FFB];
	_ =	sdelay $0x3  }
0x93: {  	_ =	strace s4  }
0x94: {  	s4 =	sld [smem:$0x3FFC];
	_ =	sdelay $0x3  }
0x95: {  	_ =	strace s4  }
0x96: {  	s4 =	sld [smem:$0x3FFD];
	_ =	sdelay $0x3  }
0x97: {  	_ =	strace s4  }
0x98: {  	_ =	strace $0x8FFFFFFF  }
0x99: {  	s19 =	sld [smem:$0x3FDB];
	_ =	sdelay $0x1  }
0x9a: {  	s5 =	simm.s32 $_scs_section_size  }
0x9b: {  	s6 =	simm.s32 $_size__tile_overlayer_lowered;
	s7 =	simm.s32 $_tile_overlayer_lowered  }
0x9c: {  	s22 =	simm.s32 $0x1BFF;
	s21 =	sshll.u32 s7, $0x1;
	s4 =	sadd.s32 s5, s19  }
0x9d: {  	s8 =	simm.s32 $0x0;
	s20 =	sshll.u32 s6, $0x1;
	s6 =	sadd.s32 s21, s4  }
0x9e: {  	[timem:s8], [sflag:s22] =	dma.local [hbm:s6], s20  }
0x9f: {  	_ =	swait.ge [sflag:s22], s20  }
0xa0: {  	s5 =	ssub.s32 $0x0, s20;
	[sflag:s22] =	ssyncset.done $0x0  }
0xa1: {  	[sflag:s22] =	ssyncadd.s32 s5;
	_ =	sdelay $0x1  }
0xa2: {  	s23 =	simm.s32 $0x1B8B  }
0xa3: {  	_ =	swait.ge [sflag:s23], $0x1  }
0xa4: {  	[sflag:s23] =	ssyncset.done $0x0  }
0xa5: {  	s25 =	simm.s32 $0x1B8E;
	s24 =	sld [smem:$0x3FFE];
	[sflag:s23] =	ssyncadd.s32 $0xFFFFFFFF  }
0xa6: {  	s26 =	simm.s32 $execute0_lowered;
	[smem:$0x3FD2] =	sst s25  }
0xa7: {  	s6 =	sshll.u32 s26, $0x1;
	_ =	strace $0x80000046;
	[dreg:$0x1] =	wrdreg $0xFFFFFFFF  }
0xa8: {  	s28 =	simm.s32 $_size_execute0_lowered;
	s4 =	sadd.s32 s4, s6;
	[dreg:$0x0] =	wrdreg $0x0  }
0xa9: {  	s6 =	sshll.u32 s28, $0x1;
	[dreg:$0x2] =	wrdreg s4  }
0xaa: {  	[dreg:$0x3] =	wrdreg s6  }
0xab: {  	[dreg:$0x4] =	wrdreg $0xC0  }
0xac: {  	_ =	task [dreg:s8], $0x5FFFF  }
0xad: {  	[dreg:$0x1] =	wrdreg $0xFFFFFFFF  }
0xae: {  	[dreg:$0x0] =	wrdreg $0x60  }
0xaf: {  	[dreg:$0x2] =	wrdreg s2  }
0xb0: {  	[dreg:$0x3] =	wrdreg s24  }
0xb1: {  	[dreg:$0x4] =	wrdreg s18  }
0xb2: {  	[dreg:$0x5] =	wrdreg $0x0  }
0xb3: {  	[dreg:$0x6] =	wrdreg $0x9  }
0xb4: {  	_ =	task.clear_ibuf [dreg:s8], $0x7FFFF;
	_ =	strace $0x90000046  }
0xb5: {  	s29 =	simm.s32 $0x9;
	_ =	strace $0x80000048  }
0xb6: {  	_ =	swait.ge [sflag:s29], $0x1  }
0xb7: {  	[sflag:s29] =	ssyncadd.s32 $0xFFFFFFFF  }
0xb8: {  	_ =	strace $0x90000048  }
0xb9: {  	_ =	sfence  }
0xba: {  	s30 =	sld [smem:$0x0];
	_ =	sdelay $0x2  }
0xbb: {  	s31 =	sshll.u32 s1, $0xD;
	s1 =	sshrl.u32 s1, $0x2  }
0xbc: {  	s3 =	sand.u32 $0x4000, s31;
	s1 =	sadd.s32 s1, s30  }
0xbd: {  	s0 =	sor.u32 s3, s0;
	s1 =	sshll.u32 s1, $0x11  }
0xbe: {  	s0 =	sor.u32 s1, s0  }
0xbf: {  	s0 =	sadd.s32 $0x8F2B, s0  }
0xc0: {  	[sflag:s0] =	ssyncadd.remote.s32 $0x1  }
0xc1: {  	_ =	sfence.sel $0xFFFF  }
0xc2: {  	[dreg:$0x0] =	wrdreg $0xFFFFFFFF;
	(pc) =	sbr.abs _section_cstart, $3  }
0xc3: {  	[dreg:$0x1] =	wrdreg $0xFFFFFFFF  }
0xc4: {  	_ =	task.clear_ibuf [dreg:s8], $0x2FFFF;
	_ =	strace $0x9FFFFFFF  }
0xc5: {  	(tm) =	ssettm $0x7FFFFFFF  }
tec
execute0_lowered:
.L_overlay_start_1:
0x0: {  	(tag) =	ssettag $0x1  }
0x1: {  	s1 =	rddreg [dreg:$0x0]  }
0x2: {  	s7 =	rddreg [dreg:$0x1]  }
0x3: {  	s2 =	rddreg [dreg:$0x2]  }
0x4: {  	s3 =	rddreg [dreg:$0x3];
	s4 =	srdreg.scid  }
0x5: {  	s5 =	simm.s32 $0x0;
	s17 =	simm.s32 $0x14000;
	s18 =	simm.s32 $0x15400  }
0x6: {  	s19 =	simm.s32 $0x80;
	s20 =	simm.s32 $0x16800;
	s28 =	simm.s32 $0x4  }
0x7: {  	s29 =	simm.s32 $0x0;
	s8 =	sand.u32 $0x1, s4;
	s4 =	stileid.u32  }
0x8: {  	[smem:$0x7FF] =	sst s5;
	s11 =	sadd.s32 $0x4400, s7;
	s9 =	smul.u32 $0x140000, s8  }
0x9: {  	s12 =	sadd.s32 $0xE400, s7;
	s6 =	sadd.s32 $0x18400, s7;
	s10 =	smul.u32 $0x14000, s4  }
0xa: {  	_ =	strace $0x80000047;
	s21 =	sshll.u32 s4, $0x1;
	s13 =	ssub.s32 $0x2, s8  }
0xb: {  	s22 =	smul.u32 $0x50000, s4;
	s24 =	sshll.u32 s4, $0x6;
	s8 =	sor.u32 s8, s21  }
0xc: {  	s14 =	sshrl.u32 s13, $0x1;
	s21 =	simm.s32 $0x14080;
	s9 =	sadd.s32 s10, s9  }
0xd: {  	s15 =	smul.u32 $0x2800, s8;
	s14 =	ssub.s32 s13, s14;
	s23 =	sshrl.u32 s22, $0x2  }
0xe: {  	s25 =	smul.u32 $0x500, s8;
	s22 =	simm.s32 $0x1A800;
	s9 =	sshrl.u32 s9, $0x3  }
0xf: {  	s30 =	sadd.s32 s23, s3;
	s14 =	smax.u32 s14, $0x1;
	s23 =	simm.s32 $0x1  }
0x10: {  	s16 =	sadd.s32 s9, s7;
	s26 =	sshrl.u32 s15, $0x3;
	s7 =	sor.u32 $0x1C05, s24  }
0x11: {  	s8 =	sadd.s32 s11, s25;
	s9 =	sadd.s32 s12, s25;
	s15 =	sshrl.u32 s30, $0x3  }
0x12: {  	s24 =	simm.s32 $0x2;
	s25 =	simm.s32 $0x15480;
	s31 =	sadd.s32 $0x280, s26  }
0x13: {  	s13 =	sadd.s32 $0x6AC00, s16;
	s26 =	simm.s32 $0x3;
	s10 =	sadd.s32 s11, s31  }
0x14: {  	s11 =	sadd.s32 s12, s31;
	s12 =	sadd.s32 $0x1AC00, s16;
	s16 =	simm.s32 $0x5  }
.LBB2_1:
0x15: {  	[spmem:s15], [sflag:s7] =	dma.local [hbm:s6], $0x2800  }
0x16: {  	_ =	swait.ge [sflag:s16], $0x2800  }
0x17: {  	[sflag:s16] =	ssyncset.done $0x0  }
0x18: {  	[sflag:s16] =	ssyncadd.s32 $0xFFFFD800  }
0x19: {  	[bflag:$0x0] =	sbarrier.arrive $0xFFFF  }
0x1a: {  	[tilespmem:s17], [sflag:$0x5] =	stream.linear.gather [hbm4b:s8+s5], $0x1400, $0x38;
	[tilespmem:$0x1E800] =	vst v63  }
0x1b: {  	_ =	swait.ge [sflag:s16], $0x1400  }
0x1c: {  	[sflag:s16] =	ssyncset.done $0x0  }
0x1d: {  	[sflag:s16] =	ssyncadd.s32 $0xFFFFEC00  }
0x1e: {  	[tilespmem:s18], [sflag:$0x5] =	stream.linear.gather [hbm4b:s9+s5], $0x1400, $0x38;
	[tilespmem:$0x1E800] =	vst v63  }
0x1f: {  	_ =	swait.ge [sflag:s16], $0x1400  }
0x20: {  	[sflag:s16] =	ssyncset.done $0x0  }
0x21: {  	[sflag:s16] =	ssyncadd.s32 $0xFFFFEC00  }
0x22: {  	[tilespmem:s20], [sflag:$0x1] =	stream.indirect.gather [hbm4b:s1+s19], $0x80, s17, s19, $0xb8;
	[tilespmem:$0x1E800] =	vst v63  }
0x23: {  	_ = 	snop  }
0x24: {  	[tilespmem:s22], [sflag:$0x2] =	stream.indirect.gather [hbm4b:s1+s19], $0x80, s21, s19, $0xb8;
	[tilespmem:$0x1E800] =	vst v63  }
0x25: {  	_ =	swait.ge [sflag:s23], $0x4000  }
0x26: {  	[sflag:s23] =	ssyncset.done $0x0  }
0x27: {  	[sflag:s23] =	ssyncadd.s32 $0xFFFFC000  }
0x28: {  	[spmem:s3] =	stream.indirect.scatter.add.f32 [tilespmem:s20], [sflag:$0x3], $0x80, s18, s19, $0xb8;
	[tilespmem:$0x1E800] =	vst v63  }
0x29: {  	_ =	swait.ge [sflag:s24], $0x4000  }
0x2a: {  	[sflag:s24] =	ssyncset.done $0x0  }
0x2b: {  	[sflag:s24] =	ssyncadd.s32 $0xFFFFC000  }
0x2c: {  	[spmem:s3] =	stream.indirect.scatter.add.f32 [tilespmem:s22], [sflag:$0x4], $0x80, s25, s19, $0xb8;
	[tilespmem:$0x1E800] =	vst v63  }
0x2d: {  	_ =	swait.ge [sflag:s26], $0x4000  }
0x2e: {  	[sflag:s26] =	ssyncset.done $0x0  }
0x2f: {  	s30 =	simm.s32 $0x14100;
	[sflag:s26] =	ssyncadd.s32 $0xFFFFC000  }
0x30: {  	[tilespmem:s20], [sflag:$0x1] =	stream.indirect.gather [hbm4b:s1+s19], $0x80, s30, s19, $0xb8;
	[tilespmem:$0x1E800] =	vst v63  }
0x31: {  	_ =	swait.ge [sflag:s28], $0x4000  }
0x32: {  	[sflag:s28] =	ssyncset.done $0x0  }
0x33: {  	s30 =	simm.s32 $0x14180;
	[sflag:s28] =	ssyncadd.s32 $0xFFFFC000  }
0x34: {  	[tilespmem:s22], [sflag:$0x2] =	stream.indirect.gather [hbm4b:s1+s19], $0x80, s30, s19, $0xb8;
	[tilespmem:$0x1E800] =	vst v63  }
0x35: {  	_ =	swait.ge [sflag:s23], $0x4000  }
0x36: {  	[sflag:s23] =	ssyncset.done $0x0  }
0x37: {  	s30 =	simm.s32 $0x15500;
	[sflag:s23] =	ssyncadd.s32 $0xFFFFC000  }
0x38: {  	[spmem:s3] =	stream.indirect.scatter.add.f32 [tilespmem:s20], [sflag:$0x3], $0x80, s30, s19, $0xb8;
	[tilespmem:$0x1E800] =	vst v63  }
0x39: {  	_ =	swait.ge [sflag:s24], $0x4000  }
0x3a: {  	[sflag:s24] =	ssyncset.done $0x0  }
0x3b: {  	s31 =	simm.s32 $0x15580;
	s30 =	simm.s32 $0xFFFFB800;
	[sflag:s24] =	ssyncadd.s32 $0xFFFFC000  }
.LBB2_2:
0x3c: {  	[spmem:s3] =	stream.indirect.scatter.add.f32 [tilespmem:s22], [sflag:$0x4], $0x80, s31, s19, $0xb8;
	[tilespmem:$0x1E800] =	vst v63  }
0x3d: {  	s31 =	smov.u32 s30  }
0x3e: {  	p0 =	sne.s32 s30, $0xFFFFFC00;
	s30 =	sadd.s32 $0x400, s30;
	_ =	swait.ge [sflag:s26], $0x4000  }
0x3f: {  	s31 =	sshra.s32 s31, $0x2;
	[sflag:s26] =	ssyncset.done $0x0  }
0x40: {  	s0 =	sadd.s32 $0x15400, s31;
	[sflag:s26] =	ssyncadd.s32 $0xFFFFC000  }
0x41: {  	[tilespmem:s20], [sflag:$0x1] =	stream.indirect.gather [hbm4b:s1+s19], $0x80, s0, s19, $0xb8;
	[tilespmem:$0x1E800] =	vst v63  }
0x42: {  	_ =	swait.ge [sflag:s28], $0x4000  }
0x43: {  	[sflag:s28] =	ssyncset.done $0x0  }
0x44: {  	s0 =	sadd.s32 $0x15480, s31;
	[sflag:s28] =	ssyncadd.s32 $0xFFFFC000  }
0x45: {  	[tilespmem:s22], [sflag:$0x2] =	stream.indirect.gather [hbm4b:s1+s19], $0x80, s0, s19, $0xb8;
	[tilespmem:$0x1E800] =	vst v63  }
0x46: {  	_ =	swait.ge [sflag:s23], $0x4000  }
0x47: {  	[sflag:s23] =	ssyncset.done $0x0  }
.Ltmp0:
0x48: {  	s0 =	sadd.s32 $0x16800, s31;
	[sflag:s23] =	ssyncadd.s32 $0xFFFFC000;
	(pc) =	sbr.rel @p0 .LBB2_2-.Ltmp0, $4  }
0x49: {  	[spmem:s3] =	stream.indirect.scatter.add.f32 [tilespmem:s20], [sflag:$0x3], $0x80, s0, s19, $0xb8;
	[tilespmem:$0x1E800] =	vst v63  }
0x4a: {  	_ =	swait.ge [sflag:s24], $0x4000  }
0x4b: {  	[sflag:s24] =	ssyncset.done $0x0  }
0x4c: {  	s31 =	sadd.s32 $0x16880, s31;
	[sflag:s24] =	ssyncadd.s32 $0xFFFFC000  }
0x4d: {  	[spmem:s3] =	stream.indirect.scatter.add.f32 [tilespmem:s22], [sflag:$0x4], $0x80, s31, s19, $0xb8;
	[tilespmem:$0x1E800] =	vst v63  }
0x4e: {  	_ =	swait.ge [sflag:s26], $0x4000  }
0x4f: {  	[sflag:s26] =	ssyncset.done $0x0  }
0x50: {  	[sflag:s26] =	ssyncadd.s32 $0xFFFFC000  }
0x51: {  	_ =	swait.ge [sflag:s28], $0x4000  }
0x52: {  	[sflag:s28] =	ssyncset.done $0x0  }
0x53: {  	[sflag:s28] =	ssyncadd.s32 $0xFFFFC000  }
0x54: {  	[tilespmem:s17], [sflag:$0x5] =	stream.linear.gather [hbm4b:s10+s5], $0x1400, $0x38;
	[tilespmem:$0x1E800] =	vst v63  }
0x55: {  	_ =	swait.ge [sflag:s16], $0x1400  }
0x56: {  	[sflag:s16] =	ssyncset.done $0x0  }
0x57: {  	[sflag:s16] =	ssyncadd.s32 $0xFFFFEC00  }
0x58: {  	[tilespmem:s18], [sflag:$0x5] =	stream.linear.gather [hbm4b:s11+s5], $0x1400, $0x38;
	[tilespmem:$0x1E800] =	vst v63  }
0x59: {  	_ =	swait.ge [sflag:s16], $0x1400  }
0x5a: {  	[sflag:s16] =	ssyncset.done $0x0  }
0x5b: {  	[sflag:s16] =	ssyncadd.s32 $0xFFFFEC00  }
0x5c: {  	[tilespmem:s20], [sflag:$0x1] =	stream.indirect.gather [hbm4b:s1+s19], $0x80, s17, s19, $0xb8;
	[tilespmem:$0x1E800] =	vst v63  }
0x5d: {  	_ = 	snop  }
0x5e: {  	[tilespmem:s22], [sflag:$0x2] =	stream.indirect.gather [hbm4b:s1+s19], $0x80, s21, s19, $0xb8;
	[tilespmem:$0x1E800] =	vst v63  }
0x5f: {  	_ =	swait.ge [sflag:s23], $0x4000  }
0x60: {  	[sflag:s23] =	ssyncset.done $0x0  }
0x61: {  	[sflag:s23] =	ssyncadd.s32 $0xFFFFC000  }
0x62: {  	[spmem:s3] =	stream.indirect.scatter.add.f32 [tilespmem:s20], [sflag:$0x3], $0x80, s18, s19, $0xb8;
	[tilespmem:$0x1E800] =	vst v63  }
0x63: {  	_ =	swait.ge [sflag:s24], $0x4000  }
0x64: {  	[sflag:s24] =	ssyncset.done $0x0  }
0x65: {  	[sflag:s24] =	ssyncadd.s32 $0xFFFFC000  }
0x66: {  	[spmem:s3] =	stream.indirect.scatter.add.f32 [tilespmem:s22], [sflag:$0x4], $0x80, s25, s19, $0xb8;
	[tilespmem:$0x1E800] =	vst v63  }
0x67: {  	_ =	swait.ge [sflag:s26], $0x4000  }
0x68: {  	[sflag:s26] =	ssyncset.done $0x0  }
0x69: {  	s0 =	simm.s32 $0x14100;
	[sflag:s26] =	ssyncadd.s32 $0xFFFFC000  }
0x6a: {  	[tilespmem:s20], [sflag:$0x1] =	stream.indirect.gather [hbm4b:s1+s19], $0x80, s0, s19, $0xb8;
	[tilespmem:$0x1E800] =	vst v63  }
0x6b: {  	_ =	swait.ge [sflag:s28], $0x4000  }
0x6c: {  	[sflag:s28] =	ssyncset.done $0x0  }
0x6d: {  	s0 =	simm.s32 $0x14180;
	[sflag:s28] =	ssyncadd.s32 $0xFFFFC000  }
0x6e: {  	[tilespmem:s22], [sflag:$0x2] =	stream.indirect.gather [hbm4b:s1+s19], $0x80, s0, s19, $0xb8;
	[tilespmem:$0x1E800] =	vst v63  }
0x6f: {  	_ =	swait.ge [sflag:s23], $0x4000  }
0x70: {  	[sflag:s23] =	ssyncset.done $0x0  }
0x71: {  	s0 =	simm.s32 $0x15500;
	[sflag:s23] =	ssyncadd.s32 $0xFFFFC000  }
0x72: {  	[spmem:s3] =	stream.indirect.scatter.add.f32 [tilespmem:s20], [sflag:$0x3], $0x80, s0, s19, $0xb8;
	[tilespmem:$0x1E800] =	vst v63  }
0x73: {  	_ =	swait.ge [sflag:s24], $0x4000  }
0x74: {  	[sflag:s24] =	ssyncset.done $0x0  }
0x75: {  	s30 =	simm.s32 $0xFFFFB800;
	s31 =	simm.s32 $0x15580;
	[sflag:s24] =	ssyncadd.s32 $0xFFFFC000  }
.LBB2_4:
0x76: {  	[spmem:s3] =	stream.indirect.scatter.add.f32 [tilespmem:s22], [sflag:$0x4], $0x80, s31, s19, $0xb8;
	[tilespmem:$0x1E800] =	vst v63  }
0x77: {  	s0 =	smov.u32 s30  }
0x78: {  	p0 =	sne.s32 s30, $0xFFFFFC00;
	s30 =	sadd.s32 $0x400, s30;
	_ =	swait.ge [sflag:s26], $0x4000  }
0x79: {  	s0 =	sshra.s32 s0, $0x2;
	[sflag:s26] =	ssyncset.done $0x0  }
0x7a: {  	s31 =	sadd.s32 $0x15400, s0;
	[sflag:s26] =	ssyncadd.s32 $0xFFFFC000  }
0x7b: {  	[tilespmem:s20], [sflag:$0x1] =	stream.indirect.gather [hbm4b:s1+s19], $0x80, s31, s19, $0xb8;
	[tilespmem:$0x1E800] =	vst v63  }
0x7c: {  	_ =	swait.ge [sflag:s28], $0x4000  }
0x7d: {  	[sflag:s28] =	ssyncset.done $0x0  }
0x7e: {  	s31 =	sadd.s32 $0x15480, s0;
	[sflag:s28] =	ssyncadd.s32 $0xFFFFC000  }
0x7f: {  	[tilespmem:s22], [sflag:$0x2] =	stream.indirect.gather [hbm4b:s1+s19], $0x80, s31, s19, $0xb8;
	[tilespmem:$0x1E800] =	vst v63  }
0x80: {  	_ =	swait.ge [sflag:s23], $0x4000  }
0x81: {  	[sflag:s23] =	ssyncset.done $0x0  }
.Ltmp1:
0x82: {  	s31 =	sadd.s32 $0x16800, s0;
	[sflag:s23] =	ssyncadd.s32 $0xFFFFC000;
	(pc) =	sbr.rel @p0 .LBB2_4-.Ltmp1, $4  }
0x83: {  	[spmem:s3] =	stream.indirect.scatter.add.f32 [tilespmem:s20], [sflag:$0x3], $0x80, s31, s19, $0xb8;
	[tilespmem:$0x1E800] =	vst v63  }
0x84: {  	_ =	swait.ge [sflag:s24], $0x4000  }
0x85: {  	[sflag:s24] =	ssyncset.done $0x0  }
0x86: {  	s31 =	sadd.s32 $0x16880, s0;
	[sflag:s24] =	ssyncadd.s32 $0xFFFFC000  }
0x87: {  	[spmem:s3] =	stream.indirect.scatter.add.f32 [tilespmem:s22], [sflag:$0x4], $0x80, s31, s19, $0xb8;
	[tilespmem:$0x1E800] =	vst v63  }
0x88: {  	_ =	swait.ge [sflag:s26], $0x4000  }
0x89: {  	[sflag:s26] =	ssyncset.done $0x0  }
0x8a: {  	[sflag:s26] =	ssyncadd.s32 $0xFFFFC000  }
0x8b: {  	_ =	swait.ge [sflag:s28], $0x4000  }
0x8c: {  	[sflag:s28] =	ssyncset.done $0x0  }
0x8d: {  	[sflag:s28] =	ssyncadd.s32 $0xFFFFC000  }
0x8e: {  	[bflag:$0x0] =	sbarrier.arrive $0xFFFF  }
0x8f: {  	[hbm:s12], [sflag:s7] =	dma.local [spmem:s15], $0x2800  }
0x90: {  	_ =	swait.ge [sflag:s16], $0x2800  }
0x91: {  	[sflag:s16] =	ssyncset.done $0x0  }
0x92: {  	[sflag:s16] =	ssyncadd.s32 $0xFFFFD800  }
0x93: {  	[spmem:s15], [sflag:s7] =	dma.local [hbm:s6], $0x2800  }
0x94: {  	_ =	swait.ge [sflag:s16], $0x2800  }
0x95: {  	[sflag:s16] =	ssyncset.done $0x0  }
0x96: {  	[sflag:s16] =	ssyncadd.s32 $0xFFFFD800  }
0x97: {  	[tilespmem:s20], [sflag:$0x5] =	stream.linear.gather [hbm4b:s2+s5], $0x4000, $0x38;
	[tilespmem:$0x1E800] =	vst v63  }
0x98: {  	_ =	swait.ge [sflag:s16], $0x4000  }
0x99: {  	[sflag:s16] =	ssyncset.done $0x0  }
0x9a: {  	[sflag:s16] =	ssyncadd.s32 $0xFFFFC000  }
0x9b: {  	[bflag:$0x0] =	sbarrier.arrive $0xFFFF  }
0x9c: {  	[tilespmem:s18], [sflag:$0x5] =	stream.linear.gather [hbm4b:s9+s5], $0x1400, $0x38;
	[tilespmem:$0x1E800] =	vst v63  }
0x9d: {  	_ =	swait.ge [sflag:s16], $0x1400  }
0x9e: {  	[sflag:s16] =	ssyncset.done $0x0  }
0x9f: {  	[sflag:s16] =	ssyncadd.s32 $0xFFFFEC00  }
0xa0: {  	[spmem:s3] =	stream.indirect.scatter.add.f32 [tilespmem:s20], [sflag:$0x3], $0x80, s18, s19, $0xb8;
	[tilespmem:$0x1E800] =	vst v63  }
0xa1: {  	_ = 	snop  }
0xa2: {  	[spmem:s3] =	stream.indirect.scatter.add.f32 [tilespmem:s20], [sflag:$0x4], $0x80, s25, s19, $0xb8;
	[tilespmem:$0x1E800] =	vst v63  }
0xa3: {  	_ =	swait.ge [sflag:s26], $0x4000  }
0xa4: {  	[sflag:s26] =	ssyncset.done $0x0  }
0xa5: {  	s0 =	simm.s32 $0x15500;
	[sflag:s26] =	ssyncadd.s32 $0xFFFFC000  }
0xa6: {  	[spmem:s3] =	stream.indirect.scatter.add.f32 [tilespmem:s20], [sflag:$0x3], $0x80, s0, s19, $0xb8;
	[tilespmem:$0x1E800] =	vst v63  }
0xa7: {  	_ =	swait.ge [sflag:s28], $0x4000  }
0xa8: {  	[sflag:s28] =	ssyncset.done $0x0  }
0xa9: {  	s30 =	simm.s32 $0xFFFFB800;
	s31 =	simm.s32 $0x15580;
	[sflag:s28] =	ssyncadd.s32 $0xFFFFC000  }
.LBB2_6:
0xaa: {  	[spmem:s3] =	stream.indirect.scatter.add.f32 [tilespmem:s20], [sflag:$0x4], $0x80, s31, s19, $0xb8;
	[tilespmem:$0x1E800] =	vst v63  }
0xab: {  	s0 =	smov.u32 s30  }
0xac: {  	p0 =	sne.s32 s30, $0xFFFFFC00;
	s30 =	sadd.s32 $0x400, s30;
	_ =	swait.ge [sflag:s26], $0x4000  }
0xad: {  	s0 =	sshra.s32 s0, $0x2;
	[sflag:s26] =	ssyncset.done $0x0  }
.Ltmp2:
0xae: {  	s31 =	sadd.s32 $0x16800, s0;
	[sflag:s26] =	ssyncadd.s32 $0xFFFFC000;
	(pc) =	sbr.rel @p0 .LBB2_6-.Ltmp2, $4  }
0xaf: {  	[spmem:s3] =	stream.indirect.scatter.add.f32 [tilespmem:s20], [sflag:$0x3], $0x80, s31, s19, $0xb8;
	[tilespmem:$0x1E800] =	vst v63  }
0xb0: {  	_ =	swait.ge [sflag:s28], $0x4000  }
0xb1: {  	[sflag:s28] =	ssyncset.done $0x0  }
0xb2: {  	s31 =	sadd.s32 $0x16880, s0;
	[sflag:s28] =	ssyncadd.s32 $0xFFFFC000  }
0xb3: {  	[spmem:s3] =	stream.indirect.scatter.add.f32 [tilespmem:s20], [sflag:$0x4], $0x80, s31, s19, $0xb8;
	[tilespmem:$0x1E800] =	vst v63  }
0xb4: {  	_ =	swait.ge [sflag:s26], $0x4000  }
0xb5: {  	[sflag:s26] =	ssyncset.done $0x0  }
0xb6: {  	[sflag:s26] =	ssyncadd.s32 $0xFFFFC000  }
0xb7: {  	_ =	swait.ge [sflag:s28], $0x4000  }
0xb8: {  	[sflag:s28] =	ssyncset.done $0x0  }
0xb9: {  	[sflag:s28] =	ssyncadd.s32 $0xFFFFC000  }
0xba: {  	[tilespmem:s18], [sflag:$0x5] =	stream.linear.gather [hbm4b:s11+s5], $0x1400, $0x38;
	[tilespmem:$0x1E800] =	vst v63  }
0xbb: {  	_ =	swait.ge [sflag:s16], $0x1400  }
0xbc: {  	[sflag:s16] =	ssyncset.done $0x0  }
0xbd: {  	[sflag:s16] =	ssyncadd.s32 $0xFFFFEC00  }
0xbe: {  	[spmem:s3] =	stream.indirect.scatter.add.f32 [tilespmem:s20], [sflag:$0x3], $0x80, s18, s19, $0xb8;
	[tilespmem:$0x1E800] =	vst v63  }
0xbf: {  	_ = 	snop  }
0xc0: {  	[spmem:s3] =	stream.indirect.scatter.add.f32 [tilespmem:s20], [sflag:$0x4], $0x80, s25, s19, $0xb8;
	[tilespmem:$0x1E800] =	vst v63  }
0xc1: {  	_ =	swait.ge [sflag:s26], $0x4000  }
0xc2: {  	[sflag:s26] =	ssyncset.done $0x0  }
0xc3: {  	s0 =	simm.s32 $0x15500;
	[sflag:s26] =	ssyncadd.s32 $0xFFFFC000  }
0xc4: {  	[spmem:s3] =	stream.indirect.scatter.add.f32 [tilespmem:s20], [sflag:$0x3], $0x80, s0, s19, $0xb8;
	[tilespmem:$0x1E800] =	vst v63  }
0xc5: {  	_ =	swait.ge [sflag:s28], $0x4000  }
0xc6: {  	[sflag:s28] =	ssyncset.done $0x0  }
0xc7: {  	s30 =	simm.s32 $0xFFFFB800;
	s31 =	simm.s32 $0x15580;
	[sflag:s28] =	ssyncadd.s32 $0xFFFFC000  }
.LBB2_8:
0xc8: {  	[spmem:s3] =	stream.indirect.scatter.add.f32 [tilespmem:s20], [sflag:$0x4], $0x80, s31, s19, $0xb8;
	[tilespmem:$0x1E800] =	vst v63  }
0xc9: {  	s0 =	smov.u32 s30  }
0xca: {  	p0 =	sne.s32 s30, $0xFFFFFC00;
	s30 =	sadd.s32 $0x400, s30;
	_ =	swait.ge [sflag:s26], $0x4000  }
0xcb: {  	s0 =	sshra.s32 s0, $0x2;
	[sflag:s26] =	ssyncset.done $0x0  }
.Ltmp3:
0xcc: {  	s31 =	sadd.s32 $0x16800, s0;
	[sflag:s26] =	ssyncadd.s32 $0xFFFFC000;
	(pc) =	sbr.rel @p0 .LBB2_8-.Ltmp3, $4  }
0xcd: {  	[spmem:s3] =	stream.indirect.scatter.add.f32 [tilespmem:s20], [sflag:$0x3], $0x80, s31, s19, $0xb8;
	[tilespmem:$0x1E800] =	vst v63  }
0xce: {  	_ =	swait.ge [sflag:s28], $0x4000  }
0xcf: {  	[sflag:s28] =	ssyncset.done $0x0  }
0xd0: {  	s31 =	sadd.s32 $0x16880, s0;
	[sflag:s28] =	ssyncadd.s32 $0xFFFFC000  }
0xd1: {  	[spmem:s3] =	stream.indirect.scatter.add.f32 [tilespmem:s20], [sflag:$0x4], $0x80, s31, s19, $0xb8;
	[tilespmem:$0x1E800] =	vst v63  }
0xd2: {  	_ =	swait.ge [sflag:s26], $0x4000  }
0xd3: {  	[sflag:s26] =	ssyncset.done $0x0  }
0xd4: {  	[sflag:s26] =	ssyncadd.s32 $0xFFFFC000  }
0xd5: {  	_ =	swait.ge [sflag:s28], $0x4000  }
0xd6: {  	s29 =	sadd.s32 $0x1, s29;
	[sflag:s28] =	ssyncset.done $0x0  }
0xd7: {  	p0 =	sne.s32 s29, s14;
	[sflag:s28] =	ssyncadd.s32 $0xFFFFC000  }
.Ltmp4:
0xd8: {  	[bflag:$0x0] =	sbarrier.arrive $0xFFFF;
	(pc) =	sbr.rel @p0 .LBB2_1-.Ltmp4, $4  }
0xd9: {  	[hbm:s13], [sflag:s7] =	dma.local [spmem:s15], $0x2800  }
0xda: {  	_ =	swait.ge [sflag:s16], $0x2800  }
0xdb: {  	[sflag:s16] =	ssyncset.done $0x0  }
0xdc: {  	[sflag:s16] =	ssyncadd.s32 $0xFFFFD800  }
0xdd: {  	_ =	sfence.sel $0x180000  }
0xde: {  	[bflag:$0x0] =	sbarrier.arrive $0xFFFF  }
0xdf: {  	_ =	strace $0x90000047  }
0xe0: {  	[bflag:$0x2] =	sbarrier.arrive $0xFFFF  }
0xe1: {  	p0 =	sne.s32 s4, $0x0;
	s0 =	rddreg [dreg:$0x4]  }
0xe2: {  	s0 =	sadd.s32 @!p0 $0x100000, s0  }
0xe3: {  	[sflag:s0] =	ssyncadd.tile.s32 @!p0 $0x1;
	_ =	shalt  }
.Lfunc_end2:
_tile_overlayer_lowered:
.L_overlay_start_2:
0xe4: {  	(tag) =	ssettag $0x2  }
0xe5: {  	s0 =	rddreg [dreg:$0x0];
	s2 =	stileid.u32  }
0xe6: {  	s1 =	rddreg [dreg:$0x1];
	p0 =	sne.s32 s2, $0x0  }
0xe7: {  	s3 =	rddreg [dreg:$0x2];
	[bflag:$0x3] =	sbarrier.arrive $0xFFFF;
	s2 =	simm.s32 @!p0 $0x1C05  }
0xe8: {  	[timem:s3], [sflag:s2] =	dma.local @!p0 [hbm:s0], s1  }
0xe9: {  	s0 =	simm.s32 @!p0 $0x5  }
0xea: {  	_ =	swait.ge @!p0 [sflag:s0], s1  }
0xeb: {  	s1 =	ssub.s32 @!p0 $0x0, s1;
	[sflag:s0] =	ssyncset.done @!p0 $0x0  }
0xec: {  	[sflag:s0] =	ssyncadd.s32 @!p0 s1  }
0xed: {  	[bflag:$0x3] =	sbarrier.arrive $0xFFFF  }
0xee: {  	_ =	shalt  }

// kernel: kernel.14.cloned.1.call-start
scs
__scs_entry_jumppad:
0x0: {  	(pc) =	sbr.rel $0x88, $3  }
0x1: {  	(tag) =	ssettag $0x0;
	lr =	simm.s32 $0x1  }
0x2: {  	[smem:$0x3F8C] =	sst lr;
	_ =	strace $0xD0000000  }
0x3: {  	_ = 	snop  }
0x4: {  	_ = 	snop  }
0x5: {  	_ = 	snop  }
0x6: {  	_ = 	snop  }
0x7: {  	_ = 	snop  }
__scs_overlays_trampoline_lowered:
0x8: {  	[smem:$0x3F9B] =	sst s0  }
0x9: {  	[smem:$0x3F9C] =	sst s1  }
0xa: {  	[smem:$0x3F9D] =	sst s2  }
0xb: {  	[smem:$0x3F9E] =	sst s3  }
0xc: {  	[smem:$0x3F9F] =	sst s4  }
0xd: {  	[smem:$0x3FA0] =	sst s5  }
0xe: {  	[smem:$0x3FA1] =	sst s6  }
0xf: {  	[smem:$0x3FA2] =	sst s7  }
0x10: {  	[smem:$0x3FA3] =	sst s8  }
0x11: {  	[smem:$0x3FA4] =	sst s9;
	s0 =	simm.s32 @!p0 $0x0  }
0x12: {  	s1 =	sld [smem:$0x3F8A];
	s0 =	simm.s32 @p0 $0x1  }
0x13: {  	[smem:$0x3FA5] =	sst s0;
	s0 =	simm.s32 @!p1 $0x0  }
0x14: {  	s2 =	sld [smem:$0x3F89];
	s0 =	simm.s32 @p1 $0x1  }
0x15: {  	[smem:$0x3FA6] =	sst s0;
	s0 =	simm.s32 @!p2 $0x0  }
0x16: {  	s3 =	sld [smem:$0x3FDB];
	s0 =	simm.s32 @p2 $0x1  }
0x17: {  	s4 =	simm.s32 $0x1BF5;
	[smem:$0x3FA8] =	sst s0  }
0x18: {  	s0 =	sld [smem:$0x3F8B];
	_ =	swait.ge [sflag:s4], $0x0  }
0x19: {  	s7 =	sld [smem:$0x3F8C]  }
0x1a: {  	s8 =	sadd.s32 $0xFFFFE003, lr  }
0x1b: {  	s9 =	sadd.s32 $0xFFFFFEF7, lr;
	s5 =	simm.s32 $0xFFFFFFFF;
	p2 =	slt.u32 s8, $0xFFFFF086  }
0x1c: {  	p1 =	slt.u32 s9, $0xF7A;
	s5 =	simm.s32 @!p2 $0x0  }
0x1d: {  	s5 =	simm.s32 @p1 $0x1;
	p0 =	seq.s32 s7, s2  }
0x1e: {  	s7 =	smul.u32 @!p0 $0xF7A, s2;
	p2 =	seq.s32 @!p0 s5, $0x0  }
0x1f: {  	s9 =	smul.u32 $0xF7A, s1;
	s8 =	simm.s32 @!p0 $0x1BF5;
	p2 =	por !p2, p0  }
0x20: {  	[sflag:s8] =	ssyncset.s32 @!p0 $0xFFFFF086;
	s6 =	sadd.s32 @!p0 s3, s7;
	s7 =	simm.s32 @!p0 $0x108  }
0x21: {  	s3 =	sadd.s32 s3, s9;
	s6 =	sadd.s32 @!p0 $0x88, s6;
	s7 =	simm.s32 @p2 $0x1082  }
0x22: {  	[simem:s7], [sflag:s8] =	dma.local @!p0 [hbm:s6], $0xF7A  }
0x23: {  	s9 =	sor.u32 $0xD0000000, s2;
	s6 =	simm.s32 $0x108;
	_ =	swait.ge @!p0 [sflag:s8], $0x0  }
0x24: {  	s3 =	sadd.s32 $0x88, s3;
	s6 =	simm.s32 @!p1 $0x1082;
	[sflag:s4] =	ssyncset.s32 $0xFFFFF086  }
0x25: {  	[simem:s6], [sflag:s4] =	dma.local [hbm:s3], $0xF7A  }
0x26: {  	[smem:$0x3F8C] =	sst s1;
	(tag) =	ssettag s2;
	_ =	strace s9  }
0x27: {  	s1 =	sld [smem:$0x3F9C]  }
0x28: {  	s2 =	sld [smem:$0x3F9D]  }
0x29: {  	s4 =	sld [smem:$0x3F9F]  }
0x2a: {  	p0 =	seq.s32 s5, $0x0;
	s5 =	sld [smem:$0x3FA0]  }
0x2b: {  	s6 =	sld [smem:$0x3FA1]  }
0x2c: {  	s7 =	sld [smem:$0x3FA2]  }
0x2d: {  	s3 =	simm.s32 $0x108;
	s8 =	sld [smem:$0x3FA3]  }
0x2e: {  	s3 =	simm.s32 @!p0 $0x1082;
	s9 =	sld [smem:$0x3FA4]  }
0x2f: {  	lr =	sadd.s32 s0, s3;
	s0 =	sld [smem:$0x3F9B]  }
0x30: {  	s3 =	sld [smem:$0x3F9E]  }
0x31: {  	[smem:$0x3FA7] =	sst s10  }
0x32: {  	s10 =	sld [smem:$0x3FA5];
	_ =	sdelay $0x3  }
0x33: {  	p0 =	seq.s32 s10, $0x1;
	s10 =	sld [smem:$0x3FA7];
	_ =	sdelay $0x3  }
0x34: {  	[smem:$0x3FA7] =	sst s10  }
0x35: {  	s10 =	sld [smem:$0x3FA6];
	_ =	sdelay $0x3  }
0x36: {  	p1 =	seq.s32 s10, $0x1;
	s10 =	sld [smem:$0x3FA7];
	_ =	sdelay $0x3  }
0x37: {  	[smem:$0x3FA7] =	sst s10  }
0x38: {  	s10 =	sld [smem:$0x3FA8]  }
0x39: {  	_ = 	snop;
	(pc) =	sbr.ind lr, $3  }
0x3a: {  	_ = 	snop  }
0x3b: {  	_ = 	snop  }
0x3c: {  	p2 =	seq.s32 s10, $0x1;
	s10 =	sld [smem:$0x3FA7]  }
0x3d: {  	_ =	shalt  }
0x3e: {  	_ =	shalt  }
0x3f: {  	_ =	shalt  }
0x40: {  	_ =	shalt  }
0x41: {  	_ =	shalt  }
0x42: {  	_ =	shalt  }
0x43: {  	_ =	shalt  }
0x44: {  	_ =	shalt  }
0x45: {  	_ =	shalt  }
0x46: {  	_ =	shalt  }
0x47: {  	_ =	shalt  }
0x48: {  	_ =	shalt  }
0x49: {  	_ =	shalt  }
0x4a: {  	_ =	shalt  }
0x4b: {  	_ =	shalt  }
0x4c: {  	_ =	shalt  }
0x4d: {  	_ =	shalt  }
0x4e: {  	_ =	shalt  }
0x4f: {  	_ =	shalt  }
0x50: {  	_ =	shalt  }
0x51: {  	_ =	shalt  }
0x52: {  	_ =	shalt  }
0x53: {  	_ =	shalt  }
0x54: {  	_ =	shalt  }
0x55: {  	_ =	shalt  }
0x56: {  	_ =	shalt  }
0x57: {  	_ =	shalt  }
0x58: {  	_ =	shalt  }
0x59: {  	_ =	shalt  }
0x5a: {  	_ =	shalt  }
0x5b: {  	_ =	shalt  }
0x5c: {  	_ =	shalt  }
0x5d: {  	_ =	shalt  }
0x5e: {  	_ =	shalt  }
0x5f: {  	_ =	shalt  }
0x60: {  	_ =	shalt  }
0x61: {  	_ =	shalt  }
0x62: {  	_ =	shalt  }
0x63: {  	_ =	shalt  }
0x64: {  	_ =	shalt  }
0x65: {  	_ =	shalt  }
0x66: {  	_ =	shalt  }
0x67: {  	_ =	shalt  }
0x68: {  	_ =	shalt  }
0x69: {  	_ =	shalt  }
0x6a: {  	_ =	shalt  }
0x6b: {  	_ =	shalt  }
0x6c: {  	_ =	shalt  }
0x6d: {  	_ =	shalt  }
0x6e: {  	_ =	shalt  }
0x6f: {  	_ =	shalt  }
0x70: {  	_ =	shalt  }
0x71: {  	_ =	shalt  }
0x72: {  	_ =	shalt  }
0x73: {  	_ =	shalt  }
0x74: {  	_ =	shalt  }
0x75: {  	_ =	shalt  }
0x76: {  	_ =	shalt  }
0x77: {  	_ =	shalt  }
0x78: {  	_ =	shalt  }
0x79: {  	_ =	shalt  }
0x7a: {  	_ =	shalt  }
0x7b: {  	_ =	shalt  }
0x7c: {  	_ =	shalt  }
0x7d: {  	_ =	shalt  }
0x7e: {  	_ =	shalt  }
0x7f: {  	_ =	shalt  }
0x80: {  	_ =	shalt  }
0x81: {  	_ =	shalt  }
0x82: {  	_ =	shalt  }
0x83: {  	_ =	shalt  }
0x84: {  	_ =	shalt  }
0x85: {  	_ =	shalt  }
0x86: {  	_ =	shalt  }
0x87: {  	_ =	shalt  }
.Lfunc_end0:
.L_simem_size_0:
called_computation.1_lowered:
.L_overlay_start_0:
0x88: {  	s2 =	sld [smem:$0x3FD9]  }
0x89: {  	s3 =	sld [smem:$0x3FFE];
	_ =	sdelay $0x1  }
0x8a: {  	s1 =	srdreg.scid  }
0x8b: {  	s0 =	sand.u32 $0x1, s1  }
0x8c: {  	s17 =	sshll.u32 s0, $0xA;
	s2 =	sadd.s32 s3, s2  }
0x8d: {  	s2 =	sadd.s32 s2, s17  }
0x8e: {  	[smem:$0x3FB3] =	sst s2  }
0x8f: {  	_ = 	snop  }
0x90: {  	s2 =	sld [smem:$0x3FD0];
	(tm) =	ssettm $0x1  }
0x91: {  	s18 =	sld [smem:$0x3FFB];
	_ =	sdelay $0x3  }
0x92: {  	_ =	strace s18  }
0x93: {  	s3 =	sld [smem:$0x3FFC];
	_ =	sdelay $0x3  }
0x94: {  	_ =	strace s3  }
0x95: {  	s3 =	sld [smem:$0x3FFD];
	_ =	sdelay $0x3  }
0x96: {  	_ =	strace s3  }
0x97: {  	_ =	strace $0x8FFFFFFF  }
0x98: {  	s19 =	sld [smem:$0x3FDB];
	_ =	sdelay $0x1  }
0x99: {  	s4 =	simm.s32 $_scs_section_size  }
0x9a: {  	s5 =	simm.s32 $_size__tile_overlayer_lowered;
	s6 =	simm.s32 $_tile_overlayer_lowered  }
0x9b: {  	s22 =	simm.s32 $0x1BFF;
	s21 =	sshll.u32 s6, $0x1;
	s3 =	sadd.s32 s4, s19  }
0x9c: {  	s7 =	simm.s32 $0x0;
	s20 =	sshll.u32 s5, $0x1;
	s5 =	sadd.s32 s21, s3  }
0x9d: {  	[timem:s7], [sflag:s22] =	dma.local [hbm:s5], s20  }
0x9e: {  	_ =	swait.ge [sflag:s22], s20  }
0x9f: {  	s4 =	ssub.s32 $0x0, s20;
	[sflag:s22] =	ssyncset.done $0x0  }
0xa0: {  	[sflag:s22] =	ssyncadd.s32 s4;
	_ =	sdelay $0x1  }
0xa1: {  	s23 =	simm.s32 $0x1B8B  }
0xa2: {  	_ =	swait.ge [sflag:s23], $0x1  }
0xa3: {  	[sflag:s23] =	ssyncset.done $0x0  }
0xa4: {  	s25 =	simm.s32 $0x1B8E;
	s24 =	sld [smem:$0x3FFE];
	[sflag:s23] =	ssyncadd.s32 $0xFFFFFFFF  }
0xa5: {  	s26 =	simm.s32 $execute0_lowered;
	[smem:$0x3FD2] =	sst s25  }
0xa6: {  	s5 =	sshll.u32 s26, $0x1;
	_ =	strace $0x80000049;
	[dreg:$0x1] =	wrdreg $0xFFFFFFFF  }
0xa7: {  	s28 =	simm.s32 $_size_execute0_lowered;
	s3 =	sadd.s32 s3, s5;
	[dreg:$0x0] =	wrdreg $0x0  }
0xa8: {  	s5 =	sshll.u32 s28, $0x1;
	[dreg:$0x2] =	wrdreg s3  }
0xa9: {  	[dreg:$0x3] =	wrdreg s5  }
0xaa: {  	[dreg:$0x4] =	wrdreg $0xC0  }
0xab: {  	_ =	task [dreg:s7], $0x5FFFF  }
0xac: {  	[dreg:$0x1] =	wrdreg $0xFFFFFFFF  }
0xad: {  	[dreg:$0x0] =	wrdreg $0x60  }
0xae: {  	[dreg:$0x2] =	wrdreg s2  }
0xaf: {  	[dreg:$0x3] =	wrdreg s24  }
0xb0: {  	[dreg:$0x4] =	wrdreg $0x0  }
0xb1: {  	[dreg:$0x5] =	wrdreg $0x9  }
0xb2: {  	_ =	task.clear_ibuf [dreg:s7], $0x6FFFF;
	_ =	strace $0x90000049  }
0xb3: {  	s29 =	simm.s32 $0x9;
	_ =	strace $0x8000004B  }
0xb4: {  	_ =	swait.ge [sflag:s29], $0x1  }
0xb5: {  	[sflag:s29] =	ssyncadd.s32 $0xFFFFFFFF  }
0xb6: {  	_ =	strace $0x9000004B  }
0xb7: {  	_ =	sfence  }
0xb8: {  	s30 =	sld [smem:$0x0];
	_ =	sdelay $0x2  }
0xb9: {  	s31 =	sshll.u32 s1, $0xD;
	s1 =	sshrl.u32 s1, $0x2  }
0xba: {  	s3 =	sand.u32 $0x4000, s31;
	s1 =	sadd.s32 s1, s30  }
0xbb: {  	s0 =	sor.u32 s3, s0;
	s1 =	sshll.u32 s1, $0x11  }
0xbc: {  	s0 =	sor.u32 s1, s0  }
0xbd: {  	s0 =	sadd.s32 $0x8F2B, s0  }
0xbe: {  	[sflag:s0] =	ssyncadd.remote.s32 $0x1  }
0xbf: {  	_ =	sfence.sel $0xFFFF  }
0xc0: {  	[dreg:$0x0] =	wrdreg $0xFFFFFFFF;
	(pc) =	sbr.abs _section_cstart, $3  }
0xc1: {  	[dreg:$0x1] =	wrdreg $0xFFFFFFFF  }
0xc2: {  	_ =	task.clear_ibuf [dreg:s7], $0x2FFFF;
	_ =	strace $0x9FFFFFFF  }
0xc3: {  	(tm) =	ssettm $0x7FFFFFFF  }
tec
execute0_lowered:
.L_overlay_start_1:
0x0: {  	(tag) =	ssettag $0x1  }
0x1: {  	s1 =	rddreg [dreg:$0x0]  }
0x2: {  	s6 =	rddreg [dreg:$0x1]  }
0x3: {  	s2 =	rddreg [dreg:$0x2];
	s3 =	srdreg.scid  }
0x4: {  	s0 =	rddreg [dreg:$0x3];
	s4 =	simm.s32 $0x0;
	s16 =	simm.s32 $0x15400  }
0x5: {  	s17 =	simm.s32 $0x80;
	s18 =	simm.s32 $0x16800;
	s19 =	simm.s32 $0x14080  }
0x6: {  	s20 =	simm.s32 $0x1A800;
	s21 =	simm.s32 $0x1;
	s22 =	simm.s32 $0x2  }
0x7: {  	s7 =	sand.u32 $0x1, s3;
	s3 =	stileid.u32;
	[smem:$0x7FF] =	sst s4  }
0x8: {  	s10 =	sadd.s32 $0x4400, s6;
	s11 =	sadd.s32 $0xE400, s6;
	s8 =	smul.u32 $0x140000, s7  }
0x9: {  	s5 =	sadd.s32 $0x18400, s6;
	s9 =	smul.u32 $0x14000, s3;
	_ =	strace $0x8000004A  }
0xa: {  	s23 =	ssub.s32 $0x2, s7;
	s12 =	sshll.u32 s3, $0x1;
	s24 =	smul.u32 $0x50000, s3  }
0xb: {  	s28 =	sshll.u32 s3, $0x6;
	s13 =	sshrl.u32 s23, $0x1;
	s7 =	sor.u32 s7, s12  }
0xc: {  	s8 =	sadd.s32 s9, s8;
	s13 =	ssub.s32 s23, s13;
	s25 =	smul.u32 $0x2800, s7  }
0xd: {  	s26 =	sshrl.u32 s24, $0x2;
	s29 =	smul.u32 $0x500, s7;
	s23 =	simm.s32 $0x15480  }
0xe: {  	s24 =	simm.s32 $0x3;
	s8 =	sshrl.u32 s8, $0x3;
	s15 =	sadd.s32 s26, s2  }
0xf: {  	s12 =	smax.u32 s13, $0x1;
	s26 =	simm.s32 $0x0;
	s14 =	sadd.s32 s8, s6  }
0x10: {  	s6 =	sor.u32 $0x1C05, s28;
	s30 =	sshrl.u32 s25, $0x3;
	s7 =	sadd.s32 s10, s29  }
0x11: {  	s8 =	sadd.s32 s11, s29;
	s13 =	sshrl.u32 s15, $0x3;
	s31 =	sadd.s32 $0x280, s30  }
0x12: {  	s15 =	simm.s32 $0x14000;
	s25 =	simm.s32 $0x4;
	s9 =	sadd.s32 s10, s31  }
0x13: {  	s10 =	sadd.s32 s11, s31;
	s11 =	sadd.s32 $0x1AC00, s14;
	s14 =	simm.s32 $0x5  }
.LBB2_1:
0x14: {  	[spmem:s13], [sflag:s6] =	dma.local [hbm:s5], $0x2800  }
0x15: {  	_ =	swait.ge [sflag:s14], $0x2800  }
0x16: {  	[sflag:s14] =	ssyncset.done $0x0  }
0x17: {  	[sflag:s14] =	ssyncadd.s32 $0xFFFFD800  }
0x18: {  	[bflag:$0x0] =	sbarrier.arrive $0xFFFF  }
0x19: {  	[tilespmem:s15], [sflag:$0x5] =	stream.linear.gather [hbm4b:s7+s4], $0x1400, $0x38;
	[tilespmem:$0x1E800] =	vst v63  }
0x1a: {  	_ =	swait.ge [sflag:s14], $0x1400  }
0x1b: {  	[sflag:s14] =	ssyncset.done $0x0  }
0x1c: {  	[sflag:s14] =	ssyncadd.s32 $0xFFFFEC00  }
0x1d: {  	[tilespmem:s16], [sflag:$0x5] =	stream.linear.gather [hbm4b:s8+s4], $0x1400, $0x38;
	[tilespmem:$0x1E800] =	vst v63  }
0x1e: {  	_ =	swait.ge [sflag:s14], $0x1400  }
0x1f: {  	[sflag:s14] =	ssyncset.done $0x0  }
0x20: {  	[sflag:s14] =	ssyncadd.s32 $0xFFFFEC00  }
0x21: {  	[tilespmem:s18], [sflag:$0x1] =	stream.indirect.gather [hbm4b:s1+s17], $0x80, s15, s17, $0xb8;
	[tilespmem:$0x1E800] =	vst v63  }
0x22: {  	_ = 	snop  }
0x23: {  	[tilespmem:s20], [sflag:$0x2] =	stream.indirect.gather [hbm4b:s1+s17], $0x80, s19, s17, $0xb8;
	[tilespmem:$0x1E800] =	vst v63  }
0x24: {  	_ =	swait.ge [sflag:s21], $0x4000  }
0x25: {  	[sflag:s21] =	ssyncset.done $0x0  }
0x26: {  	[sflag:s21] =	ssyncadd.s32 $0xFFFFC000  }
0x27: {  	[spmem:s2] =	stream.indirect.scatter.add.f32 [tilespmem:s18], [sflag:$0x3], $0x80, s16, s17, $0xb8;
	[tilespmem:$0x1E800] =	vst v63  }
0x28: {  	_ =	swait.ge [sflag:s22], $0x4000  }
0x29: {  	[sflag:s22] =	ssyncset.done $0x0  }
0x2a: {  	[sflag:s22] =	ssyncadd.s32 $0xFFFFC000  }
0x2b: {  	[spmem:s2] =	stream.indirect.scatter.add.f32 [tilespmem:s20], [sflag:$0x4], $0x80, s23, s17, $0xb8;
	[tilespmem:$0x1E800] =	vst v63  }
0x2c: {  	_ =	swait.ge [sflag:s24], $0x4000  }
0x2d: {  	[sflag:s24] =	ssyncset.done $0x0  }
0x2e: {  	s28 =	simm.s32 $0x14100;
	[sflag:s24] =	ssyncadd.s32 $0xFFFFC000  }
0x2f: {  	[tilespmem:s18], [sflag:$0x1] =	stream.indirect.gather [hbm4b:s1+s17], $0x80, s28, s17, $0xb8;
	[tilespmem:$0x1E800] =	vst v63  }
0x30: {  	_ =	swait.ge [sflag:s25], $0x4000  }
0x31: {  	[sflag:s25] =	ssyncset.done $0x0  }
0x32: {  	s28 =	simm.s32 $0x14180;
	[sflag:s25] =	ssyncadd.s32 $0xFFFFC000  }
0x33: {  	[tilespmem:s20], [sflag:$0x2] =	stream.indirect.gather [hbm4b:s1+s17], $0x80, s28, s17, $0xb8;
	[tilespmem:$0x1E800] =	vst v63  }
0x34: {  	_ =	swait.ge [sflag:s21], $0x4000  }
0x35: {  	[sflag:s21] =	ssyncset.done $0x0  }
0x36: {  	s28 =	simm.s32 $0x15500;
	[sflag:s21] =	ssyncadd.s32 $0xFFFFC000  }
0x37: {  	[spmem:s2] =	stream.indirect.scatter.add.f32 [tilespmem:s18], [sflag:$0x3], $0x80, s28, s17, $0xb8;
	[tilespmem:$0x1E800] =	vst v63  }
0x38: {  	_ =	swait.ge [sflag:s22], $0x4000  }
0x39: {  	[sflag:s22] =	ssyncset.done $0x0  }
0x3a: {  	s29 =	simm.s32 $0x15580;
	s28 =	simm.s32 $0xFFFFB800;
	[sflag:s22] =	ssyncadd.s32 $0xFFFFC000  }
.LBB2_2:
0x3b: {  	[spmem:s2] =	stream.indirect.scatter.add.f32 [tilespmem:s20], [sflag:$0x4], $0x80, s29, s17, $0xb8;
	[tilespmem:$0x1E800] =	vst v63  }
0x3c: {  	s29 =	smov.u32 s28  }
0x3d: {  	p0 =	sne.s32 s28, $0xFFFFFC00;
	s28 =	sadd.s32 $0x400, s28;
	_ =	swait.ge [sflag:s24], $0x4000  }
0x3e: {  	s29 =	sshra.s32 s29, $0x2;
	[sflag:s24] =	ssyncset.done $0x0  }
0x3f: {  	s30 =	sadd.s32 $0x15400, s29;
	[sflag:s24] =	ssyncadd.s32 $0xFFFFC000  }
0x40: {  	[tilespmem:s18], [sflag:$0x1] =	stream.indirect.gather [hbm4b:s1+s17], $0x80, s30, s17, $0xb8;
	[tilespmem:$0x1E800] =	vst v63  }
0x41: {  	_ =	swait.ge [sflag:s25], $0x4000  }
0x42: {  	[sflag:s25] =	ssyncset.done $0x0  }
0x43: {  	s30 =	sadd.s32 $0x15480, s29;
	[sflag:s25] =	ssyncadd.s32 $0xFFFFC000  }
0x44: {  	[tilespmem:s20], [sflag:$0x2] =	stream.indirect.gather [hbm4b:s1+s17], $0x80, s30, s17, $0xb8;
	[tilespmem:$0x1E800] =	vst v63  }
0x45: {  	_ =	swait.ge [sflag:s21], $0x4000  }
0x46: {  	[sflag:s21] =	ssyncset.done $0x0  }
.Ltmp0:
0x47: {  	s30 =	sadd.s32 $0x16800, s29;
	[sflag:s21] =	ssyncadd.s32 $0xFFFFC000;
	(pc) =	sbr.rel @p0 .LBB2_2-.Ltmp0, $4  }
0x48: {  	[spmem:s2] =	stream.indirect.scatter.add.f32 [tilespmem:s18], [sflag:$0x3], $0x80, s30, s17, $0xb8;
	[tilespmem:$0x1E800] =	vst v63  }
0x49: {  	_ =	swait.ge [sflag:s22], $0x4000  }
0x4a: {  	[sflag:s22] =	ssyncset.done $0x0  }
0x4b: {  	s29 =	sadd.s32 $0x16880, s29;
	[sflag:s22] =	ssyncadd.s32 $0xFFFFC000  }
0x4c: {  	[spmem:s2] =	stream.indirect.scatter.add.f32 [tilespmem:s20], [sflag:$0x4], $0x80, s29, s17, $0xb8;
	[tilespmem:$0x1E800] =	vst v63  }
0x4d: {  	_ =	swait.ge [sflag:s24], $0x4000  }
0x4e: {  	[sflag:s24] =	ssyncset.done $0x0  }
0x4f: {  	[sflag:s24] =	ssyncadd.s32 $0xFFFFC000  }
0x50: {  	_ =	swait.ge [sflag:s25], $0x4000  }
0x51: {  	[sflag:s25] =	ssyncset.done $0x0  }
0x52: {  	[sflag:s25] =	ssyncadd.s32 $0xFFFFC000  }
0x53: {  	[tilespmem:s15], [sflag:$0x5] =	stream.linear.gather [hbm4b:s9+s4], $0x1400, $0x38;
	[tilespmem:$0x1E800] =	vst v63  }
0x54: {  	_ =	swait.ge [sflag:s14], $0x1400  }
0x55: {  	[sflag:s14] =	ssyncset.done $0x0  }
0x56: {  	[sflag:s14] =	ssyncadd.s32 $0xFFFFEC00  }
0x57: {  	[tilespmem:s16], [sflag:$0x5] =	stream.linear.gather [hbm4b:s10+s4], $0x1400, $0x38;
	[tilespmem:$0x1E800] =	vst v63  }
0x58: {  	_ =	swait.ge [sflag:s14], $0x1400  }
0x59: {  	[sflag:s14] =	ssyncset.done $0x0  }
0x5a: {  	[sflag:s14] =	ssyncadd.s32 $0xFFFFEC00  }
0x5b: {  	[tilespmem:s18], [sflag:$0x1] =	stream.indirect.gather [hbm4b:s1+s17], $0x80, s15, s17, $0xb8;
	[tilespmem:$0x1E800] =	vst v63  }
0x5c: {  	_ = 	snop  }
0x5d: {  	[tilespmem:s20], [sflag:$0x2] =	stream.indirect.gather [hbm4b:s1+s17], $0x80, s19, s17, $0xb8;
	[tilespmem:$0x1E800] =	vst v63  }
0x5e: {  	_ =	swait.ge [sflag:s21], $0x4000  }
0x5f: {  	[sflag:s21] =	ssyncset.done $0x0  }
0x60: {  	[sflag:s21] =	ssyncadd.s32 $0xFFFFC000  }
0x61: {  	[spmem:s2] =	stream.indirect.scatter.add.f32 [tilespmem:s18], [sflag:$0x3], $0x80, s16, s17, $0xb8;
	[tilespmem:$0x1E800] =	vst v63  }
0x62: {  	_ =	swait.ge [sflag:s22], $0x4000  }
0x63: {  	[sflag:s22] =	ssyncset.done $0x0  }
0x64: {  	[sflag:s22] =	ssyncadd.s32 $0xFFFFC000  }
0x65: {  	[spmem:s2] =	stream.indirect.scatter.add.f32 [tilespmem:s20], [sflag:$0x4], $0x80, s23, s17, $0xb8;
	[tilespmem:$0x1E800] =	vst v63  }
0x66: {  	_ =	swait.ge [sflag:s24], $0x4000  }
0x67: {  	[sflag:s24] =	ssyncset.done $0x0  }
0x68: {  	s28 =	simm.s32 $0x14100;
	[sflag:s24] =	ssyncadd.s32 $0xFFFFC000  }
0x69: {  	[tilespmem:s18], [sflag:$0x1] =	stream.indirect.gather [hbm4b:s1+s17], $0x80, s28, s17, $0xb8;
	[tilespmem:$0x1E800] =	vst v63  }
0x6a: {  	_ =	swait.ge [sflag:s25], $0x4000  }
0x6b: {  	[sflag:s25] =	ssyncset.done $0x0  }
0x6c: {  	s28 =	simm.s32 $0x14180;
	[sflag:s25] =	ssyncadd.s32 $0xFFFFC000  }
0x6d: {  	[tilespmem:s20], [sflag:$0x2] =	stream.indirect.gather [hbm4b:s1+s17], $0x80, s28, s17, $0xb8;
	[tilespmem:$0x1E800] =	vst v63  }
0x6e: {  	_ =	swait.ge [sflag:s21], $0x4000  }
0x6f: {  	[sflag:s21] =	ssyncset.done $0x0  }
0x70: {  	s28 =	simm.s32 $0x15500;
	[sflag:s21] =	ssyncadd.s32 $0xFFFFC000  }
0x71: {  	[spmem:s2] =	stream.indirect.scatter.add.f32 [tilespmem:s18], [sflag:$0x3], $0x80, s28, s17, $0xb8;
	[tilespmem:$0x1E800] =	vst v63  }
0x72: {  	_ =	swait.ge [sflag:s22], $0x4000  }
0x73: {  	[sflag:s22] =	ssyncset.done $0x0  }
0x74: {  	s29 =	simm.s32 $0x15580;
	s28 =	simm.s32 $0xFFFFB800;
	[sflag:s22] =	ssyncadd.s32 $0xFFFFC000  }
.LBB2_4:
0x75: {  	[spmem:s2] =	stream.indirect.scatter.add.f32 [tilespmem:s20], [sflag:$0x4], $0x80, s29, s17, $0xb8;
	[tilespmem:$0x1E800] =	vst v63  }
0x76: {  	s29 =	smov.u32 s28  }
0x77: {  	p0 =	sne.s32 s28, $0xFFFFFC00;
	s28 =	sadd.s32 $0x400, s28;
	_ =	swait.ge [sflag:s24], $0x4000  }
0x78: {  	s29 =	sshra.s32 s29, $0x2;
	[sflag:s24] =	ssyncset.done $0x0  }
0x79: {  	s30 =	sadd.s32 $0x15400, s29;
	[sflag:s24] =	ssyncadd.s32 $0xFFFFC000  }
0x7a: {  	[tilespmem:s18], [sflag:$0x1] =	stream.indirect.gather [hbm4b:s1+s17], $0x80, s30, s17, $0xb8;
	[tilespmem:$0x1E800] =	vst v63  }
0x7b: {  	_ =	swait.ge [sflag:s25], $0x4000  }
0x7c: {  	[sflag:s25] =	ssyncset.done $0x0  }
0x7d: {  	s30 =	sadd.s32 $0x15480, s29;
	[sflag:s25] =	ssyncadd.s32 $0xFFFFC000  }
0x7e: {  	[tilespmem:s20], [sflag:$0x2] =	stream.indirect.gather [hbm4b:s1+s17], $0x80, s30, s17, $0xb8;
	[tilespmem:$0x1E800] =	vst v63  }
0x7f: {  	_ =	swait.ge [sflag:s21], $0x4000  }
0x80: {  	[sflag:s21] =	ssyncset.done $0x0  }
.Ltmp1:
0x81: {  	s30 =	sadd.s32 $0x16800, s29;
	[sflag:s21] =	ssyncadd.s32 $0xFFFFC000;
	(pc) =	sbr.rel @p0 .LBB2_4-.Ltmp1, $4  }
0x82: {  	[spmem:s2] =	stream.indirect.scatter.add.f32 [tilespmem:s18], [sflag:$0x3], $0x80, s30, s17, $0xb8;
	[tilespmem:$0x1E800] =	vst v63  }
0x83: {  	_ =	swait.ge [sflag:s22], $0x4000  }
0x84: {  	[sflag:s22] =	ssyncset.done $0x0  }
0x85: {  	s29 =	sadd.s32 $0x16880, s29;
	[sflag:s22] =	ssyncadd.s32 $0xFFFFC000  }
0x86: {  	[spmem:s2] =	stream.indirect.scatter.add.f32 [tilespmem:s20], [sflag:$0x4], $0x80, s29, s17, $0xb8;
	[tilespmem:$0x1E800] =	vst v63  }
0x87: {  	_ =	swait.ge [sflag:s24], $0x4000  }
0x88: {  	[sflag:s24] =	ssyncset.done $0x0  }
0x89: {  	[sflag:s24] =	ssyncadd.s32 $0xFFFFC000  }
0x8a: {  	_ =	swait.ge [sflag:s25], $0x4000  }
0x8b: {  	s26 =	sadd.s32 $0x1, s26;
	[sflag:s25] =	ssyncset.done $0x0  }
0x8c: {  	p0 =	sne.s32 s26, s12;
	[sflag:s25] =	ssyncadd.s32 $0xFFFFC000  }
.Ltmp2:
0x8d: {  	[bflag:$0x0] =	sbarrier.arrive $0xFFFF;
	(pc) =	sbr.rel @p0 .LBB2_1-.Ltmp2, $4  }
0x8e: {  	[hbm:s11], [sflag:s6] =	dma.local [spmem:s13], $0x2800  }
0x8f: {  	_ =	swait.ge [sflag:s14], $0x2800  }
0x90: {  	[sflag:s14] =	ssyncset.done $0x0  }
0x91: {  	[sflag:s14] =	ssyncadd.s32 $0xFFFFD800  }
0x92: {  	_ =	sfence.sel $0x180000  }
0x93: {  	[bflag:$0x0] =	sbarrier.arrive $0xFFFF  }
0x94: {  	p0 =	sne.s32 s3, $0x0;
	_ =	strace $0x9000004A  }
0x95: {  	s0 =	sadd.s32 @!p0 $0x100000, s0;
	[bflag:$0x2] =	sbarrier.arrive $0xFFFF  }
0x96: {  	[sflag:s0] =	ssyncadd.tile.s32 @!p0 $0x1;
	_ =	shalt  }
.Lfunc_end2:
_tile_overlayer_lowered:
.L_overlay_start_2:
0x97: {  	(tag) =	ssettag $0x2  }
0x98: {  	s0 =	rddreg [dreg:$0x0];
	s2 =	stileid.u32  }
0x99: {  	s1 =	rddreg [dreg:$0x1];
	p0 =	sne.s32 s2, $0x0  }
0x9a: {  	s3 =	rddreg [dreg:$0x2];
	[bflag:$0x3] =	sbarrier.arrive $0xFFFF;
	s2 =	simm.s32 @!p0 $0x1C05  }
0x9b: {  	[timem:s3], [sflag:s2] =	dma.local @!p0 [hbm:s0], s1  }
0x9c: {  	s0 =	simm.s32 @!p0 $0x5  }
0x9d: {  	_ =	swait.ge @!p0 [sflag:s0], s1  }
0x9e: {  	s1 =	ssub.s32 @!p0 $0x0, s1;
	[sflag:s0] =	ssyncset.done @!p0 $0x0  }
0x9f: {  	[sflag:s0] =	ssyncadd.s32 @!p0 s1  }
0xa0: {  	[bflag:$0x3] =	sbarrier.arrive $0xFFFF  }
0xa1: {  	_ =	shalt  }

// kernel: kernel.17.cloned.1.call-start
scs
__scs_entry_jumppad:
0x0: {  	(pc) =	sbr.rel $0x88, $3  }
0x1: {  	(tag) =	ssettag $0x0;
	lr =	simm.s32 $0x1  }
0x2: {  	[smem:$0x3F8C] =	sst lr;
	_ =	strace $0xD0000000  }
0x3: {  	_ = 	snop  }
0x4: {  	_ = 	snop  }
0x5: {  	_ = 	snop  }
0x6: {  	_ = 	snop  }
0x7: {  	_ = 	snop  }
__scs_overlays_trampoline_lowered:
0x8: {  	[smem:$0x3F9B] =	sst s0  }
0x9: {  	[smem:$0x3F9C] =	sst s1  }
0xa: {  	[smem:$0x3F9D] =	sst s2  }
0xb: {  	[smem:$0x3F9E] =	sst s3  }
0xc: {  	[smem:$0x3F9F] =	sst s4  }
0xd: {  	[smem:$0x3FA0] =	sst s5  }
0xe: {  	[smem:$0x3FA1] =	sst s6  }
0xf: {  	[smem:$0x3FA2] =	sst s7  }
0x10: {  	[smem:$0x3FA3] =	sst s8  }
0x11: {  	[smem:$0x3FA4] =	sst s9;
	s0 =	simm.s32 @!p0 $0x0  }
0x12: {  	s1 =	sld [smem:$0x3F8A];
	s0 =	simm.s32 @p0 $0x1  }
0x13: {  	[smem:$0x3FA5] =	sst s0;
	s0 =	simm.s32 @!p1 $0x0  }
0x14: {  	s2 =	sld [smem:$0x3F89];
	s0 =	simm.s32 @p1 $0x1  }
0x15: {  	[smem:$0x3FA6] =	sst s0;
	s0 =	simm.s32 @!p2 $0x0  }
0x16: {  	s3 =	sld [smem:$0x3FDB];
	s0 =	simm.s32 @p2 $0x1  }
0x17: {  	s4 =	simm.s32 $0x1BF5;
	[smem:$0x3FA8] =	sst s0  }
0x18: {  	s0 =	sld [smem:$0x3F8B];
	_ =	swait.ge [sflag:s4], $0x0  }
0x19: {  	s7 =	sld [smem:$0x3F8C]  }
0x1a: {  	s8 =	sadd.s32 $0xFFFFE003, lr  }
0x1b: {  	s9 =	sadd.s32 $0xFFFFFEF7, lr;
	s5 =	simm.s32 $0xFFFFFFFF;
	p2 =	slt.u32 s8, $0xFFFFF086  }
0x1c: {  	p1 =	slt.u32 s9, $0xF7A;
	s5 =	simm.s32 @!p2 $0x0  }
0x1d: {  	s5 =	simm.s32 @p1 $0x1;
	p0 =	seq.s32 s7, s2  }
0x1e: {  	s7 =	smul.u32 @!p0 $0xF7A, s2;
	p2 =	seq.s32 @!p0 s5, $0x0  }
0x1f: {  	s9 =	smul.u32 $0xF7A, s1;
	s8 =	simm.s32 @!p0 $0x1BF5;
	p2 =	por !p2, p0  }
0x20: {  	[sflag:s8] =	ssyncset.s32 @!p0 $0xFFFFF086;
	s6 =	sadd.s32 @!p0 s3, s7;
	s7 =	simm.s32 @!p0 $0x108  }
0x21: {  	s3 =	sadd.s32 s3, s9;
	s6 =	sadd.s32 @!p0 $0x88, s6;
	s7 =	simm.s32 @p2 $0x1082  }
0x22: {  	[simem:s7], [sflag:s8] =	dma.local @!p0 [hbm:s6], $0xF7A  }
0x23: {  	s9 =	sor.u32 $0xD0000000, s2;
	s6 =	simm.s32 $0x108;
	_ =	swait.ge @!p0 [sflag:s8], $0x0  }
0x24: {  	s3 =	sadd.s32 $0x88, s3;
	s6 =	simm.s32 @!p1 $0x1082;
	[sflag:s4] =	ssyncset.s32 $0xFFFFF086  }
0x25: {  	[simem:s6], [sflag:s4] =	dma.local [hbm:s3], $0xF7A  }
0x26: {  	[smem:$0x3F8C] =	sst s1;
	(tag) =	ssettag s2;
	_ =	strace s9  }
0x27: {  	s1 =	sld [smem:$0x3F9C]  }
0x28: {  	s2 =	sld [smem:$0x3F9D]  }
0x29: {  	s4 =	sld [smem:$0x3F9F]  }
0x2a: {  	p0 =	seq.s32 s5, $0x0;
	s5 =	sld [smem:$0x3FA0]  }
0x2b: {  	s6 =	sld [smem:$0x3FA1]  }
0x2c: {  	s7 =	sld [smem:$0x3FA2]  }
0x2d: {  	s3 =	simm.s32 $0x108;
	s8 =	sld [smem:$0x3FA3]  }
0x2e: {  	s3 =	simm.s32 @!p0 $0x1082;
	s9 =	sld [smem:$0x3FA4]  }
0x2f: {  	lr =	sadd.s32 s0, s3;
	s0 =	sld [smem:$0x3F9B]  }
0x30: {  	s3 =	sld [smem:$0x3F9E]  }
0x31: {  	[smem:$0x3FA7] =	sst s10  }
0x32: {  	s10 =	sld [smem:$0x3FA5];
	_ =	sdelay $0x3  }
0x33: {  	p0 =	seq.s32 s10, $0x1;
	s10 =	sld [smem:$0x3FA7];
	_ =	sdelay $0x3  }
0x34: {  	[smem:$0x3FA7] =	sst s10  }
0x35: {  	s10 =	sld [smem:$0x3FA6];
	_ =	sdelay $0x3  }
0x36: {  	p1 =	seq.s32 s10, $0x1;
	s10 =	sld [smem:$0x3FA7];
	_ =	sdelay $0x3  }
0x37: {  	[smem:$0x3FA7] =	sst s10  }
0x38: {  	s10 =	sld [smem:$0x3FA8]  }
0x39: {  	_ = 	snop;
	(pc) =	sbr.ind lr, $3  }
0x3a: {  	_ = 	snop  }
0x3b: {  	_ = 	snop  }
0x3c: {  	p2 =	seq.s32 s10, $0x1;
	s10 =	sld [smem:$0x3FA7]  }
0x3d: {  	_ =	shalt  }
0x3e: {  	_ =	shalt  }
0x3f: {  	_ =	shalt  }
0x40: {  	_ =	shalt  }
0x41: {  	_ =	shalt  }
0x42: {  	_ =	shalt  }
0x43: {  	_ =	shalt  }
0x44: {  	_ =	shalt  }
0x45: {  	_ =	shalt  }
0x46: {  	_ =	shalt  }
0x47: {  	_ =	shalt  }
0x48: {  	_ =	shalt  }
0x49: {  	_ =	shalt  }
0x4a: {  	_ =	shalt  }
0x4b: {  	_ =	shalt  }
0x4c: {  	_ =	shalt  }
0x4d: {  	_ =	shalt  }
0x4e: {  	_ =	shalt  }
0x4f: {  	_ =	shalt  }
0x50: {  	_ =	shalt  }
0x51: {  	_ =	shalt  }
0x52: {  	_ =	shalt  }
0x53: {  	_ =	shalt  }
0x54: {  	_ =	shalt  }
0x55: {  	_ =	shalt  }
0x56: {  	_ =	shalt  }
0x57: {  	_ =	shalt  }
0x58: {  	_ =	shalt  }
0x59: {  	_ =	shalt  }
0x5a: {  	_ =	shalt  }
0x5b: {  	_ =	shalt  }
0x5c: {  	_ =	shalt  }
0x5d: {  	_ =	shalt  }
0x5e: {  	_ =	shalt  }
0x5f: {  	_ =	shalt  }
0x60: {  	_ =	shalt  }
0x61: {  	_ =	shalt  }
0x62: {  	_ =	shalt  }
0x63: {  	_ =	shalt  }
0x64: {  	_ =	shalt  }
0x65: {  	_ =	shalt  }
0x66: {  	_ =	shalt  }
0x67: {  	_ =	shalt  }
0x68: {  	_ =	shalt  }
0x69: {  	_ =	shalt  }
0x6a: {  	_ =	shalt  }
0x6b: {  	_ =	shalt  }
0x6c: {  	_ =	shalt  }
0x6d: {  	_ =	shalt  }
0x6e: {  	_ =	shalt  }
0x6f: {  	_ =	shalt  }
0x70: {  	_ =	shalt  }
0x71: {  	_ =	shalt  }
0x72: {  	_ =	shalt  }
0x73: {  	_ =	shalt  }
0x74: {  	_ =	shalt  }
0x75: {  	_ =	shalt  }
0x76: {  	_ =	shalt  }
0x77: {  	_ =	shalt  }
0x78: {  	_ =	shalt  }
0x79: {  	_ =	shalt  }
0x7a: {  	_ =	shalt  }
0x7b: {  	_ =	shalt  }
0x7c: {  	_ =	shalt  }
0x7d: {  	_ =	shalt  }
0x7e: {  	_ =	shalt  }
0x7f: {  	_ =	shalt  }
0x80: {  	_ =	shalt  }
0x81: {  	_ =	shalt  }
0x82: {  	_ =	shalt  }
0x83: {  	_ =	shalt  }
0x84: {  	_ =	shalt  }
0x85: {  	_ =	shalt  }
0x86: {  	_ =	shalt  }
0x87: {  	_ =	shalt  }
.Lfunc_end0:
.L_simem_size_0:
called_computation.2_lowered:
.L_overlay_start_0:
0x88: {  	s2 =	sld [smem:$0x3FD9]  }
0x89: {  	s3 =	sld [smem:$0x3FFE];
	_ =	sdelay $0x1  }
0x8a: {  	s1 =	srdreg.scid  }
0x8b: {  	s0 =	sand.u32 $0x1, s1  }
0x8c: {  	s17 =	sshll.u32 s0, $0xA;
	s2 =	sadd.s32 s3, s2  }
0x8d: {  	s2 =	sadd.s32 s2, s17  }
0x8e: {  	[smem:$0x3FB3] =	sst s2  }
0x8f: {  	_ = 	snop  }
0x90: {  	s2 =	sld [smem:$0x3FD0];
	(tm) =	ssettm $0x1  }
0x91: {  	s18 =	sld [smem:$0x3FFB];
	_ =	sdelay $0x3  }
0x92: {  	_ =	strace s18  }
0x93: {  	s3 =	sld [smem:$0x3FFC];
	_ =	sdelay $0x3  }
0x94: {  	_ =	strace s3  }
0x95: {  	s3 =	sld [smem:$0x3FFD];
	_ =	sdelay $0x3  }
0x96: {  	_ =	strace s3  }
0x97: {  	_ =	strace $0x8FFFFFFF  }
0x98: {  	s19 =	sld [smem:$0x3FDB];
	_ =	sdelay $0x1  }
0x99: {  	s4 =	simm.s32 $_scs_section_size  }
0x9a: {  	s5 =	simm.s32 $_size__tile_overlayer_lowered;
	s6 =	simm.s32 $_tile_overlayer_lowered  }
0x9b: {  	s22 =	simm.s32 $0x1BFF;
	s21 =	sshll.u32 s6, $0x1;
	s3 =	sadd.s32 s4, s19  }
0x9c: {  	s7 =	simm.s32 $0x0;
	s20 =	sshll.u32 s5, $0x1;
	s5 =	sadd.s32 s21, s3  }
0x9d: {  	[timem:s7], [sflag:s22] =	dma.local [hbm:s5], s20  }
0x9e: {  	_ =	swait.ge [sflag:s22], s20  }
0x9f: {  	s4 =	ssub.s32 $0x0, s20;
	[sflag:s22] =	ssyncset.done $0x0  }
0xa0: {  	[sflag:s22] =	ssyncadd.s32 s4;
	_ =	sdelay $0x1  }
0xa1: {  	s23 =	simm.s32 $0x1B8B  }
0xa2: {  	_ =	swait.ge [sflag:s23], $0x1  }
0xa3: {  	[sflag:s23] =	ssyncset.done $0x0  }
0xa4: {  	s25 =	simm.s32 $0x1B8E;
	s24 =	sld [smem:$0x3FFE];
	[sflag:s23] =	ssyncadd.s32 $0xFFFFFFFF  }
0xa5: {  	s26 =	simm.s32 $execute0_lowered;
	[smem:$0x3FD2] =	sst s25  }
0xa6: {  	s5 =	sshll.u32 s26, $0x1;
	_ =	strace $0x8000004C;
	[dreg:$0x1] =	wrdreg $0xFFFFFFFF  }
0xa7: {  	s28 =	simm.s32 $_size_execute0_lowered;
	s3 =	sadd.s32 s3, s5;
	[dreg:$0x0] =	wrdreg $0x0  }
0xa8: {  	s5 =	sshll.u32 s28, $0x1;
	[dreg:$0x2] =	wrdreg s3  }
0xa9: {  	[dreg:$0x3] =	wrdreg s5  }
0xaa: {  	[dreg:$0x4] =	wrdreg $0xC0  }
0xab: {  	_ =	task [dreg:s7], $0x5FFFF  }
0xac: {  	[dreg:$0x1] =	wrdreg $0xFFFFFFFF  }
0xad: {  	[dreg:$0x0] =	wrdreg $0x60  }
0xae: {  	[dreg:$0x2] =	wrdreg s2  }
0xaf: {  	[dreg:$0x3] =	wrdreg s24  }
0xb0: {  	[dreg:$0x4] =	wrdreg $0x0  }
0xb1: {  	[dreg:$0x5] =	wrdreg $0x9  }
0xb2: {  	_ =	task.clear_ibuf [dreg:s7], $0x6FFFF;
	_ =	strace $0x9000004C  }
0xb3: {  	s29 =	simm.s32 $0x9;
	_ =	strace $0x8000004E  }
0xb4: {  	_ =	swait.ge [sflag:s29], $0x1  }
0xb5: {  	[sflag:s29] =	ssyncadd.s32 $0xFFFFFFFF  }
0xb6: {  	_ =	strace $0x9000004E  }
0xb7: {  	_ =	sfence  }
0xb8: {  	s30 =	sld [smem:$0x0];
	_ =	sdelay $0x2  }
0xb9: {  	s31 =	sshll.u32 s1, $0xD;
	s1 =	sshrl.u32 s1, $0x2  }
0xba: {  	s3 =	sand.u32 $0x4000, s31;
	s1 =	sadd.s32 s1, s30  }
0xbb: {  	s0 =	sor.u32 s3, s0;
	s1 =	sshll.u32 s1, $0x11  }
0xbc: {  	s0 =	sor.u32 s1, s0  }
0xbd: {  	s0 =	sadd.s32 $0x8F2B, s0  }
0xbe: {  	[sflag:s0] =	ssyncadd.remote.s32 $0x1  }
0xbf: {  	_ =	sfence.sel $0xFFFF  }
0xc0: {  	[dreg:$0x0] =	wrdreg $0xFFFFFFFF;
	(pc) =	sbr.abs _section_cstart, $3  }
0xc1: {  	[dreg:$0x1] =	wrdreg $0xFFFFFFFF  }
0xc2: {  	_ =	task.clear_ibuf [dreg:s7], $0x2FFFF;
	_ =	strace $0x9FFFFFFF  }
0xc3: {  	(tm) =	ssettm $0x7FFFFFFF  }
tec
execute0_lowered:
.L_overlay_start_1:
0x0: {  	(tag) =	ssettag $0x1  }
0x1: {  	s1 =	rddreg [dreg:$0x0]  }
0x2: {  	s6 =	rddreg [dreg:$0x1]  }
0x3: {  	s2 =	rddreg [dreg:$0x2];
	s3 =	srdreg.scid  }
0x4: {  	s0 =	rddreg [dreg:$0x3];
	s4 =	simm.s32 $0x0;
	s16 =	simm.s32 $0x15400  }
0x5: {  	s17 =	simm.s32 $0x80;
	s18 =	simm.s32 $0x16800;
	s19 =	simm.s32 $0x14080  }
0x6: {  	s20 =	simm.s32 $0x1A800;
	s21 =	simm.s32 $0x1;
	s22 =	simm.s32 $0x2  }
0x7: {  	s7 =	sand.u32 $0x1, s3;
	s3 =	stileid.u32;
	[smem:$0x7FF] =	sst s4  }
0x8: {  	s10 =	sadd.s32 $0x4400, s6;
	s11 =	sadd.s32 $0xE400, s6;
	s8 =	smul.u32 $0x140000, s7  }
0x9: {  	s5 =	sadd.s32 $0x18400, s6;
	s9 =	smul.u32 $0x14000, s3;
	_ =	strace $0x8000004D  }
0xa: {  	s23 =	ssub.s32 $0x2, s7;
	s12 =	sshll.u32 s3, $0x1;
	s24 =	smul.u32 $0x50000, s3  }
0xb: {  	s28 =	sshll.u32 s3, $0x6;
	s13 =	sshrl.u32 s23, $0x1;
	s7 =	sor.u32 s7, s12  }
0xc: {  	s8 =	sadd.s32 s9, s8;
	s13 =	ssub.s32 s23, s13;
	s25 =	smul.u32 $0x2800, s7  }
0xd: {  	s26 =	sshrl.u32 s24, $0x2;
	s29 =	smul.u32 $0x500, s7;
	s23 =	simm.s32 $0x15480  }
0xe: {  	s24 =	simm.s32 $0x3;
	s8 =	sshrl.u32 s8, $0x3;
	s15 =	sadd.s32 s26, s2  }
0xf: {  	s12 =	smax.u32 s13, $0x1;
	s26 =	simm.s32 $0x0;
	s14 =	sadd.s32 s8, s6  }
0x10: {  	s6 =	sor.u32 $0x1C05, s28;
	s30 =	sshrl.u32 s25, $0x3;
	s7 =	sadd.s32 s10, s29  }
0x11: {  	s8 =	sadd.s32 s11, s29;
	s13 =	sshrl.u32 s15, $0x3;
	s31 =	sadd.s32 $0x280, s30  }
0x12: {  	s15 =	simm.s32 $0x14000;
	s25 =	simm.s32 $0x4;
	s9 =	sadd.s32 s10, s31  }
0x13: {  	s10 =	sadd.s32 s11, s31;
	s11 =	sadd.s32 $0x1AC00, s14;
	s14 =	simm.s32 $0x5  }
.LBB2_1:
0x14: {  	[spmem:s13], [sflag:s6] =	dma.local [hbm:s5], $0x2800  }
0x15: {  	_ =	swait.ge [sflag:s14], $0x2800  }
0x16: {  	[sflag:s14] =	ssyncset.done $0x0  }
0x17: {  	[sflag:s14] =	ssyncadd.s32 $0xFFFFD800  }
0x18: {  	[bflag:$0x0] =	sbarrier.arrive $0xFFFF  }
0x19: {  	[tilespmem:s15], [sflag:$0x5] =	stream.linear.gather [hbm4b:s7+s4], $0x1400, $0x38;
	[tilespmem:$0x1E800] =	vst v63  }
0x1a: {  	_ =	swait.ge [sflag:s14], $0x1400  }
0x1b: {  	[sflag:s14] =	ssyncset.done $0x0  }
0x1c: {  	[sflag:s14] =	ssyncadd.s32 $0xFFFFEC00  }
0x1d: {  	[tilespmem:s16], [sflag:$0x5] =	stream.linear.gather [hbm4b:s8+s4], $0x1400, $0x38;
	[tilespmem:$0x1E800] =	vst v63  }
0x1e: {  	_ =	swait.ge [sflag:s14], $0x1400  }
0x1f: {  	[sflag:s14] =	ssyncset.done $0x0  }
0x20: {  	[sflag:s14] =	ssyncadd.s32 $0xFFFFEC00  }
0x21: {  	[tilespmem:s18], [sflag:$0x1] =	stream.indirect.gather [hbm4b:s1+s17], $0x80, s15, s17, $0xb8;
	[tilespmem:$0x1E800] =	vst v63  }
0x22: {  	_ = 	snop  }
0x23: {  	[tilespmem:s20], [sflag:$0x2] =	stream.indirect.gather [hbm4b:s1+s17], $0x80, s19, s17, $0xb8;
	[tilespmem:$0x1E800] =	vst v63  }
0x24: {  	_ =	swait.ge [sflag:s21], $0x4000  }
0x25: {  	[sflag:s21] =	ssyncset.done $0x0  }
0x26: {  	[sflag:s21] =	ssyncadd.s32 $0xFFFFC000  }
0x27: {  	[spmem:s2] =	stream.indirect.scatter.add.f32 [tilespmem:s18], [sflag:$0x3], $0x80, s16, s17, $0xb8;
	[tilespmem:$0x1E800] =	vst v63  }
0x28: {  	_ =	swait.ge [sflag:s22], $0x4000  }
0x29: {  	[sflag:s22] =	ssyncset.done $0x0  }
0x2a: {  	[sflag:s22] =	ssyncadd.s32 $0xFFFFC000  }
0x2b: {  	[spmem:s2] =	stream.indirect.scatter.add.f32 [tilespmem:s20], [sflag:$0x4], $0x80, s23, s17, $0xb8;
	[tilespmem:$0x1E800] =	vst v63  }
0x2c: {  	_ =	swait.ge [sflag:s24], $0x4000  }
0x2d: {  	[sflag:s24] =	ssyncset.done $0x0  }
0x2e: {  	s28 =	simm.s32 $0x14100;
	[sflag:s24] =	ssyncadd.s32 $0xFFFFC000  }
0x2f: {  	[tilespmem:s18], [sflag:$0x1] =	stream.indirect.gather [hbm4b:s1+s17], $0x80, s28, s17, $0xb8;
	[tilespmem:$0x1E800] =	vst v63  }
0x30: {  	_ =	swait.ge [sflag:s25], $0x4000  }
0x31: {  	[sflag:s25] =	ssyncset.done $0x0  }
0x32: {  	s28 =	simm.s32 $0x14180;
	[sflag:s25] =	ssyncadd.s32 $0xFFFFC000  }
0x33: {  	[tilespmem:s20], [sflag:$0x2] =	stream.indirect.gather [hbm4b:s1+s17], $0x80, s28, s17, $0xb8;
	[tilespmem:$0x1E800] =	vst v63  }
0x34: {  	_ =	swait.ge [sflag:s21], $0x4000  }
0x35: {  	[sflag:s21] =	ssyncset.done $0x0  }
0x36: {  	s28 =	simm.s32 $0x15500;
	[sflag:s21] =	ssyncadd.s32 $0xFFFFC000  }
0x37: {  	[spmem:s2] =	stream.indirect.scatter.add.f32 [tilespmem:s18], [sflag:$0x3], $0x80, s28, s17, $0xb8;
	[tilespmem:$0x1E800] =	vst v63  }
0x38: {  	_ =	swait.ge [sflag:s22], $0x4000  }
0x39: {  	[sflag:s22] =	ssyncset.done $0x0  }
0x3a: {  	s29 =	simm.s32 $0x15580;
	s28 =	simm.s32 $0xFFFFB800;
	[sflag:s22] =	ssyncadd.s32 $0xFFFFC000  }
.LBB2_2:
0x3b: {  	[spmem:s2] =	stream.indirect.scatter.add.f32 [tilespmem:s20], [sflag:$0x4], $0x80, s29, s17, $0xb8;
	[tilespmem:$0x1E800] =	vst v63  }
0x3c: {  	s29 =	smov.u32 s28  }
0x3d: {  	p0 =	sne.s32 s28, $0xFFFFFC00;
	s28 =	sadd.s32 $0x400, s28;
	_ =	swait.ge [sflag:s24], $0x4000  }
0x3e: {  	s29 =	sshra.s32 s29, $0x2;
	[sflag:s24] =	ssyncset.done $0x0  }
0x3f: {  	s30 =	sadd.s32 $0x15400, s29;
	[sflag:s24] =	ssyncadd.s32 $0xFFFFC000  }
0x40: {  	[tilespmem:s18], [sflag:$0x1] =	stream.indirect.gather [hbm4b:s1+s17], $0x80, s30, s17, $0xb8;
	[tilespmem:$0x1E800] =	vst v63  }
0x41: {  	_ =	swait.ge [sflag:s25], $0x4000  }
0x42: {  	[sflag:s25] =	ssyncset.done $0x0  }
0x43: {  	s30 =	sadd.s32 $0x15480, s29;
	[sflag:s25] =	ssyncadd.s32 $0xFFFFC000  }
0x44: {  	[tilespmem:s20], [sflag:$0x2] =	stream.indirect.gather [hbm4b:s1+s17], $0x80, s30, s17, $0xb8;
	[tilespmem:$0x1E800] =	vst v63  }
0x45: {  	_ =	swait.ge [sflag:s21], $0x4000  }
0x46: {  	[sflag:s21] =	ssyncset.done $0x0  }
.Ltmp0:
0x47: {  	s30 =	sadd.s32 $0x16800, s29;
	[sflag:s21] =	ssyncadd.s32 $0xFFFFC000;
	(pc) =	sbr.rel @p0 .LBB2_2-.Ltmp0, $4  }
0x48: {  	[spmem:s2] =	stream.indirect.scatter.add.f32 [tilespmem:s18], [sflag:$0x3], $0x80, s30, s17, $0xb8;
	[tilespmem:$0x1E800] =	vst v63  }
0x49: {  	_ =	swait.ge [sflag:s22], $0x4000  }
0x4a: {  	[sflag:s22] =	ssyncset.done $0x0  }
0x4b: {  	s29 =	sadd.s32 $0x16880, s29;
	[sflag:s22] =	ssyncadd.s32 $0xFFFFC000  }
0x4c: {  	[spmem:s2] =	stream.indirect.scatter.add.f32 [tilespmem:s20], [sflag:$0x4], $0x80, s29, s17, $0xb8;
	[tilespmem:$0x1E800] =	vst v63  }
0x4d: {  	_ =	swait.ge [sflag:s24], $0x4000  }
0x4e: {  	[sflag:s24] =	ssyncset.done $0x0  }
0x4f: {  	[sflag:s24] =	ssyncadd.s32 $0xFFFFC000  }
0x50: {  	_ =	swait.ge [sflag:s25], $0x4000  }
0x51: {  	[sflag:s25] =	ssyncset.done $0x0  }
0x52: {  	[sflag:s25] =	ssyncadd.s32 $0xFFFFC000  }
0x53: {  	[tilespmem:s15], [sflag:$0x5] =	stream.linear.gather [hbm4b:s9+s4], $0x1400, $0x38;
	[tilespmem:$0x1E800] =	vst v63  }
0x54: {  	_ =	swait.ge [sflag:s14], $0x1400  }
0x55: {  	[sflag:s14] =	ssyncset.done $0x0  }
0x56: {  	[sflag:s14] =	ssyncadd.s32 $0xFFFFEC00  }
0x57: {  	[tilespmem:s16], [sflag:$0x5] =	stream.linear.gather [hbm4b:s10+s4], $0x1400, $0x38;
	[tilespmem:$0x1E800] =	vst v63  }
0x58: {  	_ =	swait.ge [sflag:s14], $0x1400  }
0x59: {  	[sflag:s14] =	ssyncset.done $0x0  }
0x5a: {  	[sflag:s14] =	ssyncadd.s32 $0xFFFFEC00  }
0x5b: {  	[tilespmem:s18], [sflag:$0x1] =	stream.indirect.gather [hbm4b:s1+s17], $0x80, s15, s17, $0xb8;
	[tilespmem:$0x1E800] =	vst v63  }
0x5c: {  	_ = 	snop  }
0x5d: {  	[tilespmem:s20], [sflag:$0x2] =	stream.indirect.gather [hbm4b:s1+s17], $0x80, s19, s17, $0xb8;
	[tilespmem:$0x1E800] =	vst v63  }
0x5e: {  	_ =	swait.ge [sflag:s21], $0x4000  }
0x5f: {  	[sflag:s21] =	ssyncset.done $0x0  }
0x60: {  	[sflag:s21] =	ssyncadd.s32 $0xFFFFC000  }
0x61: {  	[spmem:s2] =	stream.indirect.scatter.add.f32 [tilespmem:s18], [sflag:$0x3], $0x80, s16, s17, $0xb8;
	[tilespmem:$0x1E800] =	vst v63  }
0x62: {  	_ =	swait.ge [sflag:s22], $0x4000  }
0x63: {  	[sflag:s22] =	ssyncset.done $0x0  }
0x64: {  	[sflag:s22] =	ssyncadd.s32 $0xFFFFC000  }
0x65: {  	[spmem:s2] =	stream.indirect.scatter.add.f32 [tilespmem:s20], [sflag:$0x4], $0x80, s23, s17, $0xb8;
	[tilespmem:$0x1E800] =	vst v63  }
0x66: {  	_ =	swait.ge [sflag:s24], $0x4000  }
0x67: {  	[sflag:s24] =	ssyncset.done $0x0  }
0x68: {  	s28 =	simm.s32 $0x14100;
	[sflag:s24] =	ssyncadd.s32 $0xFFFFC000  }
0x69: {  	[tilespmem:s18], [sflag:$0x1] =	stream.indirect.gather [hbm4b:s1+s17], $0x80, s28, s17, $0xb8;
	[tilespmem:$0x1E800] =	vst v63  }
0x6a: {  	_ =	swait.ge [sflag:s25], $0x4000  }
0x6b: {  	[sflag:s25] =	ssyncset.done $0x0  }
0x6c: {  	s28 =	simm.s32 $0x14180;
	[sflag:s25] =	ssyncadd.s32 $0xFFFFC000  }
0x6d: {  	[tilespmem:s20], [sflag:$0x2] =	stream.indirect.gather [hbm4b:s1+s17], $0x80, s28, s17, $0xb8;
	[tilespmem:$0x1E800] =	vst v63  }
0x6e: {  	_ =	swait.ge [sflag:s21], $0x4000  }
0x6f: {  	[sflag:s21] =	ssyncset.done $0x0  }
0x70: {  	s28 =	simm.s32 $0x15500;
	[sflag:s21] =	ssyncadd.s32 $0xFFFFC000  }
0x71: {  	[spmem:s2] =	stream.indirect.scatter.add.f32 [tilespmem:s18], [sflag:$0x3], $0x80, s28, s17, $0xb8;
	[tilespmem:$0x1E800] =	vst v63  }
0x72: {  	_ =	swait.ge [sflag:s22], $0x4000  }
0x73: {  	[sflag:s22] =	ssyncset.done $0x0  }
0x74: {  	s29 =	simm.s32 $0x15580;
	s28 =	simm.s32 $0xFFFFB800;
	[sflag:s22] =	ssyncadd.s32 $0xFFFFC000  }
.LBB2_4:
0x75: {  	[spmem:s2] =	stream.indirect.scatter.add.f32 [tilespmem:s20], [sflag:$0x4], $0x80, s29, s17, $0xb8;
	[tilespmem:$0x1E800] =	vst v63  }
0x76: {  	s29 =	smov.u32 s28  }
0x77: {  	p0 =	sne.s32 s28, $0xFFFFFC00;
	s28 =	sadd.s32 $0x400, s28;
	_ =	swait.ge [sflag:s24], $0x4000  }
0x78: {  	s29 =	sshra.s32 s29, $0x2;
	[sflag:s24] =	ssyncset.done $0x0  }
0x79: {  	s30 =	sadd.s32 $0x15400, s29;
	[sflag:s24] =	ssyncadd.s32 $0xFFFFC000  }
0x7a: {  	[tilespmem:s18], [sflag:$0x1] =	stream.indirect.gather [hbm4b:s1+s17], $0x80, s30, s17, $0xb8;
	[tilespmem:$0x1E800] =	vst v63  }
0x7b: {  	_ =	swait.ge [sflag:s25], $0x4000  }
0x7c: {  	[sflag:s25] =	ssyncset.done $0x0  }
0x7d: {  	s30 =	sadd.s32 $0x15480, s29;
	[sflag:s25] =	ssyncadd.s32 $0xFFFFC000  }
0x7e: {  	[tilespmem:s20], [sflag:$0x2] =	stream.indirect.gather [hbm4b:s1+s17], $0x80, s30, s17, $0xb8;
	[tilespmem:$0x1E800] =	vst v63  }
0x7f: {  	_ =	swait.ge [sflag:s21], $0x4000  }
0x80: {  	[sflag:s21] =	ssyncset.done $0x0  }
.Ltmp1:
0x81: {  	s30 =	sadd.s32 $0x16800, s29;
	[sflag:s21] =	ssyncadd.s32 $0xFFFFC000;
	(pc) =	sbr.rel @p0 .LBB2_4-.Ltmp1, $4  }
0x82: {  	[spmem:s2] =	stream.indirect.scatter.add.f32 [tilespmem:s18], [sflag:$0x3], $0x80, s30, s17, $0xb8;
	[tilespmem:$0x1E800] =	vst v63  }
0x83: {  	_ =	swait.ge [sflag:s22], $0x4000  }
0x84: {  	[sflag:s22] =	ssyncset.done $0x0  }
0x85: {  	s29 =	sadd.s32 $0x16880, s29;
	[sflag:s22] =	ssyncadd.s32 $0xFFFFC000  }
0x86: {  	[spmem:s2] =	stream.indirect.scatter.add.f32 [tilespmem:s20], [sflag:$0x4], $0x80, s29, s17, $0xb8;
	[tilespmem:$0x1E800] =	vst v63  }
0x87: {  	_ =	swait.ge [sflag:s24], $0x4000  }
0x88: {  	[sflag:s24] =	ssyncset.done $0x0  }
0x89: {  	[sflag:s24] =	ssyncadd.s32 $0xFFFFC000  }
0x8a: {  	_ =	swait.ge [sflag:s25], $0x4000  }
0x8b: {  	s26 =	sadd.s32 $0x1, s26;
	[sflag:s25] =	ssyncset.done $0x0  }
0x8c: {  	p0 =	sne.s32 s26, s12;
	[sflag:s25] =	ssyncadd.s32 $0xFFFFC000  }
.Ltmp2:
0x8d: {  	[bflag:$0x0] =	sbarrier.arrive $0xFFFF;
	(pc) =	sbr.rel @p0 .LBB2_1-.Ltmp2, $4  }
0x8e: {  	[hbm:s11], [sflag:s6] =	dma.local [spmem:s13], $0x2800  }
0x8f: {  	_ =	swait.ge [sflag:s14], $0x2800  }
0x90: {  	[sflag:s14] =	ssyncset.done $0x0  }
0x91: {  	[sflag:s14] =	ssyncadd.s32 $0xFFFFD800  }
0x92: {  	_ =	sfence.sel $0x180000  }
0x93: {  	[bflag:$0x0] =	sbarrier.arrive $0xFFFF  }
0x94: {  	p0 =	sne.s32 s3, $0x0;
	_ =	strace $0x9000004D  }
0x95: {  	s0 =	sadd.s32 @!p0 $0x100000, s0;
	[bflag:$0x2] =	sbarrier.arrive $0xFFFF  }
0x96: {  	[sflag:s0] =	ssyncadd.tile.s32 @!p0 $0x1;
	_ =	shalt  }
.Lfunc_end2:
_tile_overlayer_lowered:
.L_overlay_start_2:
0x97: {  	(tag) =	ssettag $0x2  }
0x98: {  	s0 =	rddreg [dreg:$0x0];
	s2 =	stileid.u32  }
0x99: {  	s1 =	rddreg [dreg:$0x1];
	p0 =	sne.s32 s2, $0x0  }
0x9a: {  	s3 =	rddreg [dreg:$0x2];
	[bflag:$0x3] =	sbarrier.arrive $0xFFFF;
	s2 =	simm.s32 @!p0 $0x1C05  }
0x9b: {  	[timem:s3], [sflag:s2] =	dma.local @!p0 [hbm:s0], s1  }
0x9c: {  	s0 =	simm.s32 @!p0 $0x5  }
0x9d: {  	_ =	swait.ge @!p0 [sflag:s0], s1  }
0x9e: {  	s1 =	ssub.s32 @!p0 $0x0, s1;
	[sflag:s0] =	ssyncset.done @!p0 $0x0  }
0x9f: {  	[sflag:s0] =	ssyncadd.s32 @!p0 s1  }
0xa0: {  	[bflag:$0x3] =	sbarrier.arrive $0xFFFF  }
0xa1: {  	_ =	shalt  }

</sc_bundles>
